<compile_context>
chip_gen: v7x
topology: tpu7x:2x2x1
jax: 0.10.2.dev20260603
libtpu: 0.0.44.dev20260713+nightly
codegen_flags: <defaults>
</compile_context>

<pallas_src>
import functools

import jax
import jax.numpy as jnp
from jax import lax
from jax.experimental import pallas as pl
from jax.experimental.pallas import tpu as pltpu
from jax.experimental.pallas import tpu_sc as plsc

B = 16384
L = 50
DIM = 128
NUM_CLASS = 1000

NC = 2
NS = 16
NW = NC * NS

NBUF = 4
FLUSH_T = 4

BM = 2048
CH = 1
BC = B // CH


def _sc_pool(idx2, table):
    g_per_w = BC // NW
    nt = g_per_w // NBUF
    mesh = plsc.VectorSubcoreMesh(core_axis_name="c", subcore_axis_name="s")

    @functools.partial(
        pl.kernel,
        out_type=jax.ShapeDtypeStruct((BC, 2 * DIM), jnp.float32),
        mesh=mesh,
        scratch_types=[
            pltpu.VMEM((g_per_w, 2 * L), jnp.int32),
            pltpu.VMEM((NBUF, 2 * L, DIM), jnp.float32),
            pltpu.VMEM((NBUF * FLUSH_T, 2 * DIM), jnp.float32),
            pltpu.SemaphoreType.DMA((NBUF,)),
        ],
    )
    def sc_pool(idx_hbm, table_hbm, out_hbm, idx_v, bufs, out_v, sems):
        wid = lax.axis_index("s") * NC + lax.axis_index("c")
        g0 = wid * g_per_w
        row0 = wid * g_per_w

        pltpu.sync_copy(idx_hbm.at[pl.ds(g0, g_per_w)], idx_v)

        def fire(g, b):
            pltpu.make_async_copy(
                table_hbm.at[idx_v.at[g]], bufs.at[b], sems.at[b]
            ).start()

        def drain(g, b):
            pltpu.make_async_copy(
                table_hbm.at[idx_v.at[g]], bufs.at[b], sems.at[b]
            ).wait()

        for b in range(NBUF):
            fire(b, b)

        def outer(t, carry):
            for b in range(NBUF):
                g = t * NBUF + b
                drain(g, b)
                lr = (t % FLUSH_T) * NBUF + b
                for j in range(2):
                    def body(r, accs):
                        row = j * L + 2 * r
                        return tuple(
                            accs[k]
                            + bufs[b, row, pl.ds(k * 16, 16)]
                            + bufs[b, row + 1, pl.ds(k * 16, 16)]
                            for k in range(8)
                        )

                    accs = lax.fori_loop(
                        0, L // 2, body,
                        tuple(jnp.zeros((16,), jnp.float32) for _ in range(8)),
                    )
                    for k in range(8):
                        out_v[lr, pl.ds(j * DIM + k * 16, 16)] = accs[k]

                @pl.when(t + 1 < nt)
                def _():
                    fire(g + NBUF, b)

            @pl.when(t % FLUSH_T == FLUSH_T - 1)
            def _():
                base = pl.multiple_of(
                    row0 + (t // FLUSH_T) * (NBUF * FLUSH_T), NBUF * FLUSH_T)
                pltpu.sync_copy(
                    out_v, out_hbm.at[pl.ds(base, NBUF * FLUSH_T)]
                )

            return carry

        lax.fori_loop(0, nt, outer, 0)

    return sc_pool(idx2, table)


def _mlp_body(*refs):
    (pooled_ref, head_ref, tail_ref, lab_ref, W1_ref, b1_ref,
     W2_ref, b2_ref) = refs[:8]
    logits_ref, loss_ref = refs[-2:]
    i = pl.program_id(0)
    pooled = pooled_ref[...]
    hc = jnp.sum((head_ref[...] != 0).astype(jnp.int32), axis=1,
                 keepdims=True).astype(jnp.float32)
    tc = jnp.sum((tail_ref[...] != 0).astype(jnp.int32), axis=1,
                 keepdims=True).astype(jnp.float32)
    x = jnp.concatenate([pooled[:, :DIM] / hc, pooled[:, DIM:] / tc],
                        axis=1)
    h = jnp.maximum(
        jnp.dot(x, W1_ref[...], preferred_element_type=jnp.float32)
        + b1_ref[...], 0.0)
    logits = jnp.dot(h, W2_ref[...],
                     preferred_element_type=jnp.float32) + b2_ref[...]
    logits_ref[...] = logits
    m = jnp.max(logits, axis=1, keepdims=True)
    lse = jnp.log(jnp.sum(jnp.exp(logits - m), axis=1, keepdims=True)) + m
    cls = lax.broadcasted_iota(jnp.int32, logits.shape, 1)
    picked = jnp.sum(jnp.where(cls == lab_ref[...], logits, 0.0), axis=1,
                     keepdims=True)
    nll = lse - picked

    @pl.when(i == 0)
    def _():
        loss_ref[...] = jnp.zeros_like(loss_ref)

    loss_ref[...] += (jnp.sum(nll) * (1.0 / B)).reshape(1, 1)


def _mlp(pooled, head, tail, labels_col, W1, b1, W2, b2, base, prev=None):
    grid = (BC // BM,)
    in_specs = [
        pl.BlockSpec((BM, 2 * DIM), lambda i: (i, 0)),
        pl.BlockSpec((BM, L), lambda i: (i, 0)),
        pl.BlockSpec((BM, L), lambda i: (i, 0)),
        pl.BlockSpec((BM, 1), lambda i: (i, 0)),
        pl.BlockSpec((2 * DIM, DIM), lambda i: (0, 0)),
        pl.BlockSpec((1, DIM), lambda i: (0, 0)),
        pl.BlockSpec((DIM, NUM_CLASS), lambda i: (0, 0)),
        pl.BlockSpec((1, NUM_CLASS), lambda i: (0, 0)),
    ]
    args = [pooled, head, tail, labels_col, W1, b1, W2, b2]
    aliases = {}
    if prev is not None:
        in_specs.append(pl.BlockSpec((BM, NUM_CLASS), lambda i: (0, 0)))
        args.append(prev)
        aliases = {8: 0}
    return pl.pallas_call(
        _mlp_body,
        grid=grid,
        in_specs=in_specs,
        out_specs=[
            pl.BlockSpec((BM, NUM_CLASS), lambda i, base=base: (base + i, 0)),
            pl.BlockSpec((1, 1), lambda i: (0, 0)),
        ],
        out_shape=[
            jax.ShapeDtypeStruct((B, NUM_CLASS), jnp.float32),
            jax.ShapeDtypeStruct((1, 1), jnp.float32),
        ],
        input_output_aliases=aliases,
    )(*args)


def kernel(head, tail, labels, emb_table, W1, b1, W2, b2):
    head = head.astype(jnp.int32)
    tail = tail.astype(jnp.int32)
    labels_col = labels.reshape(B, 1)
    b1r = b1.reshape(1, DIM)
    b2r = b2.reshape(1, NUM_CLASS)
    idx2 = jnp.concatenate([head, tail], axis=1)

    pooled = [_sc_pool(idx2[c * BC:(c + 1) * BC], emb_table)
              for c in range(CH)]
    logits = None
    loss = jnp.float32(0.0)
    for c in range(CH):
        sl = slice(c * BC, (c + 1) * BC)
        logits, loss_c = _mlp(pooled[c], head[sl], tail[sl], labels_col[sl],
                              W1, b1r, W2, b2r, base=c * (BC // BM),
                              prev=logits)
        loss = loss + loss_c[0, 0]
    return logits, loss

# --- scband reference (transcript-rebuilt; emitter-appended) ---
"""Pipeline reference for scband-emb-model-24146306138346 (READ-ONLY COPY).

The authoritative reference and input builder live on the scoring server;
editing this copy changes nothing except your own understanding.
"""

import jax, jax.numpy as jnp
import numpy as np

VOCAB = 100000
DIM = 128
B = 16384
L = 50
NUM_CLASS = 1000
HID = 128
IN = 2 * DIM
PAD = 0


def setup_inputs(seed: int = 0) -> dict:
    key = jax.random.key(seed)
    ks = jax.random.split(key, 8)
    head = jax.random.randint(ks[0], (B, L), 0, VOCAB, dtype=jnp.int64 if jax.config.jax_enable_x64 else jnp.int32)
    tail = jax.random.randint(ks[1], (B, L), 0, VOCAB, dtype=jnp.int64 if jax.config.jax_enable_x64 else jnp.int32)
    labels = jax.random.randint(ks[2], (B,), 0, NUM_CLASS, dtype=jnp.int64 if jax.config.jax_enable_x64 else jnp.int32)
    emb_table = jax.random.normal(ks[3], (VOCAB, DIM), dtype=jnp.float32) * 0.02
    W1 = jax.random.normal(ks[4], (IN, HID), dtype=jnp.float32) * 0.05
    b1 = jnp.zeros((HID,), dtype=jnp.float32)
    W2 = jax.random.normal(ks[5], (HID, NUM_CLASS), dtype=jnp.float32) * 0.05
    b2 = jnp.zeros((NUM_CLASS,), dtype=jnp.float32)
    return {"head": head, "tail": tail, "labels": labels, "emb_table": emb_table,
            "W1": W1, "b1": b1, "W2": W2, "b2": b2}


def _avg_emb(table, ind):
    # emb(ind).sum(1) / ind.ne(padding_idx).sum(1)
    mask = (ind != PAD)
    gathered = jnp.take(table, ind, axis=0)          # [B, L, DIM] gather
    summed = gathered.sum(axis=1)                     # [B, DIM]
    denom = mask.sum(axis=1, keepdims=True).astype(jnp.float32)
    return summed / denom


def reference(head, tail, labels, emb_table, W1, b1, W2, b2):
    head_emb = _avg_emb(emb_table, head)
    tail_emb = _avg_emb(emb_table, tail)
    emb = jnp.concatenate([head_emb, tail_emb], axis=-1)  # [B, 256]
    # ff: Dropout(0) -> Linear -> ReLU -> Dropout(0)
    pred_repr = jax.nn.relu(emb @ W1 + b1)                 # [B, 128]
    logits = pred_repr @ W2 + b2                           # [B, 1000]
    # nn.CrossEntropyLoss (mean reduction)
    logp = jax.nn.log_softmax(logits, axis=-1)
    nll = -jnp.take_along_axis(logp, labels[:, None], axis=1)
    loss = nll.mean()
    return (logits, loss)

if __name__ == "__main__":
    import jax
    _d = setup_inputs()
    print(jax.jit(kernel)(*tuple(_d.values())))

</pallas_src>

<mosaic_0001>
#map = affine_map<(d0, d1) -> (0, 0)>
module attributes {stable_mosaic.version = 14 : i64} {
  func.func @sc_pool(%arg0: i32, %arg1: i32, %arg2: memref<16384x100xi32, #tpu.memory_space<hbm>>, %arg3: memref<100000x128xf32, #tpu.memory_space<hbm>>, %arg4: memref<16384x256xf32, #tpu.memory_space<hbm>>, %arg5: memref<512x100xi32, #tpu.memory_space<vmem>>, %arg6: memref<4x100x128xf32, #tpu.memory_space<vmem>>, %arg7: memref<16x256xf32, #tpu.memory_space<vmem>>, %arg8: memref<4x!tpu.dma_semaphore, #tpu.memory_space<semaphore_mem>>) attributes {dimension_semantics = [#tpu.dimension_semantics<core_parallel>, #tpu.dimension_semantics<subcore_parallel>], iteration_bounds = array<i64: 2, 16>, scalar_prefetch = 0 : i64, scratch_operands = 4 : i64, tpu.core_type = #tpu.core_type<sc_vector_subcore>, window_params = [{transform_indices = #map}, {transform_indices = #map}, {transform_indices = #map}]} {
    %mul3A = arith.constant 2 : i32
    %mul3A_0 = arith.muli %arg1, %mul3A : i32
    %add3A = arith.addi %mul3A_0, %arg0 : i32
    %mul3A_1 = arith.constant 512 : i32
    %mul3A_2 = arith.muli %add3A, %mul3A_1 : i32
    %mul3A_3 = arith.constant 512 : i32
    %mul3A_4 = arith.muli %add3A, %mul3A_3 : i32
    "tpu.region"() ({
      %run_scoped3A = tpu.sem_alloc : memref<!tpu.dma_semaphore, #tpu.memory_space<semaphore_mem>>
      %dma_start3A_69 = arith.constant 0 : i32
      %dma_start3A_70 = tpu.memref_slice %arg2[%mul3A_2, %dma_start3A_69] : memref<16384x100xi32, #tpu.memory_space<hbm>> -> memref<512x100xi32, #tpu.memory_space<hbm>>
      %dma_start3A_71 = arith.constant 0 : i32
      %dma_start3A_72 = tpu.memref_slice %arg2[%mul3A_2, %dma_start3A_71] : memref<16384x100xi32, #tpu.memory_space<hbm>> -> memref<512x100xi32, #tpu.memory_space<hbm>>
      tpu.enqueue_dma source(%dma_start3A_72 : memref<512x100xi32, #tpu.memory_space<hbm>>) target(%arg5 : memref<512x100xi32, #tpu.memory_space<vmem>>) target_semaphore(%run_scoped3A : memref<!tpu.dma_semaphore, #tpu.memory_space<semaphore_mem>>)
      %dma_wait3A = arith.constant 0 : i32
      %dma_wait3A_73 = tpu.memref_slice %arg2[%mul3A_2, %dma_wait3A] : memref<16384x100xi32, #tpu.memory_space<hbm>> -> memref<512x100xi32, #tpu.memory_space<hbm>>
      %dma_wait3A_74 = arith.constant 0 : i32
      %dma_wait3A_75 = tpu.memref_slice %arg2[%mul3A_2, %dma_wait3A_74] : memref<16384x100xi32, #tpu.memory_space<hbm>> -> memref<512x100xi32, #tpu.memory_space<hbm>>
      tpu.wait_dma2 semaphore(%run_scoped3A : memref<!tpu.dma_semaphore, #tpu.memory_space<semaphore_mem>>) src(%dma_wait3A_75 : memref<512x100xi32, #tpu.memory_space<hbm>>) dst(%arg5 : memref<512x100xi32, #tpu.memory_space<vmem>>)
      tpu.yield
    }) : () -> ()
    %dma_start3A = arith.constant 0 : i32
    %dma_start3A_5 = arith.constant 0 : i32
    %dma_start3A_6 = arith.constant 0 : i32
    %dma_start3A_7 = arith.constant 0 : i32
    %dma_start3A_8 = arith.constant 0 : i32
    %dma_start3A_9 = tpu.memref_slice %arg6[%dma_start3A_5, %dma_start3A_7, %dma_start3A_8] : memref<4x100x128xf32, #tpu.memory_space<vmem>> -> memref<1x100x128xf32, #tpu.memory_space<vmem>>
    %dma_start3A_10 = tpu.memref_squeeze %dma_start3A_9 : memref<1x100x128xf32, #tpu.memory_space<vmem>> -> memref<100x128xf32, #tpu.memory_space<vmem>>
    %dma_start3A_11 = arith.constant 0 : i32
    %dma_start3A_12 = tpu.memref_slice %arg5[%dma_start3A, %dma_start3A_11] : memref<512x100xi32, #tpu.memory_space<vmem>> -> memref<1x100xi32, #tpu.memory_space<vmem>>
    %dma_start3A_13 = tpu.memref_squeeze %dma_start3A_12 : memref<1x100xi32, #tpu.memory_space<vmem>> -> memref<100xi32, #tpu.memory_space<vmem>>
    %dma_start3A_14 = arith.constant 0 : i32
    %dma_start3A_15 = arith.constant 0 : i32
    %dma_start3A_16 = tpu.memref_slice %arg3[%dma_start3A_14, %dma_start3A_15] : memref<100000x128xf32, #tpu.memory_space<hbm>> -> memref<100000x128xf32, #tpu.memory_space<hbm>>
    %dma_start3A_17 = tpu.memref_slice %arg8[%dma_start3A_6] : memref<4x!tpu.dma_semaphore, #tpu.memory_space<semaphore_mem>> -> memref<1x!tpu.dma_semaphore, #tpu.memory_space<semaphore_mem>>
    %dma_start3A_18 = tpu.memref_squeeze %dma_start3A_17 : memref<1x!tpu.dma_semaphore, #tpu.memory_space<semaphore_mem>> -> memref<!tpu.dma_semaphore, #tpu.memory_space<semaphore_mem>>
    tpu.enqueue_indirect_dma source(%dma_start3A_16 : memref<100000x128xf32, #tpu.memory_space<hbm>>) target(%dma_start3A_10 : memref<100x128xf32, #tpu.memory_space<vmem>>) offsets(%dma_start3A_13 : memref<100xi32, #tpu.memory_space<vmem>>) semaphore(%dma_start3A_18 : memref<!tpu.dma_semaphore, #tpu.memory_space<semaphore_mem>>)
    %dma_start3A_19 = arith.constant 1 : i32
    %dma_start3A_20 = arith.constant 1 : i32
    %dma_start3A_21 = arith.constant 1 : i32
    %dma_start3A_22 = arith.constant 0 : i32
    %dma_start3A_23 = arith.constant 0 : i32
    %dma_start3A_24 = tpu.memref_slice %arg6[%dma_start3A_20, %dma_start3A_22, %dma_start3A_23] : memref<4x100x128xf32, #tpu.memory_space<vmem>> -> memref<1x100x128xf32, #tpu.memory_space<vmem>>
    %dma_start3A_25 = tpu.memref_squeeze %dma_start3A_24 : memref<1x100x128xf32, #tpu.memory_space<vmem>> -> memref<100x128xf32, #tpu.memory_space<vmem>>
    %dma_start3A_26 = arith.constant 0 : i32
    %dma_start3A_27 = tpu.memref_slice %arg5[%dma_start3A_19, %dma_start3A_26] : memref<512x100xi32, #tpu.memory_space<vmem>> -> memref<1x100xi32, #tpu.memory_space<vmem>>
    %dma_start3A_28 = tpu.memref_squeeze %dma_start3A_27 : memref<1x100xi32, #tpu.memory_space<vmem>> -> memref<100xi32, #tpu.memory_space<vmem>>
    %dma_start3A_29 = arith.constant 0 : i32
    %dma_start3A_30 = arith.constant 0 : i32
    %dma_start3A_31 = tpu.memref_slice %arg3[%dma_start3A_29, %dma_start3A_30] : memref<100000x128xf32, #tpu.memory_space<hbm>> -> memref<100000x128xf32, #tpu.memory_space<hbm>>
    %dma_start3A_32 = tpu.memref_slice %arg8[%dma_start3A_21] : memref<4x!tpu.dma_semaphore, #tpu.memory_space<semaphore_mem>> -> memref<1x!tpu.dma_semaphore, #tpu.memory_space<semaphore_mem>>
    %dma_start3A_33 = tpu.memref_squeeze %dma_start3A_32 : memref<1x!tpu.dma_semaphore, #tpu.memory_space<semaphore_mem>> -> memref<!tpu.dma_semaphore, #tpu.memory_space<semaphore_mem>>
    tpu.enqueue_indirect_dma source(%dma_start3A_31 : memref<100000x128xf32, #tpu.memory_space<hbm>>) target(%dma_start3A_25 : memref<100x128xf32, #tpu.memory_space<vmem>>) offsets(%dma_start3A_28 : memref<100xi32, #tpu.memory_space<vmem>>) semaphore(%dma_start3A_33 : memref<!tpu.dma_semaphore, #tpu.memory_space<semaphore_mem>>)
    %dma_start3A_34 = arith.constant 2 : i32
    %dma_start3A_35 = arith.constant 2 : i32
    %dma_start3A_36 = arith.constant 2 : i32
    %dma_start3A_37 = arith.constant 0 : i32
    %dma_start3A_38 = arith.constant 0 : i32
    %dma_start3A_39 = tpu.memref_slice %arg6[%dma_start3A_35, %dma_start3A_37, %dma_start3A_38] : memref<4x100x128xf32, #tpu.memory_space<vmem>> -> memref<1x100x128xf32, #tpu.memory_space<vmem>>
    %dma_start3A_40 = tpu.memref_squeeze %dma_start3A_39 : memref<1x100x128xf32, #tpu.memory_space<vmem>> -> memref<100x128xf32, #tpu.memory_space<vmem>>
    %dma_start3A_41 = arith.constant 0 : i32
    %dma_start3A_42 = tpu.memref_slice %arg5[%dma_start3A_34, %dma_start3A_41] : memref<512x100xi32, #tpu.memory_space<vmem>> -> memref<1x100xi32, #tpu.memory_space<vmem>>
    %dma_start3A_43 = tpu.memref_squeeze %dma_start3A_42 : memref<1x100xi32, #tpu.memory_space<vmem>> -> memref<100xi32, #tpu.memory_space<vmem>>
    %dma_start3A_44 = arith.constant 0 : i32
    %dma_start3A_45 = arith.constant 0 : i32
    %dma_start3A_46 = tpu.memref_slice %arg3[%dma_start3A_44, %dma_start3A_45] : memref<100000x128xf32, #tpu.memory_space<hbm>> -> memref<100000x128xf32, #tpu.memory_space<hbm>>
    %dma_start3A_47 = tpu.memref_slice %arg8[%dma_start3A_36] : memref<4x!tpu.dma_semaphore, #tpu.memory_space<semaphore_mem>> -> memref<1x!tpu.dma_semaphore, #tpu.memory_space<semaphore_mem>>
    %dma_start3A_48 = tpu.memref_squeeze %dma_start3A_47 : memref<1x!tpu.dma_semaphore, #tpu.memory_space<semaphore_mem>> -> memref<!tpu.dma_semaphore, #tpu.memory_space<semaphore_mem>>
    tpu.enqueue_indirect_dma source(%dma_start3A_46 : memref<100000x128xf32, #tpu.memory_space<hbm>>) target(%dma_start3A_40 : memref<100x128xf32, #tpu.memory_space<vmem>>) offsets(%dma_start3A_43 : memref<100xi32, #tpu.memory_space<vmem>>) semaphore(%dma_start3A_48 : memref<!tpu.dma_semaphore, #tpu.memory_space<semaphore_mem>>)
    %dma_start3A_49 = arith.constant 3 : i32
    %dma_start3A_50 = arith.constant 3 : i32
    %dma_start3A_51 = arith.constant 3 : i32
    %dma_start3A_52 = arith.constant 0 : i32
    %dma_start3A_53 = arith.constant 0 : i32
    %dma_start3A_54 = tpu.memref_slice %arg6[%dma_start3A_50, %dma_start3A_52, %dma_start3A_53] : memref<4x100x128xf32, #tpu.memory_space<vmem>> -> memref<1x100x128xf32, #tpu.memory_space<vmem>>
    %dma_start3A_55 = tpu.memref_squeeze %dma_start3A_54 : memref<1x100x128xf32, #tpu.memory_space<vmem>> -> memref<100x128xf32, #tpu.memory_space<vmem>>
    %dma_start3A_56 = arith.constant 0 : i32
    %dma_start3A_57 = tpu.memref_slice %arg5[%dma_start3A_49, %dma_start3A_56] : memref<512x100xi32, #tpu.memory_space<vmem>> -> memref<1x100xi32, #tpu.memory_space<vmem>>
    %dma_start3A_58 = tpu.memref_squeeze %dma_start3A_57 : memref<1x100xi32, #tpu.memory_space<vmem>> -> memref<100xi32, #tpu.memory_space<vmem>>
    %dma_start3A_59 = arith.constant 0 : i32
    %dma_start3A_60 = arith.constant 0 : i32
    %dma_start3A_61 = tpu.memref_slice %arg3[%dma_start3A_59, %dma_start3A_60] : memref<100000x128xf32, #tpu.memory_space<hbm>> -> memref<100000x128xf32, #tpu.memory_space<hbm>>
    %dma_start3A_62 = tpu.memref_slice %arg8[%dma_start3A_51] : memref<4x!tpu.dma_semaphore, #tpu.memory_space<semaphore_mem>> -> memref<1x!tpu.dma_semaphore, #tpu.memory_space<semaphore_mem>>
    %dma_start3A_63 = tpu.memref_squeeze %dma_start3A_62 : memref<1x!tpu.dma_semaphore, #tpu.memory_space<semaphore_mem>> -> memref<!tpu.dma_semaphore, #tpu.memory_space<semaphore_mem>>
    tpu.enqueue_indirect_dma source(%dma_start3A_61 : memref<100000x128xf32, #tpu.memory_space<hbm>>) target(%dma_start3A_55 : memref<100x128xf32, #tpu.memory_space<vmem>>) offsets(%dma_start3A_58 : memref<100xi32, #tpu.memory_space<vmem>>) semaphore(%dma_start3A_63 : memref<!tpu.dma_semaphore, #tpu.memory_space<semaphore_mem>>)
    %scan3A = arith.constant 0 : i32
    %scan3A_64 = arith.constant 0 : i32
    %scan3A_65 = arith.constant 128 : i32
    %scan3A_66 = arith.addi %scan3A_64, %scan3A_65 : i32
    %scan3A_67 = arith.constant 1 : i32
    scf.for %scan3A_69 = %scan3A_64 to %scan3A_66 step %scan3A_67  : i32 {
      %mul3A_70 = arith.constant 4 : i32
      %mul3A_71 = arith.muli %scan3A_69, %mul3A_70 : i32
      %add3A_72 = arith.constant 0 : i32
      %add3A_73 = arith.addi %mul3A_71, %add3A_72 : i32
      %dma_wait3A = arith.constant 0 : i32
      %dma_wait3A_74 = arith.constant 0 : i32
      %dma_wait3A_75 = arith.constant 0 : i32
      %dma_wait3A_76 = arith.constant 0 : i32
      %dma_wait3A_77 = tpu.memref_slice %arg6[%dma_wait3A, %dma_wait3A_75, %dma_wait3A_76] : memref<4x100x128xf32, #tpu.memory_space<vmem>> -> memref<1x100x128xf32, #tpu.memory_space<vmem>>
      %dma_wait3A_78 = tpu.memref_squeeze %dma_wait3A_77 : memref<1x100x128xf32, #tpu.memory_space<vmem>> -> memref<100x128xf32, #tpu.memory_space<vmem>>
      %dma_wait3A_79 = arith.constant 0 : i32
      %dma_wait3A_80 = tpu.memref_slice %arg5[%add3A_73, %dma_wait3A_79] : memref<512x100xi32, #tpu.memory_space<vmem>> -> memref<1x100xi32, #tpu.memory_space<vmem>>
      %dma_wait3A_81 = tpu.memref_squeeze %dma_wait3A_80 : memref<1x100xi32, #tpu.memory_space<vmem>> -> memref<100xi32, #tpu.memory_space<vmem>>
      %dma_wait3A_82 = arith.constant 0 : i32
      %dma_wait3A_83 = arith.constant 0 : i32
      %dma_wait3A_84 = tpu.memref_slice %arg3[%dma_wait3A_82, %dma_wait3A_83] : memref<100000x128xf32, #tpu.memory_space<hbm>> -> memref<100000x128xf32, #tpu.memory_space<hbm>>
      %dma_wait3A_85 = tpu.memref_slice %arg8[%dma_wait3A_74] : memref<4x!tpu.dma_semaphore, #tpu.memory_space<semaphore_mem>> -> memref<1x!tpu.dma_semaphore, #tpu.memory_space<semaphore_mem>>
      %dma_wait3A_86 = tpu.memref_squeeze %dma_wait3A_85 : memref<1x!tpu.dma_semaphore, #tpu.memory_space<semaphore_mem>> -> memref<!tpu.dma_semaphore, #tpu.memory_space<semaphore_mem>>
      tpu.wait_indirect_dma semaphore(%dma_wait3A_86 : memref<!tpu.dma_semaphore, #tpu.memory_space<semaphore_mem>>) src(%dma_wait3A_84 : memref<100000x128xf32, #tpu.memory_space<hbm>>) dst(%dma_wait3A_78 : memref<100x128xf32, #tpu.memory_space<vmem>>)
      %jit3A = arith.constant 4 : i32
      %eq3A = arith.constant 0 : i32
      %eq3A_87 = arith.cmpi eq, %jit3A, %eq3A : i32
      %jit3A_88 = arith.constant 1 : i32
      %select_n3A = arith.select %eq3A_87, %jit3A_88, %jit3A : i32
      %rem3A = arith.remsi %scan3A_69, %select_n3A : i32
      %ne3A = arith.constant 0 : i32
      %ne3A_89 = arith.cmpi ne, %rem3A, %ne3A : i32
      %lt3A = arith.constant 0 : i32
      %lt3A_90 = arith.cmpi slt, %rem3A, %lt3A : i32
      %lt3A_91 = arith.constant 0 : i32
      %lt3A_92 = arith.cmpi slt, %select_n3A, %lt3A_91 : i32
      %ne3A_93 = arith.xori %lt3A_90, %lt3A_92 : i1
      %and3A = arith.andi %ne3A_93, %ne3A_89 : i1
      %add3A_94 = arith.addi %rem3A, %select_n3A : i32
      %select_n3A_95 = arith.select %and3A, %add3A_94, %rem3A : i32
      %mul3A_96 = arith.constant 4 : i32
      %mul3A_97 = arith.muli %select_n3A_95, %mul3A_96 : i32
      %add3A_98 = arith.constant 0 : i32
      %add3A_99 = arith.addi %mul3A_97, %add3A_98 : i32
      %broadcast_in_dim3A = arith.constant 0.000000e+00 : f32
      %broadcast_in_dim3A_100 = vector.broadcast %broadcast_in_dim3A : f32 to vector<16xf32>
      %broadcast_in_dim3A_101 = arith.constant 0.000000e+00 : f32
      %broadcast_in_dim3A_102 = vector.broadcast %broadcast_in_dim3A_101 : f32 to vector<16xf32>
      %broadcast_in_dim3A_103 = arith.constant 0.000000e+00 : f32
      %broadcast_in_dim3A_104 = vector.broadcast %broadcast_in_dim3A_103 : f32 to vector<16xf32>
      %broadcast_in_dim3A_105 = arith.constant 0.000000e+00 : f32
      %broadcast_in_dim3A_106 = vector.broadcast %broadcast_in_dim3A_105 : f32 to vector<16xf32>
      %broadcast_in_dim3A_107 = arith.constant 0.000000e+00 : f32
      %broadcast_in_dim3A_108 = vector.broadcast %broadcast_in_dim3A_107 : f32 to vector<16xf32>
      %broadcast_in_dim3A_109 = arith.constant 0.000000e+00 : f32
      %broadcast_in_dim3A_110 = vector.broadcast %broadcast_in_dim3A_109 : f32 to vector<16xf32>
      %broadcast_in_dim3A_111 = arith.constant 0.000000e+00 : f32
      %broadcast_in_dim3A_112 = vector.broadcast %broadcast_in_dim3A_111 : f32 to vector<16xf32>
      %broadcast_in_dim3A_113 = arith.constant 0.000000e+00 : f32
      %broadcast_in_dim3A_114 = vector.broadcast %broadcast_in_dim3A_113 : f32 to vector<16xf32>
      %scan3A_115 = arith.constant 0 : i32
      %scan3A_116 = arith.constant 25 : i32
      %scan3A_117 = arith.addi %scan3A_115, %scan3A_116 : i32
      %scan3A_118 = arith.constant 1 : i32
      %scan3A_119:8 = scf.for %scan3A_755 = %scan3A_115 to %scan3A_117 step %scan3A_118 iter_args(%scan3A_756 = %broadcast_in_dim3A_100, %scan3A_757 = %broadcast_in_dim3A_102, %scan3A_758 = %broadcast_in_dim3A_104, %scan3A_759 = %broadcast_in_dim3A_106, %scan3A_760 = %broadcast_in_dim3A_108, %scan3A_761 = %broadcast_in_dim3A_110, %scan3A_762 = %broadcast_in_dim3A_112, %scan3A_763 = %broadcast_in_dim3A_114) -> (vector<16xf32>, vector<16xf32>, vector<16xf32>, vector<16xf32>, vector<16xf32>, vector<16xf32>, vector<16xf32>, vector<16xf32>)  : i32 {
        %mul3A_764 = arith.constant 2 : i32
        %mul3A_765 = arith.muli %mul3A_764, %scan3A_755 : i32
        %add3A_766 = arith.constant 0 : i32
        %add3A_767 = arith.addi %add3A_766, %mul3A_765 : i32
        %get3A = arith.constant 0 : i32
        %get3A_768 = arith.index_cast %get3A : i32 to index
        %get3A_769 = arith.index_cast %add3A_767 : i32 to index
        %get3A_770 = arith.constant 0 : index
        %get3A_771 = tpu.vector_load %arg6[%get3A_768, %get3A_769, %get3A_770] {strides = array<i32>} : memref<4x100x128xf32, #tpu.memory_space<vmem>>, vector<1x1x16xf32>,
        %get3A_772 = vector.shape_cast %get3A_771 : vector<1x1x16xf32> to vector<16xf32>
        %add3A_773 = arith.addf %scan3A_756, %get3A_772 : vector<16xf32>
        %add3A_774 = arith.constant 1 : i32
        %add3A_775 = arith.addi %add3A_767, %add3A_774 : i32
        %get3A_776 = arith.constant 0 : i32
        %get3A_777 = arith.index_cast %get3A_776 : i32 to index
        %get3A_778 = arith.index_cast %add3A_775 : i32 to index
        %get3A_779 = arith.constant 0 : index
        %get3A_780 = tpu.vector_load %arg6[%get3A_777, %get3A_778, %get3A_779] {strides = array<i32>} : memref<4x100x128xf32, #tpu.memory_space<vmem>>, vector<1x1x16xf32>,
        %get3A_781 = vector.shape_cast %get3A_780 : vector<1x1x16xf32> to vector<16xf32>
        %add3A_782 = arith.addf %add3A_773, %get3A_781 : vector<16xf32>
        %get3A_783 = arith.constant 0 : i32
        %get3A_784 = arith.index_cast %get3A_783 : i32 to index
        %get3A_785 = arith.index_cast %add3A_767 : i32 to index
        %get3A_786 = arith.constant 16 : index
        %get3A_787 = tpu.vector_load %arg6[%get3A_784, %get3A_785, %get3A_786] {strides = array<i32>} : memref<4x100x128xf32, #tpu.memory_space<vmem>>, vector<1x1x16xf32>,
        %get3A_788 = vector.shape_cast %get3A_787 : vector<1x1x16xf32> to vector<16xf32>
        %add3A_789 = arith.addf %scan3A_757, %get3A_788 : vector<16xf32>
        %add3A_790 = arith.constant 1 : i32
        %add3A_791 = arith.addi %add3A_767, %add3A_790 : i32
        %get3A_792 = arith.constant 0 : i32
        %get3A_793 = arith.index_cast %get3A_792 : i32 to index
        %get3A_794 = arith.index_cast %add3A_791 : i32 to index
        %get3A_795 = arith.constant 16 : index
        %get3A_796 = tpu.vector_load %arg6[%get3A_793, %get3A_794, %get3A_795] {strides = array<i32>} : memref<4x100x128xf32, #tpu.memory_space<vmem>>, vector<1x1x16xf32>,
        %get3A_797 = vector.shape_cast %get3A_796 : vector<1x1x16xf32> to vector<16xf32>
        %add3A_798 = arith.addf %add3A_789, %get3A_797 : vector<16xf32>
        %get3A_799 = arith.constant 0 : i32
        %get3A_800 = arith.index_cast %get3A_799 : i32 to index
        %get3A_801 = arith.index_cast %add3A_767 : i32 to index
        %get3A_802 = arith.constant 32 : index
        %get3A_803 = tpu.vector_load %arg6[%get3A_800, %get3A_801, %get3A_802] {strides = array<i32>} : memref<4x100x128xf32, #tpu.memory_space<vmem>>, vector<1x1x16xf32>,
        %get3A_804 = vector.shape_cast %get3A_803 : vector<1x1x16xf32> to vector<16xf32>
        %add3A_805 = arith.addf %scan3A_758, %get3A_804 : vector<16xf32>
        %add3A_806 = arith.constant 1 : i32
        %add3A_807 = arith.addi %add3A_767, %add3A_806 : i32
        %get3A_808 = arith.constant 0 : i32
        %get3A_809 = arith.index_cast %get3A_808 : i32 to index
        %get3A_810 = arith.index_cast %add3A_807 : i32 to index
        %get3A_811 = arith.constant 32 : index
        %get3A_812 = tpu.vector_load %arg6[%get3A_809, %get3A_810, %get3A_811] {strides = array<i32>} : memref<4x100x128xf32, #tpu.memory_space<vmem>>, vector<1x1x16xf32>,
        %get3A_813 = vector.shape_cast %get3A_812 : vector<1x1x16xf32> to vector<16xf32>
        %add3A_814 = arith.addf %add3A_805, %get3A_813 : vector<16xf32>
        %get3A_815 = arith.constant 0 : i32
        %get3A_816 = arith.index_cast %get3A_815 : i32 to index
        %get3A_817 = arith.index_cast %add3A_767 : i32 to index
        %get3A_818 = arith.constant 48 : index
        %get3A_819 = tpu.vector_load %arg6[%get3A_816, %get3A_817, %get3A_818] {strides = array<i32>} : memref<4x100x128xf32, #tpu.memory_space<vmem>>, vector<1x1x16xf32>,
        %get3A_820 = vector.shape_cast %get3A_819 : vector<1x1x16xf32> to vector<16xf32>
        %add3A_821 = arith.addf %scan3A_759, %get3A_820 : vector<16xf32>
        %add3A_822 = arith.constant 1 : i32
        %add3A_823 = arith.addi %add3A_767, %add3A_822 : i32
        %get3A_824 = arith.constant 0 : i32
        %get3A_825 = arith.index_cast %get3A_824 : i32 to index
        %get3A_826 = arith.index_cast %add3A_823 : i32 to index
        %get3A_827 = arith.constant 48 : index
        %get3A_828 = tpu.vector_load %arg6[%get3A_825, %get3A_826, %get3A_827] {strides = array<i32>} : memref<4x100x128xf32, #tpu.memory_space<vmem>>, vector<1x1x16xf32>,
        %get3A_829 = vector.shape_cast %get3A_828 : vector<1x1x16xf32> to vector<16xf32>
        %add3A_830 = arith.addf %add3A_821, %get3A_829 : vector<16xf32>
        %get3A_831 = arith.constant 0 : i32
        %get3A_832 = arith.index_cast %get3A_831 : i32 to index
        %get3A_833 = arith.index_cast %add3A_767 : i32 to index
        %get3A_834 = arith.constant 64 : index
        %get3A_835 = tpu.vector_load %arg6[%get3A_832, %get3A_833, %get3A_834] {strides = array<i32>} : memref<4x100x128xf32, #tpu.memory_space<vmem>>, vector<1x1x16xf32>,
        %get3A_836 = vector.shape_cast %get3A_835 : vector<1x1x16xf32> to vector<16xf32>
        %add3A_837 = arith.addf %scan3A_760, %get3A_836 : vector<16xf32>
        %add3A_838 = arith.constant 1 : i32
        %add3A_839 = arith.addi %add3A_767, %add3A_838 : i32
        %get3A_840 = arith.constant 0 : i32
        %get3A_841 = arith.index_cast %get3A_840 : i32 to index
        %get3A_842 = arith.index_cast %add3A_839 : i32 to index
        %get3A_843 = arith.constant 64 : index
        %get3A_844 = tpu.vector_load %arg6[%get3A_841, %get3A_842, %get3A_843] {strides = array<i32>} : memref<4x100x128xf32, #tpu.memory_space<vmem>>, vector<1x1x16xf32>,
        %get3A_845 = vector.shape_cast %get3A_844 : vector<1x1x16xf32> to vector<16xf32>
        %add3A_846 = arith.addf %add3A_837, %get3A_845 : vector<16xf32>
        %get3A_847 = arith.constant 0 : i32
        %get3A_848 = arith.index_cast %get3A_847 : i32 to index
        %get3A_849 = arith.index_cast %add3A_767 : i32 to index
        %get3A_850 = arith.constant 80 : index
        %get3A_851 = tpu.vector_load %arg6[%get3A_848, %get3A_849, %get3A_850] {strides = array<i32>} : memref<4x100x128xf32, #tpu.memory_space<vmem>>, vector<1x1x16xf32>,
        %get3A_852 = vector.shape_cast %get3A_851 : vector<1x1x16xf32> to vector<16xf32>
        %add3A_853 = arith.addf %scan3A_761, %get3A_852 : vector<16xf32>
        %add3A_854 = arith.constant 1 : i32
        %add3A_855 = arith.addi %add3A_767, %add3A_854 : i32
        %get3A_856 = arith.constant 0 : i32
        %get3A_857 = arith.index_cast %get3A_856 : i32 to index
        %get3A_858 = arith.index_cast %add3A_855 : i32 to index
        %get3A_859 = arith.constant 80 : index
        %get3A_860 = tpu.vector_load %arg6[%get3A_857, %get3A_858, %get3A_859] {strides = array<i32>} : memref<4x100x128xf32, #tpu.memory_space<vmem>>, vector<1x1x16xf32>,
        %get3A_861 = vector.shape_cast %get3A_860 : vector<1x1x16xf32> to vector<16xf32>
        %add3A_862 = arith.addf %add3A_853, %get3A_861 : vector<16xf32>
        %get3A_863 = arith.constant 0 : i32
        %get3A_864 = arith.index_cast %get3A_863 : i32 to index
        %get3A_865 = arith.index_cast %add3A_767 : i32 to index
        %get3A_866 = arith.constant 96 : index
        %get3A_867 = tpu.vector_load %arg6[%get3A_864, %get3A_865, %get3A_866] {strides = array<i32>} : memref<4x100x128xf32, #tpu.memory_space<vmem>>, vector<1x1x16xf32>,
        %get3A_868 = vector.shape_cast %get3A_867 : vector<1x1x16xf32> to vector<16xf32>
        %add3A_869 = arith.addf %scan3A_762, %get3A_868 : vector<16xf32>
        %add3A_870 = arith.constant 1 : i32
        %add3A_871 = arith.addi %add3A_767, %add3A_870 : i32
        %get3A_872 = arith.constant 0 : i32
        %get3A_873 = arith.index_cast %get3A_872 : i32 to index
        %get3A_874 = arith.index_cast %add3A_871 : i32 to index
        %get3A_875 = arith.constant 96 : index
        %get3A_876 = tpu.vector_load %arg6[%get3A_873, %get3A_874, %get3A_875] {strides = array<i32>} : memref<4x100x128xf32, #tpu.memory_space<vmem>>, vector<1x1x16xf32>,
        %get3A_877 = vector.shape_cast %get3A_876 : vector<1x1x16xf32> to vector<16xf32>
        %add3A_878 = arith.addf %add3A_869, %get3A_877 : vector<16xf32>
        %get3A_879 = arith.constant 0 : i32
        %get3A_880 = arith.index_cast %get3A_879 : i32 to index
        %get3A_881 = arith.index_cast %add3A_767 : i32 to index
        %get3A_882 = arith.constant 112 : index
        %get3A_883 = tpu.vector_load %arg6[%get3A_880, %get3A_881, %get3A_882] {strides = array<i32>} : memref<4x100x128xf32, #tpu.memory_space<vmem>>, vector<1x1x16xf32>,
        %get3A_884 = vector.shape_cast %get3A_883 : vector<1x1x16xf32> to vector<16xf32>
        %add3A_885 = arith.addf %scan3A_763, %get3A_884 : vector<16xf32>
        %add3A_886 = arith.constant 1 : i32
        %add3A_887 = arith.addi %add3A_767, %add3A_886 : i32
        %get3A_888 = arith.constant 0 : i32
        %get3A_889 = arith.index_cast %get3A_888 : i32 to index
        %get3A_890 = arith.index_cast %add3A_887 : i32 to index
        %get3A_891 = arith.constant 112 : index
        %get3A_892 = tpu.vector_load %arg6[%get3A_889, %get3A_890, %get3A_891] {strides = array<i32>} : memref<4x100x128xf32, #tpu.memory_space<vmem>>, vector<1x1x16xf32>,
        %get3A_893 = vector.shape_cast %get3A_892 : vector<1x1x16xf32> to vector<16xf32>
        %add3A_894 = arith.addf %add3A_885, %get3A_893 : vector<16xf32>
        scf.yield %add3A_782, %add3A_798, %add3A_814, %add3A_830, %add3A_846, %add3A_862, %add3A_878, %add3A_894 : vector<16xf32>, vector<16xf32>, vector<16xf32>, vector<16xf32>, vector<16xf32>, vector<16xf32>, vector<16xf32>, vector<16xf32>
      }
      %scan3A_120 = arith.constant 25 : i32
      %swap3A = arith.index_cast %add3A_99 : i32 to index
      %swap3A_121 = arith.constant 0 : index
      %swap3A_122 = tpu.vector_load %arg7[%swap3A, %swap3A_121] {strides = array<i32>} : memref<16x256xf32, #tpu.memory_space<vmem>>, vector<1x16xf32>,
      %swap3A_123 = vector.shape_cast %swap3A_122 : vector<1x16xf32> to vector<16xf32>
      %swap3A_124 = vector.shape_cast %scan3A_119#0 : vector<16xf32> to vector<1x16xf32>
      tpu.vector_store %arg7[%swap3A, %swap3A_121], %swap3A_124 {strides = array<i32>} : memref<16x256xf32, #tpu.memory_space<vmem>>, vector<1x16xf32>,
      %swap3A_125 = arith.index_cast %add3A_99 : i32 to index
      %swap3A_126 = arith.constant 16 : index
      %swap3A_127 = tpu.vector_load %arg7[%swap3A_125, %swap3A_126] {strides = array<i32>} : memref<16x256xf32, #tpu.memory_space<vmem>>, vector<1x16xf32>,
      %swap3A_128 = vector.shape_cast %swap3A_127 : vector<1x16xf32> to vector<16xf32>
      %swap3A_129 = vector.shape_cast %scan3A_119#1 : vector<16xf32> to vector<1x16xf32>
      tpu.vector_store %arg7[%swap3A_125, %swap3A_126], %swap3A_129 {strides = array<i32>} : memref<16x256xf32, #tpu.memory_space<vmem>>, vector<1x16xf32>,
      %swap3A_130 = arith.index_cast %add3A_99 : i32 to index
      %swap3A_131 = arith.constant 32 : index
      %swap3A_132 = tpu.vector_load %arg7[%swap3A_130, %swap3A_131] {strides = array<i32>} : memref<16x256xf32, #tpu.memory_space<vmem>>, vector<1x16xf32>,
      %swap3A_133 = vector.shape_cast %swap3A_132 : vector<1x16xf32> to vector<16xf32>
      %swap3A_134 = vector.shape_cast %scan3A_119#2 : vector<16xf32> to vector<1x16xf32>
      tpu.vector_store %arg7[%swap3A_130, %swap3A_131], %swap3A_134 {strides = array<i32>} : memref<16x256xf32, #tpu.memory_space<vmem>>, vector<1x16xf32>,
      %swap3A_135 = arith.index_cast %add3A_99 : i32 to index
      %swap3A_136 = arith.constant 48 : index
      %swap3A_137 = tpu.vector_load %arg7[%swap3A_135, %swap3A_136] {strides = array<i32>} : memref<16x256xf32, #tpu.memory_space<vmem>>, vector<1x16xf32>,
      %swap3A_138 = vector.shape_cast %swap3A_137 : vector<1x16xf32> to vector<16xf32>
      %swap3A_139 = vector.shape_cast %scan3A_119#3 : vector<16xf32> to vector<1x16xf32>
      tpu.vector_store %arg7[%swap3A_135, %swap3A_136], %swap3A_139 {strides = array<i32>} : memref<16x256xf32, #tpu.memory_space<vmem>>, vector<1x16xf32>,
      %swap3A_140 = arith.index_cast %add3A_99 : i32 to index
      %swap3A_141 = arith.constant 64 : index
      %swap3A_142 = tpu.vector_load %arg7[%swap3A_140, %swap3A_141] {strides = array<i32>} : memref<16x256xf32, #tpu.memory_space<vmem>>, vector<1x16xf32>,
      %swap3A_143 = vector.shape_cast %swap3A_142 : vector<1x16xf32> to vector<16xf32>
      %swap3A_144 = vector.shape_cast %scan3A_119#4 : vector<16xf32> to vector<1x16xf32>
      tpu.vector_store %arg7[%swap3A_140, %swap3A_141], %swap3A_144 {strides = array<i32>} : memref<16x256xf32, #tpu.memory_space<vmem>>, vector<1x16xf32>,
      %swap3A_145 = arith.index_cast %add3A_99 : i32 to index
      %swap3A_146 = arith.constant 80 : index
      %swap3A_147 = tpu.vector_load %arg7[%swap3A_145, %swap3A_146] {strides = array<i32>} : memref<16x256xf32, #tpu.memory_space<vmem>>, vector<1x16xf32>,
      %swap3A_148 = vector.shape_cast %swap3A_147 : vector<1x16xf32> to vector<16xf32>
      %swap3A_149 = vector.shape_cast %scan3A_119#5 : vector<16xf32> to vector<1x16xf32>
      tpu.vector_store %arg7[%swap3A_145, %swap3A_146], %swap3A_149 {strides = array<i32>} : memref<16x256xf32, #tpu.memory_space<vmem>>, vector<1x16xf32>,
      %swap3A_150 = arith.index_cast %add3A_99 : i32 to index
      %swap3A_151 = arith.constant 96 : index
      %swap3A_152 = tpu.vector_load %arg7[%swap3A_150, %swap3A_151] {strides = array<i32>} : memref<16x256xf32, #tpu.memory_space<vmem>>, vector<1x16xf32>,
      %swap3A_153 = vector.shape_cast %swap3A_152 : vector<1x16xf32> to vector<16xf32>
      %swap3A_154 = vector.shape_cast %scan3A_119#6 : vector<16xf32> to vector<1x16xf32>
      tpu.vector_store %arg7[%swap3A_150, %swap3A_151], %swap3A_154 {strides = array<i32>} : memref<16x256xf32, #tpu.memory_space<vmem>>, vector<1x16xf32>,
      %swap3A_155 = arith.index_cast %add3A_99 : i32 to index
      %swap3A_156 = arith.constant 112 : index
      %swap3A_157 = tpu.vector_load %arg7[%swap3A_155, %swap3A_156] {strides = array<i32>} : memref<16x256xf32, #tpu.memory_space<vmem>>, vector<1x16xf32>,
      %swap3A_158 = vector.shape_cast %swap3A_157 : vector<1x16xf32> to vector<16xf32>
      %swap3A_159 = vector.shape_cast %scan3A_119#7 : vector<16xf32> to vector<1x16xf32>
      tpu.vector_store %arg7[%swap3A_155, %swap3A_156], %swap3A_159 {strides = array<i32>} : memref<16x256xf32, #tpu.memory_space<vmem>>, vector<1x16xf32>,
      %broadcast_in_dim3A_160 = arith.constant 0.000000e+00 : f32
      %broadcast_in_dim3A_161 = vector.broadcast %broadcast_in_dim3A_160 : f32 to vector<16xf32>
      %broadcast_in_dim3A_162 = arith.constant 0.000000e+00 : f32
      %broadcast_in_dim3A_163 = vector.broadcast %broadcast_in_dim3A_162 : f32 to vector<16xf32>
      %broadcast_in_dim3A_164 = arith.constant 0.000000e+00 : f32
      %broadcast_in_dim3A_165 = vector.broadcast %broadcast_in_dim3A_164 : f32 to vector<16xf32>
      %broadcast_in_dim3A_166 = arith.constant 0.000000e+00 : f32
      %broadcast_in_dim3A_167 = vector.broadcast %broadcast_in_dim3A_166 : f32 to vector<16xf32>
      %broadcast_in_dim3A_168 = arith.constant 0.000000e+00 : f32
      %broadcast_in_dim3A_169 = vector.broadcast %broadcast_in_dim3A_168 : f32 to vector<16xf32>
      %broadcast_in_dim3A_170 = arith.constant 0.000000e+00 : f32
      %broadcast_in_dim3A_171 = vector.broadcast %broadcast_in_dim3A_170 : f32 to vector<16xf32>
      %broadcast_in_dim3A_172 = arith.constant 0.000000e+00 : f32
      %broadcast_in_dim3A_173 = vector.broadcast %broadcast_in_dim3A_172 : f32 to vector<16xf32>
      %broadcast_in_dim3A_174 = arith.constant 0.000000e+00 : f32
      %broadcast_in_dim3A_175 = vector.broadcast %broadcast_in_dim3A_174 : f32 to vector<16xf32>
      %scan3A_176 = arith.constant 0 : i32
      %scan3A_177 = arith.constant 25 : i32
      %scan3A_178 = arith.addi %scan3A_176, %scan3A_177 : i32
      %scan3A_179 = arith.constant 1 : i32
      %scan3A_180:8 = scf.for %scan3A_755 = %scan3A_176 to %scan3A_178 step %scan3A_179 iter_args(%scan3A_756 = %broadcast_in_dim3A_161, %scan3A_757 = %broadcast_in_dim3A_163, %scan3A_758 = %broadcast_in_dim3A_165, %scan3A_759 = %broadcast_in_dim3A_167, %scan3A_760 = %broadcast_in_dim3A_169, %scan3A_761 = %broadcast_in_dim3A_171, %scan3A_762 = %broadcast_in_dim3A_173, %scan3A_763 = %broadcast_in_dim3A_175) -> (vector<16xf32>, vector<16xf32>, vector<16xf32>, vector<16xf32>, vector<16xf32>, vector<16xf32>, vector<16xf32>, vector<16xf32>)  : i32 {
        %mul3A_764 = arith.constant 2 : i32
        %mul3A_765 = arith.muli %mul3A_764, %scan3A_755 : i32
        %add3A_766 = arith.constant 50 : i32
        %add3A_767 = arith.addi %add3A_766, %mul3A_765 : i32
        %get3A = arith.constant 0 : i32
        %get3A_768 = arith.index_cast %get3A : i32 to index
        %get3A_769 = arith.index_cast %add3A_767 : i32 to index
        %get3A_770 = arith.constant 0 : index
        %get3A_771 = tpu.vector_load %arg6[%get3A_768, %get3A_769, %get3A_770] {strides = array<i32>} : memref<4x100x128xf32, #tpu.memory_space<vmem>>, vector<1x1x16xf32>,
        %get3A_772 = vector.shape_cast %get3A_771 : vector<1x1x16xf32> to vector<16xf32>
        %add3A_773 = arith.addf %scan3A_756, %get3A_772 : vector<16xf32>
        %add3A_774 = arith.constant 1 : i32
        %add3A_775 = arith.addi %add3A_767, %add3A_774 : i32
        %get3A_776 = arith.constant 0 : i32
        %get3A_777 = arith.index_cast %get3A_776 : i32 to index
        %get3A_778 = arith.index_cast %add3A_775 : i32 to index
        %get3A_779 = arith.constant 0 : index
        %get3A_780 = tpu.vector_load %arg6[%get3A_777, %get3A_778, %get3A_779] {strides = array<i32>} : memref<4x100x128xf32, #tpu.memory_space<vmem>>, vector<1x1x16xf32>,
        %get3A_781 = vector.shape_cast %get3A_780 : vector<1x1x16xf32> to vector<16xf32>
        %add3A_782 = arith.addf %add3A_773, %get3A_781 : vector<16xf32>
        %get3A_783 = arith.constant 0 : i32
        %get3A_784 = arith.index_cast %get3A_783 : i32 to index
        %get3A_785 = arith.index_cast %add3A_767 : i32 to index
        %get3A_786 = arith.constant 16 : index
        %get3A_787 = tpu.vector_load %arg6[%get3A_784, %get3A_785, %get3A_786] {strides = array<i32>} : memref<4x100x128xf32, #tpu.memory_space<vmem>>, vector<1x1x16xf32>,
        %get3A_788 = vector.shape_cast %get3A_787 : vector<1x1x16xf32> to vector<16xf32>
        %add3A_789 = arith.addf %scan3A_757, %get3A_788 : vector<16xf32>
        %add3A_790 = arith.constant 1 : i32
        %add3A_791 = arith.addi %add3A_767, %add3A_790 : i32
        %get3A_792 = arith.constant 0 : i32
        %get3A_793 = arith.index_cast %get3A_792 : i32 to index
        %get3A_794 = arith.index_cast %add3A_791 : i32 to index
        %get3A_795 = arith.constant 16 : index
        %get3A_796 = tpu.vector_load %arg6[%get3A_793, %get3A_794, %get3A_795] {strides = array<i32>} : memref<4x100x128xf32, #tpu.memory_space<vmem>>, vector<1x1x16xf32>,
        %get3A_797 = vector.shape_cast %get3A_796 : vector<1x1x16xf32> to vector<16xf32>
        %add3A_798 = arith.addf %add3A_789, %get3A_797 : vector<16xf32>
        %get3A_799 = arith.constant 0 : i32
        %get3A_800 = arith.index_cast %get3A_799 : i32 to index
        %get3A_801 = arith.index_cast %add3A_767 : i32 to index
        %get3A_802 = arith.constant 32 : index
        %get3A_803 = tpu.vector_load %arg6[%get3A_800, %get3A_801, %get3A_802] {strides = array<i32>} : memref<4x100x128xf32, #tpu.memory_space<vmem>>, vector<1x1x16xf32>,
        %get3A_804 = vector.shape_cast %get3A_803 : vector<1x1x16xf32> to vector<16xf32>
        %add3A_805 = arith.addf %scan3A_758, %get3A_804 : vector<16xf32>
        %add3A_806 = arith.constant 1 : i32
        %add3A_807 = arith.addi %add3A_767, %add3A_806 : i32
        %get3A_808 = arith.constant 0 : i32
        %get3A_809 = arith.index_cast %get3A_808 : i32 to index
        %get3A_810 = arith.index_cast %add3A_807 : i32 to index
        %get3A_811 = arith.constant 32 : index
        %get3A_812 = tpu.vector_load %arg6[%get3A_809, %get3A_810, %get3A_811] {strides = array<i32>} : memref<4x100x128xf32, #tpu.memory_space<vmem>>, vector<1x1x16xf32>,
        %get3A_813 = vector.shape_cast %get3A_812 : vector<1x1x16xf32> to vector<16xf32>
        %add3A_814 = arith.addf %add3A_805, %get3A_813 : vector<16xf32>
        %get3A_815 = arith.constant 0 : i32
        %get3A_816 = arith.index_cast %get3A_815 : i32 to index
        %get3A_817 = arith.index_cast %add3A_767 : i32 to index
        %get3A_818 = arith.constant 48 : index
        %get3A_819 = tpu.vector_load %arg6[%get3A_816, %get3A_817, %get3A_818] {strides = array<i32>} : memref<4x100x128xf32, #tpu.memory_space<vmem>>, vector<1x1x16xf32>,
        %get3A_820 = vector.shape_cast %get3A_819 : vector<1x1x16xf32> to vector<16xf32>
        %add3A_821 = arith.addf %scan3A_759, %get3A_820 : vector<16xf32>
        %add3A_822 = arith.constant 1 : i32
        %add3A_823 = arith.addi %add3A_767, %add3A_822 : i32
        %get3A_824 = arith.constant 0 : i32
        %get3A_825 = arith.index_cast %get3A_824 : i32 to index
        %get3A_826 = arith.index_cast %add3A_823 : i32 to index
        %get3A_827 = arith.constant 48 : index
        %get3A_828 = tpu.vector_load %arg6[%get3A_825, %get3A_826, %get3A_827] {strides = array<i32>} : memref<4x100x128xf32, #tpu.memory_space<vmem>>, vector<1x1x16xf32>,
        %get3A_829 = vector.shape_cast %get3A_828 : vector<1x1x16xf32> to vector<16xf32>
        %add3A_830 = arith.addf %add3A_821, %get3A_829 : vector<16xf32>
        %get3A_831 = arith.constant 0 : i32
        %get3A_832 = arith.index_cast %get3A_831 : i32 to index
        %get3A_833 = arith.index_cast %add3A_767 : i32 to index
        %get3A_834 = arith.constant 64 : index
        %get3A_835 = tpu.vector_load %arg6[%get3A_832, %get3A_833, %get3A_834] {strides = array<i32>} : memref<4x100x128xf32, #tpu.memory_space<vmem>>, vector<1x1x16xf32>,
        %get3A_836 = vector.shape_cast %get3A_835 : vector<1x1x16xf32> to vector<16xf32>
        %add3A_837 = arith.addf %scan3A_760, %get3A_836 : vector<16xf32>
        %add3A_838 = arith.constant 1 : i32
        %add3A_839 = arith.addi %add3A_767, %add3A_838 : i32
        %get3A_840 = arith.constant 0 : i32
        %get3A_841 = arith.index_cast %get3A_840 : i32 to index
        %get3A_842 = arith.index_cast %add3A_839 : i32 to index
        %get3A_843 = arith.constant 64 : index
        %get3A_844 = tpu.vector_load %arg6[%get3A_841, %get3A_842, %get3A_843] {strides = array<i32>} : memref<4x100x128xf32, #tpu.memory_space<vmem>>, vector<1x1x16xf32>,
        %get3A_845 = vector.shape_cast %get3A_844 : vector<1x1x16xf32> to vector<16xf32>
        %add3A_846 = arith.addf %add3A_837, %get3A_845 : vector<16xf32>
        %get3A_847 = arith.constant 0 : i32
        %get3A_848 = arith.index_cast %get3A_847 : i32 to index
        %get3A_849 = arith.index_cast %add3A_767 : i32 to index
        %get3A_850 = arith.constant 80 : index
        %get3A_851 = tpu.vector_load %arg6[%get3A_848, %get3A_849, %get3A_850] {strides = array<i32>} : memref<4x100x128xf32, #tpu.memory_space<vmem>>, vector<1x1x16xf32>,
        %get3A_852 = vector.shape_cast %get3A_851 : vector<1x1x16xf32> to vector<16xf32>
        %add3A_853 = arith.addf %scan3A_761, %get3A_852 : vector<16xf32>
        %add3A_854 = arith.constant 1 : i32
        %add3A_855 = arith.addi %add3A_767, %add3A_854 : i32
        %get3A_856 = arith.constant 0 : i32
        %get3A_857 = arith.index_cast %get3A_856 : i32 to index
        %get3A_858 = arith.index_cast %add3A_855 : i32 to index
        %get3A_859 = arith.constant 80 : index
        %get3A_860 = tpu.vector_load %arg6[%get3A_857, %get3A_858, %get3A_859] {strides = array<i32>} : memref<4x100x128xf32, #tpu.memory_space<vmem>>, vector<1x1x16xf32>,
        %get3A_861 = vector.shape_cast %get3A_860 : vector<1x1x16xf32> to vector<16xf32>
        %add3A_862 = arith.addf %add3A_853, %get3A_861 : vector<16xf32>
        %get3A_863 = arith.constant 0 : i32
        %get3A_864 = arith.index_cast %get3A_863 : i32 to index
        %get3A_865 = arith.index_cast %add3A_767 : i32 to index
        %get3A_866 = arith.constant 96 : index
        %get3A_867 = tpu.vector_load %arg6[%get3A_864, %get3A_865, %get3A_866] {strides = array<i32>} : memref<4x100x128xf32, #tpu.memory_space<vmem>>, vector<1x1x16xf32>,
        %get3A_868 = vector.shape_cast %get3A_867 : vector<1x1x16xf32> to vector<16xf32>
        %add3A_869 = arith.addf %scan3A_762, %get3A_868 : vector<16xf32>
        %add3A_870 = arith.constant 1 : i32
        %add3A_871 = arith.addi %add3A_767, %add3A_870 : i32
        %get3A_872 = arith.constant 0 : i32
        %get3A_873 = arith.index_cast %get3A_872 : i32 to index
        %get3A_874 = arith.index_cast %add3A_871 : i32 to index
        %get3A_875 = arith.constant 96 : index
        %get3A_876 = tpu.vector_load %arg6[%get3A_873, %get3A_874, %get3A_875] {strides = array<i32>} : memref<4x100x128xf32, #tpu.memory_space<vmem>>, vector<1x1x16xf32>,
        %get3A_877 = vector.shape_cast %get3A_876 : vector<1x1x16xf32> to vector<16xf32>
        %add3A_878 = arith.addf %add3A_869, %get3A_877 : vector<16xf32>
        %get3A_879 = arith.constant 0 : i32
        %get3A_880 = arith.index_cast %get3A_879 : i32 to index
        %get3A_881 = arith.index_cast %add3A_767 : i32 to index
        %get3A_882 = arith.constant 112 : index
        %get3A_883 = tpu.vector_load %arg6[%get3A_880, %get3A_881, %get3A_882] {strides = array<i32>} : memref<4x100x128xf32, #tpu.memory_space<vmem>>, vector<1x1x16xf32>,
        %get3A_884 = vector.shape_cast %get3A_883 : vector<1x1x16xf32> to vector<16xf32>
        %add3A_885 = arith.addf %scan3A_763, %get3A_884 : vector<16xf32>
        %add3A_886 = arith.constant 1 : i32
        %add3A_887 = arith.addi %add3A_767, %add3A_886 : i32
        %get3A_888 = arith.constant 0 : i32
        %get3A_889 = arith.index_cast %get3A_888 : i32 to index
        %get3A_890 = arith.index_cast %add3A_887 : i32 to index
        %get3A_891 = arith.constant 112 : index
        %get3A_892 = tpu.vector_load %arg6[%get3A_889, %get3A_890, %get3A_891] {strides = array<i32>} : memref<4x100x128xf32, #tpu.memory_space<vmem>>, vector<1x1x16xf32>,
        %get3A_893 = vector.shape_cast %get3A_892 : vector<1x1x16xf32> to vector<16xf32>
        %add3A_894 = arith.addf %add3A_885, %get3A_893 : vector<16xf32>
        scf.yield %add3A_782, %add3A_798, %add3A_814, %add3A_830, %add3A_846, %add3A_862, %add3A_878, %add3A_894 : vector<16xf32>, vector<16xf32>, vector<16xf32>, vector<16xf32>, vector<16xf32>, vector<16xf32>, vector<16xf32>, vector<16xf32>
      }
      %scan3A_181 = arith.constant 25 : i32
      %swap3A_182 = arith.index_cast %add3A_99 : i32 to index
      %swap3A_183 = arith.constant 128 : index
      %swap3A_184 = tpu.vector_load %arg7[%swap3A_182, %swap3A_183] {strides = array<i32>} : memref<16x256xf32, #tpu.memory_space<vmem>>, vector<1x16xf32>,
      %swap3A_185 = vector.shape_cast %swap3A_184 : vector<1x16xf32> to vector<16xf32>
      %swap3A_186 = vector.shape_cast %scan3A_180#0 : vector<16xf32> to vector<1x16xf32>
      tpu.vector_store %arg7[%swap3A_182, %swap3A_183], %swap3A_186 {strides = array<i32>} : memref<16x256xf32, #tpu.memory_space<vmem>>, vector<1x16xf32>,
      %swap3A_187 = arith.index_cast %add3A_99 : i32 to index
      %swap3A_188 = arith.constant 144 : index
      %swap3A_189 = tpu.vector_load %arg7[%swap3A_187, %swap3A_188] {strides = array<i32>} : memref<16x256xf32, #tpu.memory_space<vmem>>, vector<1x16xf32>,
      %swap3A_190 = vector.shape_cast %swap3A_189 : vector<1x16xf32> to vector<16xf32>
      %swap3A_191 = vector.shape_cast %scan3A_180#1 : vector<16xf32> to vector<1x16xf32>
      tpu.vector_store %arg7[%swap3A_187, %swap3A_188], %swap3A_191 {strides = array<i32>} : memref<16x256xf32, #tpu.memory_space<vmem>>, vector<1x16xf32>,
      %swap3A_192 = arith.index_cast %add3A_99 : i32 to index
      %swap3A_193 = arith.constant 160 : index
      %swap3A_194 = tpu.vector_load %arg7[%swap3A_192, %swap3A_193] {strides = array<i32>} : memref<16x256xf32, #tpu.memory_space<vmem>>, vector<1x16xf32>,
      %swap3A_195 = vector.shape_cast %swap3A_194 : vector<1x16xf32> to vector<16xf32>
      %swap3A_196 = vector.shape_cast %scan3A_180#2 : vector<16xf32> to vector<1x16xf32>
      tpu.vector_store %arg7[%swap3A_192, %swap3A_193], %swap3A_196 {strides = array<i32>} : memref<16x256xf32, #tpu.memory_space<vmem>>, vector<1x16xf32>,
      %swap3A_197 = arith.index_cast %add3A_99 : i32 to index
      %swap3A_198 = arith.constant 176 : index
      %swap3A_199 = tpu.vector_load %arg7[%swap3A_197, %swap3A_198] {strides = array<i32>} : memref<16x256xf32, #tpu.memory_space<vmem>>, vector<1x16xf32>,
      %swap3A_200 = vector.shape_cast %swap3A_199 : vector<1x16xf32> to vector<16xf32>
      %swap3A_201 = vector.shape_cast %scan3A_180#3 : vector<16xf32> to vector<1x16xf32>
      tpu.vector_store %arg7[%swap3A_197, %swap3A_198], %swap3A_201 {strides = array<i32>} : memref<16x256xf32, #tpu.memory_space<vmem>>, vector<1x16xf32>,
      %swap3A_202 = arith.index_cast %add3A_99 : i32 to index
      %swap3A_203 = arith.constant 192 : index
      %swap3A_204 = tpu.vector_load %arg7[%swap3A_202, %swap3A_203] {strides = array<i32>} : memref<16x256xf32, #tpu.memory_space<vmem>>, vector<1x16xf32>,
      %swap3A_205 = vector.shape_cast %swap3A_204 : vector<1x16xf32> to vector<16xf32>
      %swap3A_206 = vector.shape_cast %scan3A_180#4 : vector<16xf32> to vector<1x16xf32>
      tpu.vector_store %arg7[%swap3A_202, %swap3A_203], %swap3A_206 {strides = array<i32>} : memref<16x256xf32, #tpu.memory_space<vmem>>, vector<1x16xf32>,
      %swap3A_207 = arith.index_cast %add3A_99 : i32 to index
      %swap3A_208 = arith.constant 208 : index
      %swap3A_209 = tpu.vector_load %arg7[%swap3A_207, %swap3A_208] {strides = array<i32>} : memref<16x256xf32, #tpu.memory_space<vmem>>, vector<1x16xf32>,
      %swap3A_210 = vector.shape_cast %swap3A_209 : vector<1x16xf32> to vector<16xf32>
      %swap3A_211 = vector.shape_cast %scan3A_180#5 : vector<16xf32> to vector<1x16xf32>
      tpu.vector_store %arg7[%swap3A_207, %swap3A_208], %swap3A_211 {strides = array<i32>} : memref<16x256xf32, #tpu.memory_space<vmem>>, vector<1x16xf32>,
      %swap3A_212 = arith.index_cast %add3A_99 : i32 to index
      %swap3A_213 = arith.constant 224 : index
      %swap3A_214 = tpu.vector_load %arg7[%swap3A_212, %swap3A_213] {strides = array<i32>} : memref<16x256xf32, #tpu.memory_space<vmem>>, vector<1x16xf32>,
      %swap3A_215 = vector.shape_cast %swap3A_214 : vector<1x16xf32> to vector<16xf32>
      %swap3A_216 = vector.shape_cast %scan3A_180#6 : vector<16xf32> to vector<1x16xf32>
      tpu.vector_store %arg7[%swap3A_212, %swap3A_213], %swap3A_216 {strides = array<i32>} : memref<16x256xf32, #tpu.memory_space<vmem>>, vector<1x16xf32>,
      %swap3A_217 = arith.index_cast %add3A_99 : i32 to index
      %swap3A_218 = arith.constant 240 : index
      %swap3A_219 = tpu.vector_load %arg7[%swap3A_217, %swap3A_218] {strides = array<i32>} : memref<16x256xf32, #tpu.memory_space<vmem>>, vector<1x16xf32>,
      %swap3A_220 = vector.shape_cast %swap3A_219 : vector<1x16xf32> to vector<16xf32>
      %swap3A_221 = vector.shape_cast %scan3A_180#7 : vector<16xf32> to vector<1x16xf32>
      tpu.vector_store %arg7[%swap3A_217, %swap3A_218], %swap3A_221 {strides = array<i32>} : memref<16x256xf32, #tpu.memory_space<vmem>>, vector<1x16xf32>,
      %add3A_222 = arith.constant 1 : i32
      %add3A_223 = arith.addi %scan3A_69, %add3A_222 : i32
      %lt3A_224 = arith.constant 128 : i32
      %lt3A_225 = arith.cmpi slt, %add3A_223, %lt3A_224 : i32
      %convert_element_type3A = arith.extui %lt3A_225 : i1 to i32
      %cond3A = arith.constant 0 : i32
      %cond3A_226 = arith.cmpi ne, %convert_element_type3A, %cond3A : i32
      scf.if %cond3A_226 {
        %add3A_755 = arith.constant 4 : i32
        %add3A_756 = arith.addi %add3A_73, %add3A_755 : i32
        %dma_start3A_757 = arith.constant 0 : i32
        %dma_start3A_758 = arith.constant 0 : i32
        %dma_start3A_759 = arith.constant 0 : i32
        %dma_start3A_760 = arith.constant 0 : i32
        %dma_start3A_761 = tpu.memref_slice %arg6[%dma_start3A_757, %dma_start3A_759, %dma_start3A_760] : memref<4x100x128xf32, #tpu.memory_space<vmem>> -> memref<1x100x128xf32, #tpu.memory_space<vmem>>
        %dma_start3A_762 = tpu.memref_squeeze %dma_start3A_761 : memref<1x100x128xf32, #tpu.memory_space<vmem>> -> memref<100x128xf32, #tpu.memory_space<vmem>>
        %dma_start3A_763 = arith.constant 0 : i32
        %dma_start3A_764 = tpu.memref_slice %arg5[%add3A_756, %dma_start3A_763] : memref<512x100xi32, #tpu.memory_space<vmem>> -> memref<1x100xi32, #tpu.memory_space<vmem>>
        %dma_start3A_765 = tpu.memref_squeeze %dma_start3A_764 : memref<1x100xi32, #tpu.memory_space<vmem>> -> memref<100xi32, #tpu.memory_space<vmem>>
        %dma_start3A_766 = arith.constant 0 : i32
        %dma_start3A_767 = arith.constant 0 : i32
        %dma_start3A_768 = tpu.memref_slice %arg3[%dma_start3A_766, %dma_start3A_767] : memref<100000x128xf32, #tpu.memory_space<hbm>> -> memref<100000x128xf32, #tpu.memory_space<hbm>>
        %dma_start3A_769 = tpu.memref_slice %arg8[%dma_start3A_758] : memref<4x!tpu.dma_semaphore, #tpu.memory_space<semaphore_mem>> -> memref<1x!tpu.dma_semaphore, #tpu.memory_space<semaphore_mem>>
        %dma_start3A_770 = tpu.memref_squeeze %dma_start3A_769 : memref<1x!tpu.dma_semaphore, #tpu.memory_space<semaphore_mem>> -> memref<!tpu.dma_semaphore, #tpu.memory_space<semaphore_mem>>
        tpu.enqueue_indirect_dma source(%dma_start3A_768 : memref<100000x128xf32, #tpu.memory_space<hbm>>) target(%dma_start3A_762 : memref<100x128xf32, #tpu.memory_space<vmem>>) offsets(%dma_start3A_765 : memref<100xi32, #tpu.memory_space<vmem>>) semaphore(%dma_start3A_770 : memref<!tpu.dma_semaphore, #tpu.memory_space<semaphore_mem>>)
      } else {
      }
      %mul3A_227 = arith.constant 4 : i32
      %mul3A_228 = arith.muli %scan3A_69, %mul3A_227 : i32
      %add3A_229 = arith.constant 1 : i32
      %add3A_230 = arith.addi %mul3A_228, %add3A_229 : i32
      %dma_wait3A_231 = arith.constant 1 : i32
      %dma_wait3A_232 = arith.constant 1 : i32
      %dma_wait3A_233 = arith.constant 0 : i32
      %dma_wait3A_234 = arith.constant 0 : i32
      %dma_wait3A_235 = tpu.memref_slice %arg6[%dma_wait3A_231, %dma_wait3A_233, %dma_wait3A_234] : memref<4x100x128xf32, #tpu.memory_space<vmem>> -> memref<1x100x128xf32, #tpu.memory_space<vmem>>
      %dma_wait3A_236 = tpu.memref_squeeze %dma_wait3A_235 : memref<1x100x128xf32, #tpu.memory_space<vmem>> -> memref<100x128xf32, #tpu.memory_space<vmem>>
      %dma_wait3A_237 = arith.constant 0 : i32
      %dma_wait3A_238 = tpu.memref_slice %arg5[%add3A_230, %dma_wait3A_237] : memref<512x100xi32, #tpu.memory_space<vmem>> -> memref<1x100xi32, #tpu.memory_space<vmem>>
      %dma_wait3A_239 = tpu.memref_squeeze %dma_wait3A_238 : memref<1x100xi32, #tpu.memory_space<vmem>> -> memref<100xi32, #tpu.memory_space<vmem>>
      %dma_wait3A_240 = arith.constant 0 : i32
      %dma_wait3A_241 = arith.constant 0 : i32
      %dma_wait3A_242 = tpu.memref_slice %arg3[%dma_wait3A_240, %dma_wait3A_241] : memref<100000x128xf32, #tpu.memory_space<hbm>> -> memref<100000x128xf32, #tpu.memory_space<hbm>>
      %dma_wait3A_243 = tpu.memref_slice %arg8[%dma_wait3A_232] : memref<4x!tpu.dma_semaphore, #tpu.memory_space<semaphore_mem>> -> memref<1x!tpu.dma_semaphore, #tpu.memory_space<semaphore_mem>>
      %dma_wait3A_244 = tpu.memref_squeeze %dma_wait3A_243 : memref<1x!tpu.dma_semaphore, #tpu.memory_space<semaphore_mem>> -> memref<!tpu.dma_semaphore, #tpu.memory_space<semaphore_mem>>
      tpu.wait_indirect_dma semaphore(%dma_wait3A_244 : memref<!tpu.dma_semaphore, #tpu.memory_space<semaphore_mem>>) src(%dma_wait3A_242 : memref<100000x128xf32, #tpu.memory_space<hbm>>) dst(%dma_wait3A_236 : memref<100x128xf32, #tpu.memory_space<vmem>>)
      %jit3A_245 = arith.constant 4 : i32
      %eq3A_246 = arith.constant 0 : i32
      %eq3A_247 = arith.cmpi eq, %jit3A_245, %eq3A_246 : i32
      %jit3A_248 = arith.constant 1 : i32
      %select_n3A_249 = arith.select %eq3A_247, %jit3A_248, %jit3A_245 : i32
      %rem3A_250 = arith.remsi %scan3A_69, %select_n3A_249 : i32
      %ne3A_251 = arith.constant 0 : i32
      %ne3A_252 = arith.cmpi ne, %rem3A_250, %ne3A_251 : i32
      %lt3A_253 = arith.constant 0 : i32
      %lt3A_254 = arith.cmpi slt, %rem3A_250, %lt3A_253 : i32
      %lt3A_255 = arith.constant 0 : i32
      %lt3A_256 = arith.cmpi slt, %select_n3A_249, %lt3A_255 : i32
      %ne3A_257 = arith.xori %lt3A_254, %lt3A_256 : i1
      %and3A_258 = arith.andi %ne3A_257, %ne3A_252 : i1
      %add3A_259 = arith.addi %rem3A_250, %select_n3A_249 : i32
      %select_n3A_260 = arith.select %and3A_258, %add3A_259, %rem3A_250 : i32
      %mul3A_261 = arith.constant 4 : i32
      %mul3A_262 = arith.muli %select_n3A_260, %mul3A_261 : i32
      %add3A_263 = arith.constant 1 : i32
      %add3A_264 = arith.addi %mul3A_262, %add3A_263 : i32
      %broadcast_in_dim3A_265 = arith.constant 0.000000e+00 : f32
      %broadcast_in_dim3A_266 = vector.broadcast %broadcast_in_dim3A_265 : f32 to vector<16xf32>
      %broadcast_in_dim3A_267 = arith.constant 0.000000e+00 : f32
      %broadcast_in_dim3A_268 = vector.broadcast %broadcast_in_dim3A_267 : f32 to vector<16xf32>
      %broadcast_in_dim3A_269 = arith.constant 0.000000e+00 : f32
      %broadcast_in_dim3A_270 = vector.broadcast %broadcast_in_dim3A_269 : f32 to vector<16xf32>
      %broadcast_in_dim3A_271 = arith.constant 0.000000e+00 : f32
      %broadcast_in_dim3A_272 = vector.broadcast %broadcast_in_dim3A_271 : f32 to vector<16xf32>
      %broadcast_in_dim3A_273 = arith.constant 0.000000e+00 : f32
      %broadcast_in_dim3A_274 = vector.broadcast %broadcast_in_dim3A_273 : f32 to vector<16xf32>
      %broadcast_in_dim3A_275 = arith.constant 0.000000e+00 : f32
      %broadcast_in_dim3A_276 = vector.broadcast %broadcast_in_dim3A_275 : f32 to vector<16xf32>
      %broadcast_in_dim3A_277 = arith.constant 0.000000e+00 : f32
      %broadcast_in_dim3A_278 = vector.broadcast %broadcast_in_dim3A_277 : f32 to vector<16xf32>
      %broadcast_in_dim3A_279 = arith.constant 0.000000e+00 : f32
      %broadcast_in_dim3A_280 = vector.broadcast %broadcast_in_dim3A_279 : f32 to vector<16xf32>
      %scan3A_281 = arith.constant 0 : i32
      %scan3A_282 = arith.constant 25 : i32
      %scan3A_283 = arith.addi %scan3A_281, %scan3A_282 : i32
      %scan3A_284 = arith.constant 1 : i32
      %scan3A_285:8 = scf.for %scan3A_755 = %scan3A_281 to %scan3A_283 step %scan3A_284 iter_args(%scan3A_756 = %broadcast_in_dim3A_266, %scan3A_757 = %broadcast_in_dim3A_268, %scan3A_758 = %broadcast_in_dim3A_270, %scan3A_759 = %broadcast_in_dim3A_272, %scan3A_760 = %broadcast_in_dim3A_274, %scan3A_761 = %broadcast_in_dim3A_276, %scan3A_762 = %broadcast_in_dim3A_278, %scan3A_763 = %broadcast_in_dim3A_280) -> (vector<16xf32>, vector<16xf32>, vector<16xf32>, vector<16xf32>, vector<16xf32>, vector<16xf32>, vector<16xf32>, vector<16xf32>)  : i32 {
        %mul3A_764 = arith.constant 2 : i32
        %mul3A_765 = arith.muli %mul3A_764, %scan3A_755 : i32
        %add3A_766 = arith.constant 0 : i32
        %add3A_767 = arith.addi %add3A_766, %mul3A_765 : i32
        %get3A = arith.constant 1 : i32
        %get3A_768 = arith.index_cast %get3A : i32 to index
        %get3A_769 = arith.index_cast %add3A_767 : i32 to index
        %get3A_770 = arith.constant 0 : index
        %get3A_771 = tpu.vector_load %arg6[%get3A_768, %get3A_769, %get3A_770] {strides = array<i32>} : memref<4x100x128xf32, #tpu.memory_space<vmem>>, vector<1x1x16xf32>,
        %get3A_772 = vector.shape_cast %get3A_771 : vector<1x1x16xf32> to vector<16xf32>
        %add3A_773 = arith.addf %scan3A_756, %get3A_772 : vector<16xf32>
        %add3A_774 = arith.constant 1 : i32
        %add3A_775 = arith.addi %add3A_767, %add3A_774 : i32
        %get3A_776 = arith.constant 1 : i32
        %get3A_777 = arith.index_cast %get3A_776 : i32 to index
        %get3A_778 = arith.index_cast %add3A_775 : i32 to index
        %get3A_779 = arith.constant 0 : index
        %get3A_780 = tpu.vector_load %arg6[%get3A_777, %get3A_778, %get3A_779] {strides = array<i32>} : memref<4x100x128xf32, #tpu.memory_space<vmem>>, vector<1x1x16xf32>,
        %get3A_781 = vector.shape_cast %get3A_780 : vector<1x1x16xf32> to vector<16xf32>
        %add3A_782 = arith.addf %add3A_773, %get3A_781 : vector<16xf32>
        %get3A_783 = arith.constant 1 : i32
        %get3A_784 = arith.index_cast %get3A_783 : i32 to index
        %get3A_785 = arith.index_cast %add3A_767 : i32 to index
        %get3A_786 = arith.constant 16 : index
        %get3A_787 = tpu.vector_load %arg6[%get3A_784, %get3A_785, %get3A_786] {strides = array<i32>} : memref<4x100x128xf32, #tpu.memory_space<vmem>>, vector<1x1x16xf32>,
        %get3A_788 = vector.shape_cast %get3A_787 : vector<1x1x16xf32> to vector<16xf32>
        %add3A_789 = arith.addf %scan3A_757, %get3A_788 : vector<16xf32>
        %add3A_790 = arith.constant 1 : i32
        %add3A_791 = arith.addi %add3A_767, %add3A_790 : i32
        %get3A_792 = arith.constant 1 : i32
        %get3A_793 = arith.index_cast %get3A_792 : i32 to index
        %get3A_794 = arith.index_cast %add3A_791 : i32 to index
        %get3A_795 = arith.constant 16 : index
        %get3A_796 = tpu.vector_load %arg6[%get3A_793, %get3A_794, %get3A_795] {strides = array<i32>} : memref<4x100x128xf32, #tpu.memory_space<vmem>>, vector<1x1x16xf32>,
        %get3A_797 = vector.shape_cast %get3A_796 : vector<1x1x16xf32> to vector<16xf32>
        %add3A_798 = arith.addf %add3A_789, %get3A_797 : vector<16xf32>
        %get3A_799 = arith.constant 1 : i32
        %get3A_800 = arith.index_cast %get3A_799 : i32 to index
        %get3A_801 = arith.index_cast %add3A_767 : i32 to index
        %get3A_802 = arith.constant 32 : index
        %get3A_803 = tpu.vector_load %arg6[%get3A_800, %get3A_801, %get3A_802] {strides = array<i32>} : memref<4x100x128xf32, #tpu.memory_space<vmem>>, vector<1x1x16xf32>,
        %get3A_804 = vector.shape_cast %get3A_803 : vector<1x1x16xf32> to vector<16xf32>
        %add3A_805 = arith.addf %scan3A_758, %get3A_804 : vector<16xf32>
        %add3A_806 = arith.constant 1 : i32
        %add3A_807 = arith.addi %add3A_767, %add3A_806 : i32
        %get3A_808 = arith.constant 1 : i32
        %get3A_809 = arith.index_cast %get3A_808 : i32 to index
        %get3A_810 = arith.index_cast %add3A_807 : i32 to index
        %get3A_811 = arith.constant 32 : index
        %get3A_812 = tpu.vector_load %arg6[%get3A_809, %get3A_810, %get3A_811] {strides = array<i32>} : memref<4x100x128xf32, #tpu.memory_space<vmem>>, vector<1x1x16xf32>,
        %get3A_813 = vector.shape_cast %get3A_812 : vector<1x1x16xf32> to vector<16xf32>
        %add3A_814 = arith.addf %add3A_805, %get3A_813 : vector<16xf32>
        %get3A_815 = arith.constant 1 : i32
        %get3A_816 = arith.index_cast %get3A_815 : i32 to index
        %get3A_817 = arith.index_cast %add3A_767 : i32 to index
        %get3A_818 = arith.constant 48 : index
        %get3A_819 = tpu.vector_load %arg6[%get3A_816, %get3A_817, %get3A_818] {strides = array<i32>} : memref<4x100x128xf32, #tpu.memory_space<vmem>>, vector<1x1x16xf32>,
        %get3A_820 = vector.shape_cast %get3A_819 : vector<1x1x16xf32> to vector<16xf32>
        %add3A_821 = arith.addf %scan3A_759, %get3A_820 : vector<16xf32>
        %add3A_822 = arith.constant 1 : i32
        %add3A_823 = arith.addi %add3A_767, %add3A_822 : i32
        %get3A_824 = arith.constant 1 : i32
        %get3A_825 = arith.index_cast %get3A_824 : i32 to index
        %get3A_826 = arith.index_cast %add3A_823 : i32 to index
        %get3A_827 = arith.constant 48 : index
        %get3A_828 = tpu.vector_load %arg6[%get3A_825, %get3A_826, %get3A_827] {strides = array<i32>} : memref<4x100x128xf32, #tpu.memory_space<vmem>>, vector<1x1x16xf32>,
        %get3A_829 = vector.shape_cast %get3A_828 : vector<1x1x16xf32> to vector<16xf32>
        %add3A_830 = arith.addf %add3A_821, %get3A_829 : vector<16xf32>
        %get3A_831 = arith.constant 1 : i32
        %get3A_832 = arith.index_cast %get3A_831 : i32 to index
        %get3A_833 = arith.index_cast %add3A_767 : i32 to index
        %get3A_834 = arith.constant 64 : index
        %get3A_835 = tpu.vector_load %arg6[%get3A_832, %get3A_833, %get3A_834] {strides = array<i32>} : memref<4x100x128xf32, #tpu.memory_space<vmem>>, vector<1x1x16xf32>,
        %get3A_836 = vector.shape_cast %get3A_835 : vector<1x1x16xf32> to vector<16xf32>
        %add3A_837 = arith.addf %scan3A_760, %get3A_836 : vector<16xf32>
        %add3A_838 = arith.constant 1 : i32
        %add3A_839 = arith.addi %add3A_767, %add3A_838 : i32
        %get3A_840 = arith.constant 1 : i32
        %get3A_841 = arith.index_cast %get3A_840 : i32 to index
        %get3A_842 = arith.index_cast %add3A_839 : i32 to index
        %get3A_843 = arith.constant 64 : index
        %get3A_844 = tpu.vector_load %arg6[%get3A_841, %get3A_842, %get3A_843] {strides = array<i32>} : memref<4x100x128xf32, #tpu.memory_space<vmem>>, vector<1x1x16xf32>,
        %get3A_845 = vector.shape_cast %get3A_844 : vector<1x1x16xf32> to vector<16xf32>
        %add3A_846 = arith.addf %add3A_837, %get3A_845 : vector<16xf32>
        %get3A_847 = arith.constant 1 : i32
        %get3A_848 = arith.index_cast %get3A_847 : i32 to index
        %get3A_849 = arith.index_cast %add3A_767 : i32 to index
        %get3A_850 = arith.constant 80 : index
        %get3A_851 = tpu.vector_load %arg6[%get3A_848, %get3A_849, %get3A_850] {strides = array<i32>} : memref<4x100x128xf32, #tpu.memory_space<vmem>>, vector<1x1x16xf32>,
        %get3A_852 = vector.shape_cast %get3A_851 : vector<1x1x16xf32> to vector<16xf32>
        %add3A_853 = arith.addf %scan3A_761, %get3A_852 : vector<16xf32>
        %add3A_854 = arith.constant 1 : i32
        %add3A_855 = arith.addi %add3A_767, %add3A_854 : i32
        %get3A_856 = arith.constant 1 : i32
        %get3A_857 = arith.index_cast %get3A_856 : i32 to index
        %get3A_858 = arith.index_cast %add3A_855 : i32 to index
        %get3A_859 = arith.constant 80 : index
        %get3A_860 = tpu.vector_load %arg6[%get3A_857, %get3A_858, %get3A_859] {strides = array<i32>} : memref<4x100x128xf32, #tpu.memory_space<vmem>>, vector<1x1x16xf32>,
        %get3A_861 = vector.shape_cast %get3A_860 : vector<1x1x16xf32> to vector<16xf32>
        %add3A_862 = arith.addf %add3A_853, %get3A_861 : vector<16xf32>
        %get3A_863 = arith.constant 1 : i32
        %get3A_864 = arith.index_cast %get3A_863 : i32 to index
        %get3A_865 = arith.index_cast %add3A_767 : i32 to index
        %get3A_866 = arith.constant 96 : index
        %get3A_867 = tpu.vector_load %arg6[%get3A_864, %get3A_865, %get3A_866] {strides = array<i32>} : memref<4x100x128xf32, #tpu.memory_space<vmem>>, vector<1x1x16xf32>,
        %get3A_868 = vector.shape_cast %get3A_867 : vector<1x1x16xf32> to vector<16xf32>
        %add3A_869 = arith.addf %scan3A_762, %get3A_868 : vector<16xf32>
        %add3A_870 = arith.constant 1 : i32
        %add3A_871 = arith.addi %add3A_767, %add3A_870 : i32
        %get3A_872 = arith.constant 1 : i32
        %get3A_873 = arith.index_cast %get3A_872 : i32 to index
        %get3A_874 = arith.index_cast %add3A_871 : i32 to index
        %get3A_875 = arith.constant 96 : index
        %get3A_876 = tpu.vector_load %arg6[%get3A_873, %get3A_874, %get3A_875] {strides = array<i32>} : memref<4x100x128xf32, #tpu.memory_space<vmem>>, vector<1x1x16xf32>,
        %get3A_877 = vector.shape_cast %get3A_876 : vector<1x1x16xf32> to vector<16xf32>
        %add3A_878 = arith.addf %add3A_869, %get3A_877 : vector<16xf32>
        %get3A_879 = arith.constant 1 : i32
        %get3A_880 = arith.index_cast %get3A_879 : i32 to index
        %get3A_881 = arith.index_cast %add3A_767 : i32 to index
        %get3A_882 = arith.constant 112 : index
        %get3A_883 = tpu.vector_load %arg6[%get3A_880, %get3A_881, %get3A_882] {strides = array<i32>} : memref<4x100x128xf32, #tpu.memory_space<vmem>>, vector<1x1x16xf32>,
        %get3A_884 = vector.shape_cast %get3A_883 : vector<1x1x16xf32> to vector<16xf32>
        %add3A_885 = arith.addf %scan3A_763, %get3A_884 : vector<16xf32>
        %add3A_886 = arith.constant 1 : i32
        %add3A_887 = arith.addi %add3A_767, %add3A_886 : i32
        %get3A_888 = arith.constant 1 : i32
        %get3A_889 = arith.index_cast %get3A_888 : i32 to index
        %get3A_890 = arith.index_cast %add3A_887 : i32 to index
        %get3A_891 = arith.constant 112 : index
        %get3A_892 = tpu.vector_load %arg6[%get3A_889, %get3A_890, %get3A_891] {strides = array<i32>} : memref<4x100x128xf32, #tpu.memory_space<vmem>>, vector<1x1x16xf32>,
        %get3A_893 = vector.shape_cast %get3A_892 : vector<1x1x16xf32> to vector<16xf32>
        %add3A_894 = arith.addf %add3A_885, %get3A_893 : vector<16xf32>
        scf.yield %add3A_782, %add3A_798, %add3A_814, %add3A_830, %add3A_846, %add3A_862, %add3A_878, %add3A_894 : vector<16xf32>, vector<16xf32>, vector<16xf32>, vector<16xf32>, vector<16xf32>, vector<16xf32>, vector<16xf32>, vector<16xf32>
      }
      %scan3A_286 = arith.constant 25 : i32
      %swap3A_287 = arith.index_cast %add3A_264 : i32 to index
      %swap3A_288 = arith.constant 0 : index
      %swap3A_289 = tpu.vector_load %arg7[%swap3A_287, %swap3A_288] {strides = array<i32>} : memref<16x256xf32, #tpu.memory_space<vmem>>, vector<1x16xf32>,
      %swap3A_290 = vector.shape_cast %swap3A_289 : vector<1x16xf32> to vector<16xf32>
      %swap3A_291 = vector.shape_cast %scan3A_285#0 : vector<16xf32> to vector<1x16xf32>
      tpu.vector_store %arg7[%swap3A_287, %swap3A_288], %swap3A_291 {strides = array<i32>} : memref<16x256xf32, #tpu.memory_space<vmem>>, vector<1x16xf32>,
      %swap3A_292 = arith.index_cast %add3A_264 : i32 to index
      %swap3A_293 = arith.constant 16 : index
      %swap3A_294 = tpu.vector_load %arg7[%swap3A_292, %swap3A_293] {strides = array<i32>} : memref<16x256xf32, #tpu.memory_space<vmem>>, vector<1x16xf32>,
      %swap3A_295 = vector.shape_cast %swap3A_294 : vector<1x16xf32> to vector<16xf32>
      %swap3A_296 = vector.shape_cast %scan3A_285#1 : vector<16xf32> to vector<1x16xf32>
      tpu.vector_store %arg7[%swap3A_292, %swap3A_293], %swap3A_296 {strides = array<i32>} : memref<16x256xf32, #tpu.memory_space<vmem>>, vector<1x16xf32>,
      %swap3A_297 = arith.index_cast %add3A_264 : i32 to index
      %swap3A_298 = arith.constant 32 : index
      %swap3A_299 = tpu.vector_load %arg7[%swap3A_297, %swap3A_298] {strides = array<i32>} : memref<16x256xf32, #tpu.memory_space<vmem>>, vector<1x16xf32>,
      %swap3A_300 = vector.shape_cast %swap3A_299 : vector<1x16xf32> to vector<16xf32>
      %swap3A_301 = vector.shape_cast %scan3A_285#2 : vector<16xf32> to vector<1x16xf32>
      tpu.vector_store %arg7[%swap3A_297, %swap3A_298], %swap3A_301 {strides = array<i32>} : memref<16x256xf32, #tpu.memory_space<vmem>>, vector<1x16xf32>,
      %swap3A_302 = arith.index_cast %add3A_264 : i32 to index
      %swap3A_303 = arith.constant 48 : index
      %swap3A_304 = tpu.vector_load %arg7[%swap3A_302, %swap3A_303] {strides = array<i32>} : memref<16x256xf32, #tpu.memory_space<vmem>>, vector<1x16xf32>,
      %swap3A_305 = vector.shape_cast %swap3A_304 : vector<1x16xf32> to vector<16xf32>
      %swap3A_306 = vector.shape_cast %scan3A_285#3 : vector<16xf32> to vector<1x16xf32>
      tpu.vector_store %arg7[%swap3A_302, %swap3A_303], %swap3A_306 {strides = array<i32>} : memref<16x256xf32, #tpu.memory_space<vmem>>, vector<1x16xf32>,
      %swap3A_307 = arith.index_cast %add3A_264 : i32 to index
      %swap3A_308 = arith.constant 64 : index
      %swap3A_309 = tpu.vector_load %arg7[%swap3A_307, %swap3A_308] {strides = array<i32>} : memref<16x256xf32, #tpu.memory_space<vmem>>, vector<1x16xf32>,
      %swap3A_310 = vector.shape_cast %swap3A_309 : vector<1x16xf32> to vector<16xf32>
      %swap3A_311 = vector.shape_cast %scan3A_285#4 : vector<16xf32> to vector<1x16xf32>
      tpu.vector_store %arg7[%swap3A_307, %swap3A_308], %swap3A_311 {strides = array<i32>} : memref<16x256xf32, #tpu.memory_space<vmem>>, vector<1x16xf32>,
      %swap3A_312 = arith.index_cast %add3A_264 : i32 to index
      %swap3A_313 = arith.constant 80 : index
      %swap3A_314 = tpu.vector_load %arg7[%swap3A_312, %swap3A_313] {strides = array<i32>} : memref<16x256xf32, #tpu.memory_space<vmem>>, vector<1x16xf32>,
      %swap3A_315 = vector.shape_cast %swap3A_314 : vector<1x16xf32> to vector<16xf32>
      %swap3A_316 = vector.shape_cast %scan3A_285#5 : vector<16xf32> to vector<1x16xf32>
      tpu.vector_store %arg7[%swap3A_312, %swap3A_313], %swap3A_316 {strides = array<i32>} : memref<16x256xf32, #tpu.memory_space<vmem>>, vector<1x16xf32>,
      %swap3A_317 = arith.index_cast %add3A_264 : i32 to index
      %swap3A_318 = arith.constant 96 : index
      %swap3A_319 = tpu.vector_load %arg7[%swap3A_317, %swap3A_318] {strides = array<i32>} : memref<16x256xf32, #tpu.memory_space<vmem>>, vector<1x16xf32>,
      %swap3A_320 = vector.shape_cast %swap3A_319 : vector<1x16xf32> to vector<16xf32>
      %swap3A_321 = vector.shape_cast %scan3A_285#6 : vector<16xf32> to vector<1x16xf32>
      tpu.vector_store %arg7[%swap3A_317, %swap3A_318], %swap3A_321 {strides = array<i32>} : memref<16x256xf32, #tpu.memory_space<vmem>>, vector<1x16xf32>,
      %swap3A_322 = arith.index_cast %add3A_264 : i32 to index
      %swap3A_323 = arith.constant 112 : index
      %swap3A_324 = tpu.vector_load %arg7[%swap3A_322, %swap3A_323] {strides = array<i32>} : memref<16x256xf32, #tpu.memory_space<vmem>>, vector<1x16xf32>,
      %swap3A_325 = vector.shape_cast %swap3A_324 : vector<1x16xf32> to vector<16xf32>
      %swap3A_326 = vector.shape_cast %scan3A_285#7 : vector<16xf32> to vector<1x16xf32>
      tpu.vector_store %arg7[%swap3A_322, %swap3A_323], %swap3A_326 {strides = array<i32>} : memref<16x256xf32, #tpu.memory_space<vmem>>, vector<1x16xf32>,
      %broadcast_in_dim3A_327 = arith.constant 0.000000e+00 : f32
      %broadcast_in_dim3A_328 = vector.broadcast %broadcast_in_dim3A_327 : f32 to vector<16xf32>
      %broadcast_in_dim3A_329 = arith.constant 0.000000e+00 : f32
      %broadcast_in_dim3A_330 = vector.broadcast %broadcast_in_dim3A_329 : f32 to vector<16xf32>
      %broadcast_in_dim3A_331 = arith.constant 0.000000e+00 : f32
      %broadcast_in_dim3A_332 = vector.broadcast %broadcast_in_dim3A_331 : f32 to vector<16xf32>
      %broadcast_in_dim3A_333 = arith.constant 0.000000e+00 : f32
      %broadcast_in_dim3A_334 = vector.broadcast %broadcast_in_dim3A_333 : f32 to vector<16xf32>
      %broadcast_in_dim3A_335 = arith.constant 0.000000e+00 : f32
      %broadcast_in_dim3A_336 = vector.broadcast %broadcast_in_dim3A_335 : f32 to vector<16xf32>
      %broadcast_in_dim3A_337 = arith.constant 0.000000e+00 : f32
      %broadcast_in_dim3A_338 = vector.broadcast %broadcast_in_dim3A_337 : f32 to vector<16xf32>
      %broadcast_in_dim3A_339 = arith.constant 0.000000e+00 : f32
      %broadcast_in_dim3A_340 = vector.broadcast %broadcast_in_dim3A_339 : f32 to vector<16xf32>
      %broadcast_in_dim3A_341 = arith.constant 0.000000e+00 : f32
      %broadcast_in_dim3A_342 = vector.broadcast %broadcast_in_dim3A_341 : f32 to vector<16xf32>
      %scan3A_343 = arith.constant 0 : i32
      %scan3A_344 = arith.constant 25 : i32
      %scan3A_345 = arith.addi %scan3A_343, %scan3A_344 : i32
      %scan3A_346 = arith.constant 1 : i32
      %scan3A_347:8 = scf.for %scan3A_755 = %scan3A_343 to %scan3A_345 step %scan3A_346 iter_args(%scan3A_756 = %broadcast_in_dim3A_328, %scan3A_757 = %broadcast_in_dim3A_330, %scan3A_758 = %broadcast_in_dim3A_332, %scan3A_759 = %broadcast_in_dim3A_334, %scan3A_760 = %broadcast_in_dim3A_336, %scan3A_761 = %broadcast_in_dim3A_338, %scan3A_762 = %broadcast_in_dim3A_340, %scan3A_763 = %broadcast_in_dim3A_342) -> (vector<16xf32>, vector<16xf32>, vector<16xf32>, vector<16xf32>, vector<16xf32>, vector<16xf32>, vector<16xf32>, vector<16xf32>)  : i32 {
        %mul3A_764 = arith.constant 2 : i32
        %mul3A_765 = arith.muli %mul3A_764, %scan3A_755 : i32
        %add3A_766 = arith.constant 50 : i32
        %add3A_767 = arith.addi %add3A_766, %mul3A_765 : i32
        %get3A = arith.constant 1 : i32
        %get3A_768 = arith.index_cast %get3A : i32 to index
        %get3A_769 = arith.index_cast %add3A_767 : i32 to index
        %get3A_770 = arith.constant 0 : index
        %get3A_771 = tpu.vector_load %arg6[%get3A_768, %get3A_769, %get3A_770] {strides = array<i32>} : memref<4x100x128xf32, #tpu.memory_space<vmem>>, vector<1x1x16xf32>,
        %get3A_772 = vector.shape_cast %get3A_771 : vector<1x1x16xf32> to vector<16xf32>
        %add3A_773 = arith.addf %scan3A_756, %get3A_772 : vector<16xf32>
        %add3A_774 = arith.constant 1 : i32
        %add3A_775 = arith.addi %add3A_767, %add3A_774 : i32
        %get3A_776 = arith.constant 1 : i32
        %get3A_777 = arith.index_cast %get3A_776 : i32 to index
        %get3A_778 = arith.index_cast %add3A_775 : i32 to index
        %get3A_779 = arith.constant 0 : index
        %get3A_780 = tpu.vector_load %arg6[%get3A_777, %get3A_778, %get3A_779] {strides = array<i32>} : memref<4x100x128xf32, #tpu.memory_space<vmem>>, vector<1x1x16xf32>,
        %get3A_781 = vector.shape_cast %get3A_780 : vector<1x1x16xf32> to vector<16xf32>
        %add3A_782 = arith.addf %add3A_773, %get3A_781 : vector<16xf32>
        %get3A_783 = arith.constant 1 : i32
        %get3A_784 = arith.index_cast %get3A_783 : i32 to index
        %get3A_785 = arith.index_cast %add3A_767 : i32 to index
        %get3A_786 = arith.constant 16 : index
        %get3A_787 = tpu.vector_load %arg6[%get3A_784, %get3A_785, %get3A_786] {strides = array<i32>} : memref<4x100x128xf32, #tpu.memory_space<vmem>>, vector<1x1x16xf32>,
        %get3A_788 = vector.shape_cast %get3A_787 : vector<1x1x16xf32> to vector<16xf32>
        %add3A_789 = arith.addf %scan3A_757, %get3A_788 : vector<16xf32>
        %add3A_790 = arith.constant 1 : i32
        %add3A_791 = arith.addi %add3A_767, %add3A_790 : i32
        %get3A_792 = arith.constant 1 : i32
        %get3A_793 = arith.index_cast %get3A_792 : i32 to index
        %get3A_794 = arith.index_cast %add3A_791 : i32 to index
        %get3A_795 = arith.constant 16 : index
        %get3A_796 = tpu.vector_load %arg6[%get3A_793, %get3A_794, %get3A_795] {strides = array<i32>} : memref<4x100x128xf32, #tpu.memory_space<vmem>>, vector<1x1x16xf32>,
        %get3A_797 = vector.shape_cast %get3A_796 : vector<1x1x16xf32> to vector<16xf32>
        %add3A_798 = arith.addf %add3A_789, %get3A_797 : vector<16xf32>
        %get3A_799 = arith.constant 1 : i32
        %get3A_800 = arith.index_cast %get3A_799 : i32 to index
        %get3A_801 = arith.index_cast %add3A_767 : i32 to index
        %get3A_802 = arith.constant 32 : index
        %get3A_803 = tpu.vector_load %arg6[%get3A_800, %get3A_801, %get3A_802] {strides = array<i32>} : memref<4x100x128xf32, #tpu.memory_space<vmem>>, vector<1x1x16xf32>,
        %get3A_804 = vector.shape_cast %get3A_803 : vector<1x1x16xf32> to vector<16xf32>
        %add3A_805 = arith.addf %scan3A_758, %get3A_804 : vector<16xf32>
        %add3A_806 = arith.constant 1 : i32
        %add3A_807 = arith.addi %add3A_767, %add3A_806 : i32
        %get3A_808 = arith.constant 1 : i32
        %get3A_809 = arith.index_cast %get3A_808 : i32 to index
        %get3A_810 = arith.index_cast %add3A_807 : i32 to index
        %get3A_811 = arith.constant 32 : index
        %get3A_812 = tpu.vector_load %arg6[%get3A_809, %get3A_810, %get3A_811] {strides = array<i32>} : memref<4x100x128xf32, #tpu.memory_space<vmem>>, vector<1x1x16xf32>,
        %get3A_813 = vector.shape_cast %get3A_812 : vector<1x1x16xf32> to vector<16xf32>
        %add3A_814 = arith.addf %add3A_805, %get3A_813 : vector<16xf32>
        %get3A_815 = arith.constant 1 : i32
        %get3A_816 = arith.index_cast %get3A_815 : i32 to index
        %get3A_817 = arith.index_cast %add3A_767 : i32 to index
        %get3A_818 = arith.constant 48 : index
        %get3A_819 = tpu.vector_load %arg6[%get3A_816, %get3A_817, %get3A_818] {strides = array<i32>} : memref<4x100x128xf32, #tpu.memory_space<vmem>>, vector<1x1x16xf32>,
        %get3A_820 = vector.shape_cast %get3A_819 : vector<1x1x16xf32> to vector<16xf32>
        %add3A_821 = arith.addf %scan3A_759, %get3A_820 : vector<16xf32>
        %add3A_822 = arith.constant 1 : i32
        %add3A_823 = arith.addi %add3A_767, %add3A_822 : i32
        %get3A_824 = arith.constant 1 : i32
        %get3A_825 = arith.index_cast %get3A_824 : i32 to index
        %get3A_826 = arith.index_cast %add3A_823 : i32 to index
        %get3A_827 = arith.constant 48 : index
        %get3A_828 = tpu.vector_load %arg6[%get3A_825, %get3A_826, %get3A_827] {strides = array<i32>} : memref<4x100x128xf32, #tpu.memory_space<vmem>>, vector<1x1x16xf32>,
        %get3A_829 = vector.shape_cast %get3A_828 : vector<1x1x16xf32> to vector<16xf32>
        %add3A_830 = arith.addf %add3A_821, %get3A_829 : vector<16xf32>
        %get3A_831 = arith.constant 1 : i32
        %get3A_832 = arith.index_cast %get3A_831 : i32 to index
        %get3A_833 = arith.index_cast %add3A_767 : i32 to index
        %get3A_834 = arith.constant 64 : index
        %get3A_835 = tpu.vector_load %arg6[%get3A_832, %get3A_833, %get3A_834] {strides = array<i32>} : memref<4x100x128xf32, #tpu.memory_space<vmem>>, vector<1x1x16xf32>,
        %get3A_836 = vector.shape_cast %get3A_835 : vector<1x1x16xf32> to vector<16xf32>
        %add3A_837 = arith.addf %scan3A_760, %get3A_836 : vector<16xf32>
        %add3A_838 = arith.constant 1 : i32
        %add3A_839 = arith.addi %add3A_767, %add3A_838 : i32
        %get3A_840 = arith.constant 1 : i32
        %get3A_841 = arith.index_cast %get3A_840 : i32 to index
        %get3A_842 = arith.index_cast %add3A_839 : i32 to index
        %get3A_843 = arith.constant 64 : index
        %get3A_844 = tpu.vector_load %arg6[%get3A_841, %get3A_842, %get3A_843] {strides = array<i32>} : memref<4x100x128xf32, #tpu.memory_space<vmem>>, vector<1x1x16xf32>,
        %get3A_845 = vector.shape_cast %get3A_844 : vector<1x1x16xf32> to vector<16xf32>
        %add3A_846 = arith.addf %add3A_837, %get3A_845 : vector<16xf32>
        %get3A_847 = arith.constant 1 : i32
        %get3A_848 = arith.index_cast %get3A_847 : i32 to index
        %get3A_849 = arith.index_cast %add3A_767 : i32 to index
        %get3A_850 = arith.constant 80 : index
        %get3A_851 = tpu.vector_load %arg6[%get3A_848, %get3A_849, %get3A_850] {strides = array<i32>} : memref<4x100x128xf32, #tpu.memory_space<vmem>>, vector<1x1x16xf32>,
        %get3A_852 = vector.shape_cast %get3A_851 : vector<1x1x16xf32> to vector<16xf32>
        %add3A_853 = arith.addf %scan3A_761, %get3A_852 : vector<16xf32>
        %add3A_854 = arith.constant 1 : i32
        %add3A_855 = arith.addi %add3A_767, %add3A_854 : i32
        %get3A_856 = arith.constant 1 : i32
        %get3A_857 = arith.index_cast %get3A_856 : i32 to index
        %get3A_858 = arith.index_cast %add3A_855 : i32 to index
        %get3A_859 = arith.constant 80 : index
        %get3A_860 = tpu.vector_load %arg6[%get3A_857, %get3A_858, %get3A_859] {strides = array<i32>} : memref<4x100x128xf32, #tpu.memory_space<vmem>>, vector<1x1x16xf32>,
        %get3A_861 = vector.shape_cast %get3A_860 : vector<1x1x16xf32> to vector<16xf32>
        %add3A_862 = arith.addf %add3A_853, %get3A_861 : vector<16xf32>
        %get3A_863 = arith.constant 1 : i32
        %get3A_864 = arith.index_cast %get3A_863 : i32 to index
        %get3A_865 = arith.index_cast %add3A_767 : i32 to index
        %get3A_866 = arith.constant 96 : index
        %get3A_867 = tpu.vector_load %arg6[%get3A_864, %get3A_865, %get3A_866] {strides = array<i32>} : memref<4x100x128xf32, #tpu.memory_space<vmem>>, vector<1x1x16xf32>,
        %get3A_868 = vector.shape_cast %get3A_867 : vector<1x1x16xf32> to vector<16xf32>
        %add3A_869 = arith.addf %scan3A_762, %get3A_868 : vector<16xf32>
        %add3A_870 = arith.constant 1 : i32
        %add3A_871 = arith.addi %add3A_767, %add3A_870 : i32
        %get3A_872 = arith.constant 1 : i32
        %get3A_873 = arith.index_cast %get3A_872 : i32 to index
        %get3A_874 = arith.index_cast %add3A_871 : i32 to index
        %get3A_875 = arith.constant 96 : index
        %get3A_876 = tpu.vector_load %arg6[%get3A_873, %get3A_874, %get3A_875] {strides = array<i32>} : memref<4x100x128xf32, #tpu.memory_space<vmem>>, vector<1x1x16xf32>,
        %get3A_877 = vector.shape_cast %get3A_876 : vector<1x1x16xf32> to vector<16xf32>
        %add3A_878 = arith.addf %add3A_869, %get3A_877 : vector<16xf32>
        %get3A_879 = arith.constant 1 : i32
        %get3A_880 = arith.index_cast %get3A_879 : i32 to index
        %get3A_881 = arith.index_cast %add3A_767 : i32 to index
        %get3A_882 = arith.constant 112 : index
        %get3A_883 = tpu.vector_load %arg6[%get3A_880, %get3A_881, %get3A_882] {strides = array<i32>} : memref<4x100x128xf32, #tpu.memory_space<vmem>>, vector<1x1x16xf32>,
        %get3A_884 = vector.shape_cast %get3A_883 : vector<1x1x16xf32> to vector<16xf32>
        %add3A_885 = arith.addf %scan3A_763, %get3A_884 : vector<16xf32>
        %add3A_886 = arith.constant 1 : i32
        %add3A_887 = arith.addi %add3A_767, %add3A_886 : i32
        %get3A_888 = arith.constant 1 : i32
        %get3A_889 = arith.index_cast %get3A_888 : i32 to index
        %get3A_890 = arith.index_cast %add3A_887 : i32 to index
        %get3A_891 = arith.constant 112 : index
        %get3A_892 = tpu.vector_load %arg6[%get3A_889, %get3A_890, %get3A_891] {strides = array<i32>} : memref<4x100x128xf32, #tpu.memory_space<vmem>>, vector<1x1x16xf32>,
        %get3A_893 = vector.shape_cast %get3A_892 : vector<1x1x16xf32> to vector<16xf32>
        %add3A_894 = arith.addf %add3A_885, %get3A_893 : vector<16xf32>
        scf.yield %add3A_782, %add3A_798, %add3A_814, %add3A_830, %add3A_846, %add3A_862, %add3A_878, %add3A_894 : vector<16xf32>, vector<16xf32>, vector<16xf32>, vector<16xf32>, vector<16xf32>, vector<16xf32>, vector<16xf32>, vector<16xf32>
      }
      %scan3A_348 = arith.constant 25 : i32
      %swap3A_349 = arith.index_cast %add3A_264 : i32 to index
      %swap3A_350 = arith.constant 128 : index
      %swap3A_351 = tpu.vector_load %arg7[%swap3A_349, %swap3A_350] {strides = array<i32>} : memref<16x256xf32, #tpu.memory_space<vmem>>, vector<1x16xf32>,
      %swap3A_352 = vector.shape_cast %swap3A_351 : vector<1x16xf32> to vector<16xf32>
      %swap3A_353 = vector.shape_cast %scan3A_347#0 : vector<16xf32> to vector<1x16xf32>
      tpu.vector_store %arg7[%swap3A_349, %swap3A_350], %swap3A_353 {strides = array<i32>} : memref<16x256xf32, #tpu.memory_space<vmem>>, vector<1x16xf32>,
      %swap3A_354 = arith.index_cast %add3A_264 : i32 to index
      %swap3A_355 = arith.constant 144 : index
      %swap3A_356 = tpu.vector_load %arg7[%swap3A_354, %swap3A_355] {strides = array<i32>} : memref<16x256xf32, #tpu.memory_space<vmem>>, vector<1x16xf32>,
      %swap3A_357 = vector.shape_cast %swap3A_356 : vector<1x16xf32> to vector<16xf32>
      %swap3A_358 = vector.shape_cast %scan3A_347#1 : vector<16xf32> to vector<1x16xf32>
      tpu.vector_store %arg7[%swap3A_354, %swap3A_355], %swap3A_358 {strides = array<i32>} : memref<16x256xf32, #tpu.memory_space<vmem>>, vector<1x16xf32>,
      %swap3A_359 = arith.index_cast %add3A_264 : i32 to index
      %swap3A_360 = arith.constant 160 : index
      %swap3A_361 = tpu.vector_load %arg7[%swap3A_359, %swap3A_360] {strides = array<i32>} : memref<16x256xf32, #tpu.memory_space<vmem>>, vector<1x16xf32>,
      %swap3A_362 = vector.shape_cast %swap3A_361 : vector<1x16xf32> to vector<16xf32>
      %swap3A_363 = vector.shape_cast %scan3A_347#2 : vector<16xf32> to vector<1x16xf32>
      tpu.vector_store %arg7[%swap3A_359, %swap3A_360], %swap3A_363 {strides = array<i32>} : memref<16x256xf32, #tpu.memory_space<vmem>>, vector<1x16xf32>,
      %swap3A_364 = arith.index_cast %add3A_264 : i32 to index
      %swap3A_365 = arith.constant 176 : index
      %swap3A_366 = tpu.vector_load %arg7[%swap3A_364, %swap3A_365] {strides = array<i32>} : memref<16x256xf32, #tpu.memory_space<vmem>>, vector<1x16xf32>,
      %swap3A_367 = vector.shape_cast %swap3A_366 : vector<1x16xf32> to vector<16xf32>
      %swap3A_368 = vector.shape_cast %scan3A_347#3 : vector<16xf32> to vector<1x16xf32>
      tpu.vector_store %arg7[%swap3A_364, %swap3A_365], %swap3A_368 {strides = array<i32>} : memref<16x256xf32, #tpu.memory_space<vmem>>, vector<1x16xf32>,
      %swap3A_369 = arith.index_cast %add3A_264 : i32 to index
      %swap3A_370 = arith.constant 192 : index
      %swap3A_371 = tpu.vector_load %arg7[%swap3A_369, %swap3A_370] {strides = array<i32>} : memref<16x256xf32, #tpu.memory_space<vmem>>, vector<1x16xf32>,
      %swap3A_372 = vector.shape_cast %swap3A_371 : vector<1x16xf32> to vector<16xf32>
      %swap3A_373 = vector.shape_cast %scan3A_347#4 : vector<16xf32> to vector<1x16xf32>
      tpu.vector_store %arg7[%swap3A_369, %swap3A_370], %swap3A_373 {strides = array<i32>} : memref<16x256xf32, #tpu.memory_space<vmem>>, vector<1x16xf32>,
      %swap3A_374 = arith.index_cast %add3A_264 : i32 to index
      %swap3A_375 = arith.constant 208 : index
      %swap3A_376 = tpu.vector_load %arg7[%swap3A_374, %swap3A_375] {strides = array<i32>} : memref<16x256xf32, #tpu.memory_space<vmem>>, vector<1x16xf32>,
      %swap3A_377 = vector.shape_cast %swap3A_376 : vector<1x16xf32> to vector<16xf32>
      %swap3A_378 = vector.shape_cast %scan3A_347#5 : vector<16xf32> to vector<1x16xf32>
      tpu.vector_store %arg7[%swap3A_374, %swap3A_375], %swap3A_378 {strides = array<i32>} : memref<16x256xf32, #tpu.memory_space<vmem>>, vector<1x16xf32>,
      %swap3A_379 = arith.index_cast %add3A_264 : i32 to index
      %swap3A_380 = arith.constant 224 : index
      %swap3A_381 = tpu.vector_load %arg7[%swap3A_379, %swap3A_380] {strides = array<i32>} : memref<16x256xf32, #tpu.memory_space<vmem>>, vector<1x16xf32>,
      %swap3A_382 = vector.shape_cast %swap3A_381 : vector<1x16xf32> to vector<16xf32>
      %swap3A_383 = vector.shape_cast %scan3A_347#6 : vector<16xf32> to vector<1x16xf32>
      tpu.vector_store %arg7[%swap3A_379, %swap3A_380], %swap3A_383 {strides = array<i32>} : memref<16x256xf32, #tpu.memory_space<vmem>>, vector<1x16xf32>,
      %swap3A_384 = arith.index_cast %add3A_264 : i32 to index
      %swap3A_385 = arith.constant 240 : index
      %swap3A_386 = tpu.vector_load %arg7[%swap3A_384, %swap3A_385] {strides = array<i32>} : memref<16x256xf32, #tpu.memory_space<vmem>>, vector<1x16xf32>,
      %swap3A_387 = vector.shape_cast %swap3A_386 : vector<1x16xf32> to vector<16xf32>
      %swap3A_388 = vector.shape_cast %scan3A_347#7 : vector<16xf32> to vector<1x16xf32>
      tpu.vector_store %arg7[%swap3A_384, %swap3A_385], %swap3A_388 {strides = array<i32>} : memref<16x256xf32, #tpu.memory_space<vmem>>, vector<1x16xf32>,
      %add3A_389 = arith.constant 1 : i32
      %add3A_390 = arith.addi %scan3A_69, %add3A_389 : i32
      %lt3A_391 = arith.constant 128 : i32
      %lt3A_392 = arith.cmpi slt, %add3A_390, %lt3A_391 : i32
      %convert_element_type3A_393 = arith.extui %lt3A_392 : i1 to i32
      %cond3A_394 = arith.constant 0 : i32
      %cond3A_395 = arith.cmpi ne, %convert_element_type3A_393, %cond3A_394 : i32
      scf.if %cond3A_395 {
        %add3A_755 = arith.constant 4 : i32
        %add3A_756 = arith.addi %add3A_230, %add3A_755 : i32
        %dma_start3A_757 = arith.constant 1 : i32
        %dma_start3A_758 = arith.constant 1 : i32
        %dma_start3A_759 = arith.constant 0 : i32
        %dma_start3A_760 = arith.constant 0 : i32
        %dma_start3A_761 = tpu.memref_slice %arg6[%dma_start3A_757, %dma_start3A_759, %dma_start3A_760] : memref<4x100x128xf32, #tpu.memory_space<vmem>> -> memref<1x100x128xf32, #tpu.memory_space<vmem>>
        %dma_start3A_762 = tpu.memref_squeeze %dma_start3A_761 : memref<1x100x128xf32, #tpu.memory_space<vmem>> -> memref<100x128xf32, #tpu.memory_space<vmem>>
        %dma_start3A_763 = arith.constant 0 : i32
        %dma_start3A_764 = tpu.memref_slice %arg5[%add3A_756, %dma_start3A_763] : memref<512x100xi32, #tpu.memory_space<vmem>> -> memref<1x100xi32, #tpu.memory_space<vmem>>
        %dma_start3A_765 = tpu.memref_squeeze %dma_start3A_764 : memref<1x100xi32, #tpu.memory_space<vmem>> -> memref<100xi32, #tpu.memory_space<vmem>>
        %dma_start3A_766 = arith.constant 0 : i32
        %dma_start3A_767 = arith.constant 0 : i32
        %dma_start3A_768 = tpu.memref_slice %arg3[%dma_start3A_766, %dma_start3A_767] : memref<100000x128xf32, #tpu.memory_space<hbm>> -> memref<100000x128xf32, #tpu.memory_space<hbm>>
        %dma_start3A_769 = tpu.memref_slice %arg8[%dma_start3A_758] : memref<4x!tpu.dma_semaphore, #tpu.memory_space<semaphore_mem>> -> memref<1x!tpu.dma_semaphore, #tpu.memory_space<semaphore_mem>>
        %dma_start3A_770 = tpu.memref_squeeze %dma_start3A_769 : memref<1x!tpu.dma_semaphore, #tpu.memory_space<semaphore_mem>> -> memref<!tpu.dma_semaphore, #tpu.memory_space<semaphore_mem>>
        tpu.enqueue_indirect_dma source(%dma_start3A_768 : memref<100000x128xf32, #tpu.memory_space<hbm>>) target(%dma_start3A_762 : memref<100x128xf32, #tpu.memory_space<vmem>>) offsets(%dma_start3A_765 : memref<100xi32, #tpu.memory_space<vmem>>) semaphore(%dma_start3A_770 : memref<!tpu.dma_semaphore, #tpu.memory_space<semaphore_mem>>)
      } else {
      }
      %mul3A_396 = arith.constant 4 : i32
      %mul3A_397 = arith.muli %scan3A_69, %mul3A_396 : i32
      %add3A_398 = arith.constant 2 : i32
      %add3A_399 = arith.addi %mul3A_397, %add3A_398 : i32
      %dma_wait3A_400 = arith.constant 2 : i32
      %dma_wait3A_401 = arith.constant 2 : i32
      %dma_wait3A_402 = arith.constant 0 : i32
      %dma_wait3A_403 = arith.constant 0 : i32
      %dma_wait3A_404 = tpu.memref_slice %arg6[%dma_wait3A_400, %dma_wait3A_402, %dma_wait3A_403] : memref<4x100x128xf32, #tpu.memory_space<vmem>> -> memref<1x100x128xf32, #tpu.memory_space<vmem>>
      %dma_wait3A_405 = tpu.memref_squeeze %dma_wait3A_404 : memref<1x100x128xf32, #tpu.memory_space<vmem>> -> memref<100x128xf32, #tpu.memory_space<vmem>>
      %dma_wait3A_406 = arith.constant 0 : i32
      %dma_wait3A_407 = tpu.memref_slice %arg5[%add3A_399, %dma_wait3A_406] : memref<512x100xi32, #tpu.memory_space<vmem>> -> memref<1x100xi32, #tpu.memory_space<vmem>>
      %dma_wait3A_408 = tpu.memref_squeeze %dma_wait3A_407 : memref<1x100xi32, #tpu.memory_space<vmem>> -> memref<100xi32, #tpu.memory_space<vmem>>
      %dma_wait3A_409 = arith.constant 0 : i32
      %dma_wait3A_410 = arith.constant 0 : i32
      %dma_wait3A_411 = tpu.memref_slice %arg3[%dma_wait3A_409, %dma_wait3A_410] : memref<100000x128xf32, #tpu.memory_space<hbm>> -> memref<100000x128xf32, #tpu.memory_space<hbm>>
      %dma_wait3A_412 = tpu.memref_slice %arg8[%dma_wait3A_401] : memref<4x!tpu.dma_semaphore, #tpu.memory_space<semaphore_mem>> -> memref<1x!tpu.dma_semaphore, #tpu.memory_space<semaphore_mem>>
      %dma_wait3A_413 = tpu.memref_squeeze %dma_wait3A_412 : memref<1x!tpu.dma_semaphore, #tpu.memory_space<semaphore_mem>> -> memref<!tpu.dma_semaphore, #tpu.memory_space<semaphore_mem>>
      tpu.wait_indirect_dma semaphore(%dma_wait3A_413 : memref<!tpu.dma_semaphore, #tpu.memory_space<semaphore_mem>>) src(%dma_wait3A_411 : memref<100000x128xf32, #tpu.memory_space<hbm>>) dst(%dma_wait3A_405 : memref<100x128xf32, #tpu.memory_space<vmem>>)
      %jit3A_414 = arith.constant 4 : i32
      %eq3A_415 = arith.constant 0 : i32
      %eq3A_416 = arith.cmpi eq, %jit3A_414, %eq3A_415 : i32
      %jit3A_417 = arith.constant 1 : i32
      %select_n3A_418 = arith.select %eq3A_416, %jit3A_417, %jit3A_414 : i32
      %rem3A_419 = arith.remsi %scan3A_69, %select_n3A_418 : i32
      %ne3A_420 = arith.constant 0 : i32
      %ne3A_421 = arith.cmpi ne, %rem3A_419, %ne3A_420 : i32
      %lt3A_422 = arith.constant 0 : i32
      %lt3A_423 = arith.cmpi slt, %rem3A_419, %lt3A_422 : i32
      %lt3A_424 = arith.constant 0 : i32
      %lt3A_425 = arith.cmpi slt, %select_n3A_418, %lt3A_424 : i32
      %ne3A_426 = arith.xori %lt3A_423, %lt3A_425 : i1
      %and3A_427 = arith.andi %ne3A_426, %ne3A_421 : i1
      %add3A_428 = arith.addi %rem3A_419, %select_n3A_418 : i32
      %select_n3A_429 = arith.select %and3A_427, %add3A_428, %rem3A_419 : i32
      %mul3A_430 = arith.constant 4 : i32
      %mul3A_431 = arith.muli %select_n3A_429, %mul3A_430 : i32
      %add3A_432 = arith.constant 2 : i32
      %add3A_433 = arith.addi %mul3A_431, %add3A_432 : i32
      %broadcast_in_dim3A_434 = arith.constant 0.000000e+00 : f32
      %broadcast_in_dim3A_435 = vector.broadcast %broadcast_in_dim3A_434 : f32 to vector<16xf32>
      %broadcast_in_dim3A_436 = arith.constant 0.000000e+00 : f32
      %broadcast_in_dim3A_437 = vector.broadcast %broadcast_in_dim3A_436 : f32 to vector<16xf32>
      %broadcast_in_dim3A_438 = arith.constant 0.000000e+00 : f32
      %broadcast_in_dim3A_439 = vector.broadcast %broadcast_in_dim3A_438 : f32 to vector<16xf32>
      %broadcast_in_dim3A_440 = arith.constant 0.000000e+00 : f32
      %broadcast_in_dim3A_441 = vector.broadcast %broadcast_in_dim3A_440 : f32 to vector<16xf32>
      %broadcast_in_dim3A_442 = arith.constant 0.000000e+00 : f32
      %broadcast_in_dim3A_443 = vector.broadcast %broadcast_in_dim3A_442 : f32 to vector<16xf32>
      %broadcast_in_dim3A_444 = arith.constant 0.000000e+00 : f32
      %broadcast_in_dim3A_445 = vector.broadcast %broadcast_in_dim3A_444 : f32 to vector<16xf32>
      %broadcast_in_dim3A_446 = arith.constant 0.000000e+00 : f32
      %broadcast_in_dim3A_447 = vector.broadcast %broadcast_in_dim3A_446 : f32 to vector<16xf32>
      %broadcast_in_dim3A_448 = arith.constant 0.000000e+00 : f32
      %broadcast_in_dim3A_449 = vector.broadcast %broadcast_in_dim3A_448 : f32 to vector<16xf32>
      %scan3A_450 = arith.constant 0 : i32
      %scan3A_451 = arith.constant 25 : i32
      %scan3A_452 = arith.addi %scan3A_450, %scan3A_451 : i32
      %scan3A_453 = arith.constant 1 : i32
      %scan3A_454:8 = scf.for %scan3A_755 = %scan3A_450 to %scan3A_452 step %scan3A_453 iter_args(%scan3A_756 = %broadcast_in_dim3A_435, %scan3A_757 = %broadcast_in_dim3A_437, %scan3A_758 = %broadcast_in_dim3A_439, %scan3A_759 = %broadcast_in_dim3A_441, %scan3A_760 = %broadcast_in_dim3A_443, %scan3A_761 = %broadcast_in_dim3A_445, %scan3A_762 = %broadcast_in_dim3A_447, %scan3A_763 = %broadcast_in_dim3A_449) -> (vector<16xf32>, vector<16xf32>, vector<16xf32>, vector<16xf32>, vector<16xf32>, vector<16xf32>, vector<16xf32>, vector<16xf32>)  : i32 {
        %mul3A_764 = arith.constant 2 : i32
        %mul3A_765 = arith.muli %mul3A_764, %scan3A_755 : i32
        %add3A_766 = arith.constant 0 : i32
        %add3A_767 = arith.addi %add3A_766, %mul3A_765 : i32
        %get3A = arith.constant 2 : i32
        %get3A_768 = arith.index_cast %get3A : i32 to index
        %get3A_769 = arith.index_cast %add3A_767 : i32 to index
        %get3A_770 = arith.constant 0 : index
        %get3A_771 = tpu.vector_load %arg6[%get3A_768, %get3A_769, %get3A_770] {strides = array<i32>} : memref<4x100x128xf32, #tpu.memory_space<vmem>>, vector<1x1x16xf32>,
        %get3A_772 = vector.shape_cast %get3A_771 : vector<1x1x16xf32> to vector<16xf32>
        %add3A_773 = arith.addf %scan3A_756, %get3A_772 : vector<16xf32>
        %add3A_774 = arith.constant 1 : i32
        %add3A_775 = arith.addi %add3A_767, %add3A_774 : i32
        %get3A_776 = arith.constant 2 : i32
        %get3A_777 = arith.index_cast %get3A_776 : i32 to index
        %get3A_778 = arith.index_cast %add3A_775 : i32 to index
        %get3A_779 = arith.constant 0 : index
        %get3A_780 = tpu.vector_load %arg6[%get3A_777, %get3A_778, %get3A_779] {strides = array<i32>} : memref<4x100x128xf32, #tpu.memory_space<vmem>>, vector<1x1x16xf32>,
        %get3A_781 = vector.shape_cast %get3A_780 : vector<1x1x16xf32> to vector<16xf32>
        %add3A_782 = arith.addf %add3A_773, %get3A_781 : vector<16xf32>
        %get3A_783 = arith.constant 2 : i32
        %get3A_784 = arith.index_cast %get3A_783 : i32 to index
        %get3A_785 = arith.index_cast %add3A_767 : i32 to index
        %get3A_786 = arith.constant 16 : index
        %get3A_787 = tpu.vector_load %arg6[%get3A_784, %get3A_785, %get3A_786] {strides = array<i32>} : memref<4x100x128xf32, #tpu.memory_space<vmem>>, vector<1x1x16xf32>,
        %get3A_788 = vector.shape_cast %get3A_787 : vector<1x1x16xf32> to vector<16xf32>
        %add3A_789 = arith.addf %scan3A_757, %get3A_788 : vector<16xf32>
        %add3A_790 = arith.constant 1 : i32
        %add3A_791 = arith.addi %add3A_767, %add3A_790 : i32
        %get3A_792 = arith.constant 2 : i32
        %get3A_793 = arith.index_cast %get3A_792 : i32 to index
        %get3A_794 = arith.index_cast %add3A_791 : i32 to index
        %get3A_795 = arith.constant 16 : index
        %get3A_796 = tpu.vector_load %arg6[%get3A_793, %get3A_794, %get3A_795] {strides = array<i32>} : memref<4x100x128xf32, #tpu.memory_space<vmem>>, vector<1x1x16xf32>,
        %get3A_797 = vector.shape_cast %get3A_796 : vector<1x1x16xf32> to vector<16xf32>
        %add3A_798 = arith.addf %add3A_789, %get3A_797 : vector<16xf32>
        %get3A_799 = arith.constant 2 : i32
        %get3A_800 = arith.index_cast %get3A_799 : i32 to index
        %get3A_801 = arith.index_cast %add3A_767 : i32 to index
        %get3A_802 = arith.constant 32 : index
        %get3A_803 = tpu.vector_load %arg6[%get3A_800, %get3A_801, %get3A_802] {strides = array<i32>} : memref<4x100x128xf32, #tpu.memory_space<vmem>>, vector<1x1x16xf32>,
        %get3A_804 = vector.shape_cast %get3A_803 : vector<1x1x16xf32> to vector<16xf32>
        %add3A_805 = arith.addf %scan3A_758, %get3A_804 : vector<16xf32>
        %add3A_806 = arith.constant 1 : i32
        %add3A_807 = arith.addi %add3A_767, %add3A_806 : i32
        %get3A_808 = arith.constant 2 : i32
        %get3A_809 = arith.index_cast %get3A_808 : i32 to index
        %get3A_810 = arith.index_cast %add3A_807 : i32 to index
        %get3A_811 = arith.constant 32 : index
        %get3A_812 = tpu.vector_load %arg6[%get3A_809, %get3A_810, %get3A_811] {strides = array<i32>} : memref<4x100x128xf32, #tpu.memory_space<vmem>>, vector<1x1x16xf32>,
        %get3A_813 = vector.shape_cast %get3A_812 : vector<1x1x16xf32> to vector<16xf32>
        %add3A_814 = arith.addf %add3A_805, %get3A_813 : vector<16xf32>
        %get3A_815 = arith.constant 2 : i32
        %get3A_816 = arith.index_cast %get3A_815 : i32 to index
        %get3A_817 = arith.index_cast %add3A_767 : i32 to index
        %get3A_818 = arith.constant 48 : index
        %get3A_819 = tpu.vector_load %arg6[%get3A_816, %get3A_817, %get3A_818] {strides = array<i32>} : memref<4x100x128xf32, #tpu.memory_space<vmem>>, vector<1x1x16xf32>,
        %get3A_820 = vector.shape_cast %get3A_819 : vector<1x1x16xf32> to vector<16xf32>
        %add3A_821 = arith.addf %scan3A_759, %get3A_820 : vector<16xf32>
        %add3A_822 = arith.constant 1 : i32
        %add3A_823 = arith.addi %add3A_767, %add3A_822 : i32
        %get3A_824 = arith.constant 2 : i32
        %get3A_825 = arith.index_cast %get3A_824 : i32 to index
        %get3A_826 = arith.index_cast %add3A_823 : i32 to index
        %get3A_827 = arith.constant 48 : index
        %get3A_828 = tpu.vector_load %arg6[%get3A_825, %get3A_826, %get3A_827] {strides = array<i32>} : memref<4x100x128xf32, #tpu.memory_space<vmem>>, vector<1x1x16xf32>,
        %get3A_829 = vector.shape_cast %get3A_828 : vector<1x1x16xf32> to vector<16xf32>
        %add3A_830 = arith.addf %add3A_821, %get3A_829 : vector<16xf32>
        %get3A_831 = arith.constant 2 : i32
        %get3A_832 = arith.index_cast %get3A_831 : i32 to index
        %get3A_833 = arith.index_cast %add3A_767 : i32 to index
        %get3A_834 = arith.constant 64 : index
        %get3A_835 = tpu.vector_load %arg6[%get3A_832, %get3A_833, %get3A_834] {strides = array<i32>} : memref<4x100x128xf32, #tpu.memory_space<vmem>>, vector<1x1x16xf32>,
        %get3A_836 = vector.shape_cast %get3A_835 : vector<1x1x16xf32> to vector<16xf32>
        %add3A_837 = arith.addf %scan3A_760, %get3A_836 : vector<16xf32>
        %add3A_838 = arith.constant 1 : i32
        %add3A_839 = arith.addi %add3A_767, %add3A_838 : i32
        %get3A_840 = arith.constant 2 : i32
        %get3A_841 = arith.index_cast %get3A_840 : i32 to index
        %get3A_842 = arith.index_cast %add3A_839 : i32 to index
        %get3A_843 = arith.constant 64 : index
        %get3A_844 = tpu.vector_load %arg6[%get3A_841, %get3A_842, %get3A_843] {strides = array<i32>} : memref<4x100x128xf32, #tpu.memory_space<vmem>>, vector<1x1x16xf32>,
        %get3A_845 = vector.shape_cast %get3A_844 : vector<1x1x16xf32> to vector<16xf32>
        %add3A_846 = arith.addf %add3A_837, %get3A_845 : vector<16xf32>
        %get3A_847 = arith.constant 2 : i32
        %get3A_848 = arith.index_cast %get3A_847 : i32 to index
        %get3A_849 = arith.index_cast %add3A_767 : i32 to index
        %get3A_850 = arith.constant 80 : index
        %get3A_851 = tpu.vector_load %arg6[%get3A_848, %get3A_849, %get3A_850] {strides = array<i32>} : memref<4x100x128xf32, #tpu.memory_space<vmem>>, vector<1x1x16xf32>,
        %get3A_852 = vector.shape_cast %get3A_851 : vector<1x1x16xf32> to vector<16xf32>
        %add3A_853 = arith.addf %scan3A_761, %get3A_852 : vector<16xf32>
        %add3A_854 = arith.constant 1 : i32
        %add3A_855 = arith.addi %add3A_767, %add3A_854 : i32
        %get3A_856 = arith.constant 2 : i32
        %get3A_857 = arith.index_cast %get3A_856 : i32 to index
        %get3A_858 = arith.index_cast %add3A_855 : i32 to index
        %get3A_859 = arith.constant 80 : index
        %get3A_860 = tpu.vector_load %arg6[%get3A_857, %get3A_858, %get3A_859] {strides = array<i32>} : memref<4x100x128xf32, #tpu.memory_space<vmem>>, vector<1x1x16xf32>,
        %get3A_861 = vector.shape_cast %get3A_860 : vector<1x1x16xf32> to vector<16xf32>
        %add3A_862 = arith.addf %add3A_853, %get3A_861 : vector<16xf32>
        %get3A_863 = arith.constant 2 : i32
        %get3A_864 = arith.index_cast %get3A_863 : i32 to index
        %get3A_865 = arith.index_cast %add3A_767 : i32 to index
        %get3A_866 = arith.constant 96 : index
        %get3A_867 = tpu.vector_load %arg6[%get3A_864, %get3A_865, %get3A_866] {strides = array<i32>} : memref<4x100x128xf32, #tpu.memory_space<vmem>>, vector<1x1x16xf32>,
        %get3A_868 = vector.shape_cast %get3A_867 : vector<1x1x16xf32> to vector<16xf32>
        %add3A_869 = arith.addf %scan3A_762, %get3A_868 : vector<16xf32>
        %add3A_870 = arith.constant 1 : i32
        %add3A_871 = arith.addi %add3A_767, %add3A_870 : i32
        %get3A_872 = arith.constant 2 : i32
        %get3A_873 = arith.index_cast %get3A_872 : i32 to index
        %get3A_874 = arith.index_cast %add3A_871 : i32 to index
        %get3A_875 = arith.constant 96 : index
        %get3A_876 = tpu.vector_load %arg6[%get3A_873, %get3A_874, %get3A_875] {strides = array<i32>} : memref<4x100x128xf32, #tpu.memory_space<vmem>>, vector<1x1x16xf32>,
        %get3A_877 = vector.shape_cast %get3A_876 : vector<1x1x16xf32> to vector<16xf32>
        %add3A_878 = arith.addf %add3A_869, %get3A_877 : vector<16xf32>
        %get3A_879 = arith.constant 2 : i32
        %get3A_880 = arith.index_cast %get3A_879 : i32 to index
        %get3A_881 = arith.index_cast %add3A_767 : i32 to index
        %get3A_882 = arith.constant 112 : index
        %get3A_883 = tpu.vector_load %arg6[%get3A_880, %get3A_881, %get3A_882] {strides = array<i32>} : memref<4x100x128xf32, #tpu.memory_space<vmem>>, vector<1x1x16xf32>,
        %get3A_884 = vector.shape_cast %get3A_883 : vector<1x1x16xf32> to vector<16xf32>
        %add3A_885 = arith.addf %scan3A_763, %get3A_884 : vector<16xf32>
        %add3A_886 = arith.constant 1 : i32
        %add3A_887 = arith.addi %add3A_767, %add3A_886 : i32
        %get3A_888 = arith.constant 2 : i32
        %get3A_889 = arith.index_cast %get3A_888 : i32 to index
        %get3A_890 = arith.index_cast %add3A_887 : i32 to index
        %get3A_891 = arith.constant 112 : index
        %get3A_892 = tpu.vector_load %arg6[%get3A_889, %get3A_890, %get3A_891] {strides = array<i32>} : memref<4x100x128xf32, #tpu.memory_space<vmem>>, vector<1x1x16xf32>,
        %get3A_893 = vector.shape_cast %get3A_892 : vector<1x1x16xf32> to vector<16xf32>
        %add3A_894 = arith.addf %add3A_885, %get3A_893 : vector<16xf32>
        scf.yield %add3A_782, %add3A_798, %add3A_814, %add3A_830, %add3A_846, %add3A_862, %add3A_878, %add3A_894 : vector<16xf32>, vector<16xf32>, vector<16xf32>, vector<16xf32>, vector<16xf32>, vector<16xf32>, vector<16xf32>, vector<16xf32>
      }
      %scan3A_455 = arith.constant 25 : i32
      %swap3A_456 = arith.index_cast %add3A_433 : i32 to index
      %swap3A_457 = arith.constant 0 : index
      %swap3A_458 = tpu.vector_load %arg7[%swap3A_456, %swap3A_457] {strides = array<i32>} : memref<16x256xf32, #tpu.memory_space<vmem>>, vector<1x16xf32>,
      %swap3A_459 = vector.shape_cast %swap3A_458 : vector<1x16xf32> to vector<16xf32>
      %swap3A_460 = vector.shape_cast %scan3A_454#0 : vector<16xf32> to vector<1x16xf32>
      tpu.vector_store %arg7[%swap3A_456, %swap3A_457], %swap3A_460 {strides = array<i32>} : memref<16x256xf32, #tpu.memory_space<vmem>>, vector<1x16xf32>,
      %swap3A_461 = arith.index_cast %add3A_433 : i32 to index
      %swap3A_462 = arith.constant 16 : index
      %swap3A_463 = tpu.vector_load %arg7[%swap3A_461, %swap3A_462] {strides = array<i32>} : memref<16x256xf32, #tpu.memory_space<vmem>>, vector<1x16xf32>,
      %swap3A_464 = vector.shape_cast %swap3A_463 : vector<1x16xf32> to vector<16xf32>
      %swap3A_465 = vector.shape_cast %scan3A_454#1 : vector<16xf32> to vector<1x16xf32>
      tpu.vector_store %arg7[%swap3A_461, %swap3A_462], %swap3A_465 {strides = array<i32>} : memref<16x256xf32, #tpu.memory_space<vmem>>, vector<1x16xf32>,
      %swap3A_466 = arith.index_cast %add3A_433 : i32 to index
      %swap3A_467 = arith.constant 32 : index
      %swap3A_468 = tpu.vector_load %arg7[%swap3A_466, %swap3A_467] {strides = array<i32>} : memref<16x256xf32, #tpu.memory_space<vmem>>, vector<1x16xf32>,
      %swap3A_469 = vector.shape_cast %swap3A_468 : vector<1x16xf32> to vector<16xf32>
      %swap3A_470 = vector.shape_cast %scan3A_454#2 : vector<16xf32> to vector<1x16xf32>
      tpu.vector_store %arg7[%swap3A_466, %swap3A_467], %swap3A_470 {strides = array<i32>} : memref<16x256xf32, #tpu.memory_space<vmem>>, vector<1x16xf32>,
      %swap3A_471 = arith.index_cast %add3A_433 : i32 to index
      %swap3A_472 = arith.constant 48 : index
      %swap3A_473 = tpu.vector_load %arg7[%swap3A_471, %swap3A_472] {strides = array<i32>} : memref<16x256xf32, #tpu.memory_space<vmem>>, vector<1x16xf32>,
      %swap3A_474 = vector.shape_cast %swap3A_473 : vector<1x16xf32> to vector<16xf32>
      %swap3A_475 = vector.shape_cast %scan3A_454#3 : vector<16xf32> to vector<1x16xf32>
      tpu.vector_store %arg7[%swap3A_471, %swap3A_472], %swap3A_475 {strides = array<i32>} : memref<16x256xf32, #tpu.memory_space<vmem>>, vector<1x16xf32>,
      %swap3A_476 = arith.index_cast %add3A_433 : i32 to index
      %swap3A_477 = arith.constant 64 : index
      %swap3A_478 = tpu.vector_load %arg7[%swap3A_476, %swap3A_477] {strides = array<i32>} : memref<16x256xf32, #tpu.memory_space<vmem>>, vector<1x16xf32>,
      %swap3A_479 = vector.shape_cast %swap3A_478 : vector<1x16xf32> to vector<16xf32>
      %swap3A_480 = vector.shape_cast %scan3A_454#4 : vector<16xf32> to vector<1x16xf32>
      tpu.vector_store %arg7[%swap3A_476, %swap3A_477], %swap3A_480 {strides = array<i32>} : memref<16x256xf32, #tpu.memory_space<vmem>>, vector<1x16xf32>,
      %swap3A_481 = arith.index_cast %add3A_433 : i32 to index
      %swap3A_482 = arith.constant 80 : index
      %swap3A_483 = tpu.vector_load %arg7[%swap3A_481, %swap3A_482] {strides = array<i32>} : memref<16x256xf32, #tpu.memory_space<vmem>>, vector<1x16xf32>,
      %swap3A_484 = vector.shape_cast %swap3A_483 : vector<1x16xf32> to vector<16xf32>
      %swap3A_485 = vector.shape_cast %scan3A_454#5 : vector<16xf32> to vector<1x16xf32>
      tpu.vector_store %arg7[%swap3A_481, %swap3A_482], %swap3A_485 {strides = array<i32>} : memref<16x256xf32, #tpu.memory_space<vmem>>, vector<1x16xf32>,
      %swap3A_486 = arith.index_cast %add3A_433 : i32 to index
      %swap3A_487 = arith.constant 96 : index
      %swap3A_488 = tpu.vector_load %arg7[%swap3A_486, %swap3A_487] {strides = array<i32>} : memref<16x256xf32, #tpu.memory_space<vmem>>, vector<1x16xf32>,
      %swap3A_489 = vector.shape_cast %swap3A_488 : vector<1x16xf32> to vector<16xf32>
      %swap3A_490 = vector.shape_cast %scan3A_454#6 : vector<16xf32> to vector<1x16xf32>
      tpu.vector_store %arg7[%swap3A_486, %swap3A_487], %swap3A_490 {strides = array<i32>} : memref<16x256xf32, #tpu.memory_space<vmem>>, vector<1x16xf32>,
      %swap3A_491 = arith.index_cast %add3A_433 : i32 to index
      %swap3A_492 = arith.constant 112 : index
      %swap3A_493 = tpu.vector_load %arg7[%swap3A_491, %swap3A_492] {strides = array<i32>} : memref<16x256xf32, #tpu.memory_space<vmem>>, vector<1x16xf32>,
      %swap3A_494 = vector.shape_cast %swap3A_493 : vector<1x16xf32> to vector<16xf32>
      %swap3A_495 = vector.shape_cast %scan3A_454#7 : vector<16xf32> to vector<1x16xf32>
      tpu.vector_store %arg7[%swap3A_491, %swap3A_492], %swap3A_495 {strides = array<i32>} : memref<16x256xf32, #tpu.memory_space<vmem>>, vector<1x16xf32>,
      %broadcast_in_dim3A_496 = arith.constant 0.000000e+00 : f32
      %broadcast_in_dim3A_497 = vector.broadcast %broadcast_in_dim3A_496 : f32 to vector<16xf32>
      %broadcast_in_dim3A_498 = arith.constant 0.000000e+00 : f32
      %broadcast_in_dim3A_499 = vector.broadcast %broadcast_in_dim3A_498 : f32 to vector<16xf32>
      %broadcast_in_dim3A_500 = arith.constant 0.000000e+00 : f32
      %broadcast_in_dim3A_501 = vector.broadcast %broadcast_in_dim3A_500 : f32 to vector<16xf32>
      %broadcast_in_dim3A_502 = arith.constant 0.000000e+00 : f32
      %broadcast_in_dim3A_503 = vector.broadcast %broadcast_in_dim3A_502 : f32 to vector<16xf32>
      %broadcast_in_dim3A_504 = arith.constant 0.000000e+00 : f32
      %broadcast_in_dim3A_505 = vector.broadcast %broadcast_in_dim3A_504 : f32 to vector<16xf32>
      %broadcast_in_dim3A_506 = arith.constant 0.000000e+00 : f32
      %broadcast_in_dim3A_507 = vector.broadcast %broadcast_in_dim3A_506 : f32 to vector<16xf32>
      %broadcast_in_dim3A_508 = arith.constant 0.000000e+00 : f32
      %broadcast_in_dim3A_509 = vector.broadcast %broadcast_in_dim3A_508 : f32 to vector<16xf32>
      %broadcast_in_dim3A_510 = arith.constant 0.000000e+00 : f32
      %broadcast_in_dim3A_511 = vector.broadcast %broadcast_in_dim3A_510 : f32 to vector<16xf32>
      %scan3A_512 = arith.constant 0 : i32
      %scan3A_513 = arith.constant 25 : i32
      %scan3A_514 = arith.addi %scan3A_512, %scan3A_513 : i32
      %scan3A_515 = arith.constant 1 : i32
      %scan3A_516:8 = scf.for %scan3A_755 = %scan3A_512 to %scan3A_514 step %scan3A_515 iter_args(%scan3A_756 = %broadcast_in_dim3A_497, %scan3A_757 = %broadcast_in_dim3A_499, %scan3A_758 = %broadcast_in_dim3A_501, %scan3A_759 = %broadcast_in_dim3A_503, %scan3A_760 = %broadcast_in_dim3A_505, %scan3A_761 = %broadcast_in_dim3A_507, %scan3A_762 = %broadcast_in_dim3A_509, %scan3A_763 = %broadcast_in_dim3A_511) -> (vector<16xf32>, vector<16xf32>, vector<16xf32>, vector<16xf32>, vector<16xf32>, vector<16xf32>, vector<16xf32>, vector<16xf32>)  : i32 {
        %mul3A_764 = arith.constant 2 : i32
        %mul3A_765 = arith.muli %mul3A_764, %scan3A_755 : i32
        %add3A_766 = arith.constant 50 : i32
        %add3A_767 = arith.addi %add3A_766, %mul3A_765 : i32
        %get3A = arith.constant 2 : i32
        %get3A_768 = arith.index_cast %get3A : i32 to index
        %get3A_769 = arith.index_cast %add3A_767 : i32 to index
        %get3A_770 = arith.constant 0 : index
        %get3A_771 = tpu.vector_load %arg6[%get3A_768, %get3A_769, %get3A_770] {strides = array<i32>} : memref<4x100x128xf32, #tpu.memory_space<vmem>>, vector<1x1x16xf32>,
        %get3A_772 = vector.shape_cast %get3A_771 : vector<1x1x16xf32> to vector<16xf32>
        %add3A_773 = arith.addf %scan3A_756, %get3A_772 : vector<16xf32>
        %add3A_774 = arith.constant 1 : i32
        %add3A_775 = arith.addi %add3A_767, %add3A_774 : i32
        %get3A_776 = arith.constant 2 : i32
        %get3A_777 = arith.index_cast %get3A_776 : i32 to index
        %get3A_778 = arith.index_cast %add3A_775 : i32 to index
        %get3A_779 = arith.constant 0 : index
        %get3A_780 = tpu.vector_load %arg6[%get3A_777, %get3A_778, %get3A_779] {strides = array<i32>} : memref<4x100x128xf32, #tpu.memory_space<vmem>>, vector<1x1x16xf32>,
        %get3A_781 = vector.shape_cast %get3A_780 : vector<1x1x16xf32> to vector<16xf32>
        %add3A_782 = arith.addf %add3A_773, %get3A_781 : vector<16xf32>
        %get3A_783 = arith.constant 2 : i32
        %get3A_784 = arith.index_cast %get3A_783 : i32 to index
        %get3A_785 = arith.index_cast %add3A_767 : i32 to index
        %get3A_786 = arith.constant 16 : index
        %get3A_787 = tpu.vector_load %arg6[%get3A_784, %get3A_785, %get3A_786] {strides = array<i32>} : memref<4x100x128xf32, #tpu.memory_space<vmem>>, vector<1x1x16xf32>,
        %get3A_788 = vector.shape_cast %get3A_787 : vector<1x1x16xf32> to vector<16xf32>
        %add3A_789 = arith.addf %scan3A_757, %get3A_788 : vector<16xf32>
        %add3A_790 = arith.constant 1 : i32
        %add3A_791 = arith.addi %add3A_767, %add3A_790 : i32
        %get3A_792 = arith.constant 2 : i32
        %get3A_793 = arith.index_cast %get3A_792 : i32 to index
        %get3A_794 = arith.index_cast %add3A_791 : i32 to index
        %get3A_795 = arith.constant 16 : index
        %get3A_796 = tpu.vector_load %arg6[%get3A_793, %get3A_794, %get3A_795] {strides = array<i32>} : memref<4x100x128xf32, #tpu.memory_space<vmem>>, vector<1x1x16xf32>,
        %get3A_797 = vector.shape_cast %get3A_796 : vector<1x1x16xf32> to vector<16xf32>
        %add3A_798 = arith.addf %add3A_789, %get3A_797 : vector<16xf32>
        %get3A_799 = arith.constant 2 : i32
        %get3A_800 = arith.index_cast %get3A_799 : i32 to index
        %get3A_801 = arith.index_cast %add3A_767 : i32 to index
        %get3A_802 = arith.constant 32 : index
        %get3A_803 = tpu.vector_load %arg6[%get3A_800, %get3A_801, %get3A_802] {strides = array<i32>} : memref<4x100x128xf32, #tpu.memory_space<vmem>>, vector<1x1x16xf32>,
        %get3A_804 = vector.shape_cast %get3A_803 : vector<1x1x16xf32> to vector<16xf32>
        %add3A_805 = arith.addf %scan3A_758, %get3A_804 : vector<16xf32>
        %add3A_806 = arith.constant 1 : i32
        %add3A_807 = arith.addi %add3A_767, %add3A_806 : i32
        %get3A_808 = arith.constant 2 : i32
        %get3A_809 = arith.index_cast %get3A_808 : i32 to index
        %get3A_810 = arith.index_cast %add3A_807 : i32 to index
        %get3A_811 = arith.constant 32 : index
        %get3A_812 = tpu.vector_load %arg6[%get3A_809, %get3A_810, %get3A_811] {strides = array<i32>} : memref<4x100x128xf32, #tpu.memory_space<vmem>>, vector<1x1x16xf32>,
        %get3A_813 = vector.shape_cast %get3A_812 : vector<1x1x16xf32> to vector<16xf32>
        %add3A_814 = arith.addf %add3A_805, %get3A_813 : vector<16xf32>
        %get3A_815 = arith.constant 2 : i32
        %get3A_816 = arith.index_cast %get3A_815 : i32 to index
        %get3A_817 = arith.index_cast %add3A_767 : i32 to index
        %get3A_818 = arith.constant 48 : index
        %get3A_819 = tpu.vector_load %arg6[%get3A_816, %get3A_817, %get3A_818] {strides = array<i32>} : memref<4x100x128xf32, #tpu.memory_space<vmem>>, vector<1x1x16xf32>,
        %get3A_820 = vector.shape_cast %get3A_819 : vector<1x1x16xf32> to vector<16xf32>
        %add3A_821 = arith.addf %scan3A_759, %get3A_820 : vector<16xf32>
        %add3A_822 = arith.constant 1 : i32
        %add3A_823 = arith.addi %add3A_767, %add3A_822 : i32
        %get3A_824 = arith.constant 2 : i32
        %get3A_825 = arith.index_cast %get3A_824 : i32 to index
        %get3A_826 = arith.index_cast %add3A_823 : i32 to index
        %get3A_827 = arith.constant 48 : index
        %get3A_828 = tpu.vector_load %arg6[%get3A_825, %get3A_826, %get3A_827] {strides = array<i32>} : memref<4x100x128xf32, #tpu.memory_space<vmem>>, vector<1x1x16xf32>,
        %get3A_829 = vector.shape_cast %get3A_828 : vector<1x1x16xf32> to vector<16xf32>
        %add3A_830 = arith.addf %add3A_821, %get3A_829 : vector<16xf32>
        %get3A_831 = arith.constant 2 : i32
        %get3A_832 = arith.index_cast %get3A_831 : i32 to index
        %get3A_833 = arith.index_cast %add3A_767 : i32 to index
        %get3A_834 = arith.constant 64 : index
        %get3A_835 = tpu.vector_load %arg6[%get3A_832, %get3A_833, %get3A_834] {strides = array<i32>} : memref<4x100x128xf32, #tpu.memory_space<vmem>>, vector<1x1x16xf32>,
        %get3A_836 = vector.shape_cast %get3A_835 : vector<1x1x16xf32> to vector<16xf32>
        %add3A_837 = arith.addf %scan3A_760, %get3A_836 : vector<16xf32>
        %add3A_838 = arith.constant 1 : i32
        %add3A_839 = arith.addi %add3A_767, %add3A_838 : i32
        %get3A_840 = arith.constant 2 : i32
        %get3A_841 = arith.index_cast %get3A_840 : i32 to index
        %get3A_842 = arith.index_cast %add3A_839 : i32 to index
        %get3A_843 = arith.constant 64 : index
        %get3A_844 = tpu.vector_load %arg6[%get3A_841, %get3A_842, %get3A_843] {strides = array<i32>} : memref<4x100x128xf32, #tpu.memory_space<vmem>>, vector<1x1x16xf32>,
        %get3A_845 = vector.shape_cast %get3A_844 : vector<1x1x16xf32> to vector<16xf32>
        %add3A_846 = arith.addf %add3A_837, %get3A_845 : vector<16xf32>
        %get3A_847 = arith.constant 2 : i32
        %get3A_848 = arith.index_cast %get3A_847 : i32 to index
        %get3A_849 = arith.index_cast %add3A_767 : i32 to index
        %get3A_850 = arith.constant 80 : index
        %get3A_851 = tpu.vector_load %arg6[%get3A_848, %get3A_849, %get3A_850] {strides = array<i32>} : memref<4x100x128xf32, #tpu.memory_space<vmem>>, vector<1x1x16xf32>,
        %get3A_852 = vector.shape_cast %get3A_851 : vector<1x1x16xf32> to vector<16xf32>
        %add3A_853 = arith.addf %scan3A_761, %get3A_852 : vector<16xf32>
        %add3A_854 = arith.constant 1 : i32
        %add3A_855 = arith.addi %add3A_767, %add3A_854 : i32
        %get3A_856 = arith.constant 2 : i32
        %get3A_857 = arith.index_cast %get3A_856 : i32 to index
        %get3A_858 = arith.index_cast %add3A_855 : i32 to index
        %get3A_859 = arith.constant 80 : index
        %get3A_860 = tpu.vector_load %arg6[%get3A_857, %get3A_858, %get3A_859] {strides = array<i32>} : memref<4x100x128xf32, #tpu.memory_space<vmem>>, vector<1x1x16xf32>,
        %get3A_861 = vector.shape_cast %get3A_860 : vector<1x1x16xf32> to vector<16xf32>
        %add3A_862 = arith.addf %add3A_853, %get3A_861 : vector<16xf32>
        %get3A_863 = arith.constant 2 : i32
        %get3A_864 = arith.index_cast %get3A_863 : i32 to index
        %get3A_865 = arith.index_cast %add3A_767 : i32 to index
        %get3A_866 = arith.constant 96 : index
        %get3A_867 = tpu.vector_load %arg6[%get3A_864, %get3A_865, %get3A_866] {strides = array<i32>} : memref<4x100x128xf32, #tpu.memory_space<vmem>>, vector<1x1x16xf32>,
        %get3A_868 = vector.shape_cast %get3A_867 : vector<1x1x16xf32> to vector<16xf32>
        %add3A_869 = arith.addf %scan3A_762, %get3A_868 : vector<16xf32>
        %add3A_870 = arith.constant 1 : i32
        %add3A_871 = arith.addi %add3A_767, %add3A_870 : i32
        %get3A_872 = arith.constant 2 : i32
        %get3A_873 = arith.index_cast %get3A_872 : i32 to index
        %get3A_874 = arith.index_cast %add3A_871 : i32 to index
        %get3A_875 = arith.constant 96 : index
        %get3A_876 = tpu.vector_load %arg6[%get3A_873, %get3A_874, %get3A_875] {strides = array<i32>} : memref<4x100x128xf32, #tpu.memory_space<vmem>>, vector<1x1x16xf32>,
        %get3A_877 = vector.shape_cast %get3A_876 : vector<1x1x16xf32> to vector<16xf32>
        %add3A_878 = arith.addf %add3A_869, %get3A_877 : vector<16xf32>
        %get3A_879 = arith.constant 2 : i32
        %get3A_880 = arith.index_cast %get3A_879 : i32 to index
        %get3A_881 = arith.index_cast %add3A_767 : i32 to index
        %get3A_882 = arith.constant 112 : index
        %get3A_883 = tpu.vector_load %arg6[%get3A_880, %get3A_881, %get3A_882] {strides = array<i32>} : memref<4x100x128xf32, #tpu.memory_space<vmem>>, vector<1x1x16xf32>,
        %get3A_884 = vector.shape_cast %get3A_883 : vector<1x1x16xf32> to vector<16xf32>
        %add3A_885 = arith.addf %scan3A_763, %get3A_884 : vector<16xf32>
        %add3A_886 = arith.constant 1 : i32
        %add3A_887 = arith.addi %add3A_767, %add3A_886 : i32
        %get3A_888 = arith.constant 2 : i32
        %get3A_889 = arith.index_cast %get3A_888 : i32 to index
        %get3A_890 = arith.index_cast %add3A_887 : i32 to index
        %get3A_891 = arith.constant 112 : index
        %get3A_892 = tpu.vector_load %arg6[%get3A_889, %get3A_890, %get3A_891] {strides = array<i32>} : memref<4x100x128xf32, #tpu.memory_space<vmem>>, vector<1x1x16xf32>,
        %get3A_893 = vector.shape_cast %get3A_892 : vector<1x1x16xf32> to vector<16xf32>
        %add3A_894 = arith.addf %add3A_885, %get3A_893 : vector<16xf32>
        scf.yield %add3A_782, %add3A_798, %add3A_814, %add3A_830, %add3A_846, %add3A_862, %add3A_878, %add3A_894 : vector<16xf32>, vector<16xf32>, vector<16xf32>, vector<16xf32>, vector<16xf32>, vector<16xf32>, vector<16xf32>, vector<16xf32>
      }
      %scan3A_517 = arith.constant 25 : i32
      %swap3A_518 = arith.index_cast %add3A_433 : i32 to index
      %swap3A_519 = arith.constant 128 : index
      %swap3A_520 = tpu.vector_load %arg7[%swap3A_518, %swap3A_519] {strides = array<i32>} : memref<16x256xf32, #tpu.memory_space<vmem>>, vector<1x16xf32>,
      %swap3A_521 = vector.shape_cast %swap3A_520 : vector<1x16xf32> to vector<16xf32>
      %swap3A_522 = vector.shape_cast %scan3A_516#0 : vector<16xf32> to vector<1x16xf32>
      tpu.vector_store %arg7[%swap3A_518, %swap3A_519], %swap3A_522 {strides = array<i32>} : memref<16x256xf32, #tpu.memory_space<vmem>>, vector<1x16xf32>,
      %swap3A_523 = arith.index_cast %add3A_433 : i32 to index
      %swap3A_524 = arith.constant 144 : index
      %swap3A_525 = tpu.vector_load %arg7[%swap3A_523, %swap3A_524] {strides = array<i32>} : memref<16x256xf32, #tpu.memory_space<vmem>>, vector<1x16xf32>,
      %swap3A_526 = vector.shape_cast %swap3A_525 : vector<1x16xf32> to vector<16xf32>
      %swap3A_527 = vector.shape_cast %scan3A_516#1 : vector<16xf32> to vector<1x16xf32>
      tpu.vector_store %arg7[%swap3A_523, %swap3A_524], %swap3A_527 {strides = array<i32>} : memref<16x256xf32, #tpu.memory_space<vmem>>, vector<1x16xf32>,
      %swap3A_528 = arith.index_cast %add3A_433 : i32 to index
      %swap3A_529 = arith.constant 160 : index
      %swap3A_530 = tpu.vector_load %arg7[%swap3A_528, %swap3A_529] {strides = array<i32>} : memref<16x256xf32, #tpu.memory_space<vmem>>, vector<1x16xf32>,
      %swap3A_531 = vector.shape_cast %swap3A_530 : vector<1x16xf32> to vector<16xf32>
      %swap3A_532 = vector.shape_cast %scan3A_516#2 : vector<16xf32> to vector<1x16xf32>
      tpu.vector_store %arg7[%swap3A_528, %swap3A_529], %swap3A_532 {strides = array<i32>} : memref<16x256xf32, #tpu.memory_space<vmem>>, vector<1x16xf32>,
      %swap3A_533 = arith.index_cast %add3A_433 : i32 to index
      %swap3A_534 = arith.constant 176 : index
      %swap3A_535 = tpu.vector_load %arg7[%swap3A_533, %swap3A_534] {strides = array<i32>} : memref<16x256xf32, #tpu.memory_space<vmem>>, vector<1x16xf32>,
      %swap3A_536 = vector.shape_cast %swap3A_535 : vector<1x16xf32> to vector<16xf32>
      %swap3A_537 = vector.shape_cast %scan3A_516#3 : vector<16xf32> to vector<1x16xf32>
      tpu.vector_store %arg7[%swap3A_533, %swap3A_534], %swap3A_537 {strides = array<i32>} : memref<16x256xf32, #tpu.memory_space<vmem>>, vector<1x16xf32>,
      %swap3A_538 = arith.index_cast %add3A_433 : i32 to index
      %swap3A_539 = arith.constant 192 : index
      %swap3A_540 = tpu.vector_load %arg7[%swap3A_538, %swap3A_539] {strides = array<i32>} : memref<16x256xf32, #tpu.memory_space<vmem>>, vector<1x16xf32>,
      %swap3A_541 = vector.shape_cast %swap3A_540 : vector<1x16xf32> to vector<16xf32>
      %swap3A_542 = vector.shape_cast %scan3A_516#4 : vector<16xf32> to vector<1x16xf32>
      tpu.vector_store %arg7[%swap3A_538, %swap3A_539], %swap3A_542 {strides = array<i32>} : memref<16x256xf32, #tpu.memory_space<vmem>>, vector<1x16xf32>,
      %swap3A_543 = arith.index_cast %add3A_433 : i32 to index
      %swap3A_544 = arith.constant 208 : index
      %swap3A_545 = tpu.vector_load %arg7[%swap3A_543, %swap3A_544] {strides = array<i32>} : memref<16x256xf32, #tpu.memory_space<vmem>>, vector<1x16xf32>,
      %swap3A_546 = vector.shape_cast %swap3A_545 : vector<1x16xf32> to vector<16xf32>
      %swap3A_547 = vector.shape_cast %scan3A_516#5 : vector<16xf32> to vector<1x16xf32>
      tpu.vector_store %arg7[%swap3A_543, %swap3A_544], %swap3A_547 {strides = array<i32>} : memref<16x256xf32, #tpu.memory_space<vmem>>, vector<1x16xf32>,
      %swap3A_548 = arith.index_cast %add3A_433 : i32 to index
      %swap3A_549 = arith.constant 224 : index
      %swap3A_550 = tpu.vector_load %arg7[%swap3A_548, %swap3A_549] {strides = array<i32>} : memref<16x256xf32, #tpu.memory_space<vmem>>, vector<1x16xf32>,
      %swap3A_551 = vector.shape_cast %swap3A_550 : vector<1x16xf32> to vector<16xf32>
      %swap3A_552 = vector.shape_cast %scan3A_516#6 : vector<16xf32> to vector<1x16xf32>
      tpu.vector_store %arg7[%swap3A_548, %swap3A_549], %swap3A_552 {strides = array<i32>} : memref<16x256xf32, #tpu.memory_space<vmem>>, vector<1x16xf32>,
      %swap3A_553 = arith.index_cast %add3A_433 : i32 to index
      %swap3A_554 = arith.constant 240 : index
      %swap3A_555 = tpu.vector_load %arg7[%swap3A_553, %swap3A_554] {strides = array<i32>} : memref<16x256xf32, #tpu.memory_space<vmem>>, vector<1x16xf32>,
      %swap3A_556 = vector.shape_cast %swap3A_555 : vector<1x16xf32> to vector<16xf32>
      %swap3A_557 = vector.shape_cast %scan3A_516#7 : vector<16xf32> to vector<1x16xf32>
      tpu.vector_store %arg7[%swap3A_553, %swap3A_554], %swap3A_557 {strides = array<i32>} : memref<16x256xf32, #tpu.memory_space<vmem>>, vector<1x16xf32>,
      %add3A_558 = arith.constant 1 : i32
      %add3A_559 = arith.addi %scan3A_69, %add3A_558 : i32
      %lt3A_560 = arith.constant 128 : i32
      %lt3A_561 = arith.cmpi slt, %add3A_559, %lt3A_560 : i32
      %convert_element_type3A_562 = arith.extui %lt3A_561 : i1 to i32
      %cond3A_563 = arith.constant 0 : i32
      %cond3A_564 = arith.cmpi ne, %convert_element_type3A_562, %cond3A_563 : i32
      scf.if %cond3A_564 {
        %add3A_755 = arith.constant 4 : i32
        %add3A_756 = arith.addi %add3A_399, %add3A_755 : i32
        %dma_start3A_757 = arith.constant 2 : i32
        %dma_start3A_758 = arith.constant 2 : i32
        %dma_start3A_759 = arith.constant 0 : i32
        %dma_start3A_760 = arith.constant 0 : i32
        %dma_start3A_761 = tpu.memref_slice %arg6[%dma_start3A_757, %dma_start3A_759, %dma_start3A_760] : memref<4x100x128xf32, #tpu.memory_space<vmem>> -> memref<1x100x128xf32, #tpu.memory_space<vmem>>
        %dma_start3A_762 = tpu.memref_squeeze %dma_start3A_761 : memref<1x100x128xf32, #tpu.memory_space<vmem>> -> memref<100x128xf32, #tpu.memory_space<vmem>>
        %dma_start3A_763 = arith.constant 0 : i32
        %dma_start3A_764 = tpu.memref_slice %arg5[%add3A_756, %dma_start3A_763] : memref<512x100xi32, #tpu.memory_space<vmem>> -> memref<1x100xi32, #tpu.memory_space<vmem>>
        %dma_start3A_765 = tpu.memref_squeeze %dma_start3A_764 : memref<1x100xi32, #tpu.memory_space<vmem>> -> memref<100xi32, #tpu.memory_space<vmem>>
        %dma_start3A_766 = arith.constant 0 : i32
        %dma_start3A_767 = arith.constant 0 : i32
        %dma_start3A_768 = tpu.memref_slice %arg3[%dma_start3A_766, %dma_start3A_767] : memref<100000x128xf32, #tpu.memory_space<hbm>> -> memref<100000x128xf32, #tpu.memory_space<hbm>>
        %dma_start3A_769 = tpu.memref_slice %arg8[%dma_start3A_758] : memref<4x!tpu.dma_semaphore, #tpu.memory_space<semaphore_mem>> -> memref<1x!tpu.dma_semaphore, #tpu.memory_space<semaphore_mem>>
        %dma_start3A_770 = tpu.memref_squeeze %dma_start3A_769 : memref<1x!tpu.dma_semaphore, #tpu.memory_space<semaphore_mem>> -> memref<!tpu.dma_semaphore, #tpu.memory_space<semaphore_mem>>
        tpu.enqueue_indirect_dma source(%dma_start3A_768 : memref<100000x128xf32, #tpu.memory_space<hbm>>) target(%dma_start3A_762 : memref<100x128xf32, #tpu.memory_space<vmem>>) offsets(%dma_start3A_765 : memref<100xi32, #tpu.memory_space<vmem>>) semaphore(%dma_start3A_770 : memref<!tpu.dma_semaphore, #tpu.memory_space<semaphore_mem>>)
      } else {
      }
      %mul3A_565 = arith.constant 4 : i32
      %mul3A_566 = arith.muli %scan3A_69, %mul3A_565 : i32
      %add3A_567 = arith.constant 3 : i32
      %add3A_568 = arith.addi %mul3A_566, %add3A_567 : i32
      %dma_wait3A_569 = arith.constant 3 : i32
      %dma_wait3A_570 = arith.constant 3 : i32
      %dma_wait3A_571 = arith.constant 0 : i32
      %dma_wait3A_572 = arith.constant 0 : i32
      %dma_wait3A_573 = tpu.memref_slice %arg6[%dma_wait3A_569, %dma_wait3A_571, %dma_wait3A_572] : memref<4x100x128xf32, #tpu.memory_space<vmem>> -> memref<1x100x128xf32, #tpu.memory_space<vmem>>
      %dma_wait3A_574 = tpu.memref_squeeze %dma_wait3A_573 : memref<1x100x128xf32, #tpu.memory_space<vmem>> -> memref<100x128xf32, #tpu.memory_space<vmem>>
      %dma_wait3A_575 = arith.constant 0 : i32
      %dma_wait3A_576 = tpu.memref_slice %arg5[%add3A_568, %dma_wait3A_575] : memref<512x100xi32, #tpu.memory_space<vmem>> -> memref<1x100xi32, #tpu.memory_space<vmem>>
      %dma_wait3A_577 = tpu.memref_squeeze %dma_wait3A_576 : memref<1x100xi32, #tpu.memory_space<vmem>> -> memref<100xi32, #tpu.memory_space<vmem>>
      %dma_wait3A_578 = arith.constant 0 : i32
      %dma_wait3A_579 = arith.constant 0 : i32
      %dma_wait3A_580 = tpu.memref_slice %arg3[%dma_wait3A_578, %dma_wait3A_579] : memref<100000x128xf32, #tpu.memory_space<hbm>> -> memref<100000x128xf32, #tpu.memory_space<hbm>>
      %dma_wait3A_581 = tpu.memref_slice %arg8[%dma_wait3A_570] : memref<4x!tpu.dma_semaphore, #tpu.memory_space<semaphore_mem>> -> memref<1x!tpu.dma_semaphore, #tpu.memory_space<semaphore_mem>>
      %dma_wait3A_582 = tpu.memref_squeeze %dma_wait3A_581 : memref<1x!tpu.dma_semaphore, #tpu.memory_space<semaphore_mem>> -> memref<!tpu.dma_semaphore, #tpu.memory_space<semaphore_mem>>
      tpu.wait_indirect_dma semaphore(%dma_wait3A_582 : memref<!tpu.dma_semaphore, #tpu.memory_space<semaphore_mem>>) src(%dma_wait3A_580 : memref<100000x128xf32, #tpu.memory_space<hbm>>) dst(%dma_wait3A_574 : memref<100x128xf32, #tpu.memory_space<vmem>>)
      %jit3A_583 = arith.constant 4 : i32
      %eq3A_584 = arith.constant 0 : i32
      %eq3A_585 = arith.cmpi eq, %jit3A_583, %eq3A_584 : i32
      %jit3A_586 = arith.constant 1 : i32
      %select_n3A_587 = arith.select %eq3A_585, %jit3A_586, %jit3A_583 : i32
      %rem3A_588 = arith.remsi %scan3A_69, %select_n3A_587 : i32
      %ne3A_589 = arith.constant 0 : i32
      %ne3A_590 = arith.cmpi ne, %rem3A_588, %ne3A_589 : i32
      %lt3A_591 = arith.constant 0 : i32
      %lt3A_592 = arith.cmpi slt, %rem3A_588, %lt3A_591 : i32
      %lt3A_593 = arith.constant 0 : i32
      %lt3A_594 = arith.cmpi slt, %select_n3A_587, %lt3A_593 : i32
      %ne3A_595 = arith.xori %lt3A_592, %lt3A_594 : i1
      %and3A_596 = arith.andi %ne3A_595, %ne3A_590 : i1
      %add3A_597 = arith.addi %rem3A_588, %select_n3A_587 : i32
      %select_n3A_598 = arith.select %and3A_596, %add3A_597, %rem3A_588 : i32
      %mul3A_599 = arith.constant 4 : i32
      %mul3A_600 = arith.muli %select_n3A_598, %mul3A_599 : i32
      %add3A_601 = arith.constant 3 : i32
      %add3A_602 = arith.addi %mul3A_600, %add3A_601 : i32
      %broadcast_in_dim3A_603 = arith.constant 0.000000e+00 : f32
      %broadcast_in_dim3A_604 = vector.broadcast %broadcast_in_dim3A_603 : f32 to vector<16xf32>
      %broadcast_in_dim3A_605 = arith.constant 0.000000e+00 : f32
      %broadcast_in_dim3A_606 = vector.broadcast %broadcast_in_dim3A_605 : f32 to vector<16xf32>
      %broadcast_in_dim3A_607 = arith.constant 0.000000e+00 : f32
      %broadcast_in_dim3A_608 = vector.broadcast %broadcast_in_dim3A_607 : f32 to vector<16xf32>
      %broadcast_in_dim3A_609 = arith.constant 0.000000e+00 : f32
      %broadcast_in_dim3A_610 = vector.broadcast %broadcast_in_dim3A_609 : f32 to vector<16xf32>
      %broadcast_in_dim3A_611 = arith.constant 0.000000e+00 : f32
      %broadcast_in_dim3A_612 = vector.broadcast %broadcast_in_dim3A_611 : f32 to vector<16xf32>
      %broadcast_in_dim3A_613 = arith.constant 0.000000e+00 : f32
      %broadcast_in_dim3A_614 = vector.broadcast %broadcast_in_dim3A_613 : f32 to vector<16xf32>
      %broadcast_in_dim3A_615 = arith.constant 0.000000e+00 : f32
      %broadcast_in_dim3A_616 = vector.broadcast %broadcast_in_dim3A_615 : f32 to vector<16xf32>
      %broadcast_in_dim3A_617 = arith.constant 0.000000e+00 : f32
      %broadcast_in_dim3A_618 = vector.broadcast %broadcast_in_dim3A_617 : f32 to vector<16xf32>
      %scan3A_619 = arith.constant 0 : i32
      %scan3A_620 = arith.constant 25 : i32
      %scan3A_621 = arith.addi %scan3A_619, %scan3A_620 : i32
      %scan3A_622 = arith.constant 1 : i32
      %scan3A_623:8 = scf.for %scan3A_755 = %scan3A_619 to %scan3A_621 step %scan3A_622 iter_args(%scan3A_756 = %broadcast_in_dim3A_604, %scan3A_757 = %broadcast_in_dim3A_606, %scan3A_758 = %broadcast_in_dim3A_608, %scan3A_759 = %broadcast_in_dim3A_610, %scan3A_760 = %broadcast_in_dim3A_612, %scan3A_761 = %broadcast_in_dim3A_614, %scan3A_762 = %broadcast_in_dim3A_616, %scan3A_763 = %broadcast_in_dim3A_618) -> (vector<16xf32>, vector<16xf32>, vector<16xf32>, vector<16xf32>, vector<16xf32>, vector<16xf32>, vector<16xf32>, vector<16xf32>)  : i32 {
        %mul3A_764 = arith.constant 2 : i32
        %mul3A_765 = arith.muli %mul3A_764, %scan3A_755 : i32
        %add3A_766 = arith.constant 0 : i32
        %add3A_767 = arith.addi %add3A_766, %mul3A_765 : i32
        %get3A = arith.constant 3 : i32
        %get3A_768 = arith.index_cast %get3A : i32 to index
        %get3A_769 = arith.index_cast %add3A_767 : i32 to index
        %get3A_770 = arith.constant 0 : index
        %get3A_771 = tpu.vector_load %arg6[%get3A_768, %get3A_769, %get3A_770] {strides = array<i32>} : memref<4x100x128xf32, #tpu.memory_space<vmem>>, vector<1x1x16xf32>,
        %get3A_772 = vector.shape_cast %get3A_771 : vector<1x1x16xf32> to vector<16xf32>
        %add3A_773 = arith.addf %scan3A_756, %get3A_772 : vector<16xf32>
        %add3A_774 = arith.constant 1 : i32
        %add3A_775 = arith.addi %add3A_767, %add3A_774 : i32
        %get3A_776 = arith.constant 3 : i32
        %get3A_777 = arith.index_cast %get3A_776 : i32 to index
        %get3A_778 = arith.index_cast %add3A_775 : i32 to index
        %get3A_779 = arith.constant 0 : index
        %get3A_780 = tpu.vector_load %arg6[%get3A_777, %get3A_778, %get3A_779] {strides = array<i32>} : memref<4x100x128xf32, #tpu.memory_space<vmem>>, vector<1x1x16xf32>,
        %get3A_781 = vector.shape_cast %get3A_780 : vector<1x1x16xf32> to vector<16xf32>
        %add3A_782 = arith.addf %add3A_773, %get3A_781 : vector<16xf32>
        %get3A_783 = arith.constant 3 : i32
        %get3A_784 = arith.index_cast %get3A_783 : i32 to index
        %get3A_785 = arith.index_cast %add3A_767 : i32 to index
        %get3A_786 = arith.constant 16 : index
        %get3A_787 = tpu.vector_load %arg6[%get3A_784, %get3A_785, %get3A_786] {strides = array<i32>} : memref<4x100x128xf32, #tpu.memory_space<vmem>>, vector<1x1x16xf32>,
        %get3A_788 = vector.shape_cast %get3A_787 : vector<1x1x16xf32> to vector<16xf32>
        %add3A_789 = arith.addf %scan3A_757, %get3A_788 : vector<16xf32>
        %add3A_790 = arith.constant 1 : i32
        %add3A_791 = arith.addi %add3A_767, %add3A_790 : i32
        %get3A_792 = arith.constant 3 : i32
        %get3A_793 = arith.index_cast %get3A_792 : i32 to index
        %get3A_794 = arith.index_cast %add3A_791 : i32 to index
        %get3A_795 = arith.constant 16 : index
        %get3A_796 = tpu.vector_load %arg6[%get3A_793, %get3A_794, %get3A_795] {strides = array<i32>} : memref<4x100x128xf32, #tpu.memory_space<vmem>>, vector<1x1x16xf32>,
        %get3A_797 = vector.shape_cast %get3A_796 : vector<1x1x16xf32> to vector<16xf32>
        %add3A_798 = arith.addf %add3A_789, %get3A_797 : vector<16xf32>
        %get3A_799 = arith.constant 3 : i32
        %get3A_800 = arith.index_cast %get3A_799 : i32 to index
        %get3A_801 = arith.index_cast %add3A_767 : i32 to index
        %get3A_802 = arith.constant 32 : index
        %get3A_803 = tpu.vector_load %arg6[%get3A_800, %get3A_801, %get3A_802] {strides = array<i32>} : memref<4x100x128xf32, #tpu.memory_space<vmem>>, vector<1x1x16xf32>,
        %get3A_804 = vector.shape_cast %get3A_803 : vector<1x1x16xf32> to vector<16xf32>
        %add3A_805 = arith.addf %scan3A_758, %get3A_804 : vector<16xf32>
        %add3A_806 = arith.constant 1 : i32
        %add3A_807 = arith.addi %add3A_767, %add3A_806 : i32
        %get3A_808 = arith.constant 3 : i32
        %get3A_809 = arith.index_cast %get3A_808 : i32 to index
        %get3A_810 = arith.index_cast %add3A_807 : i32 to index
        %get3A_811 = arith.constant 32 : index
        %get3A_812 = tpu.vector_load %arg6[%get3A_809, %get3A_810, %get3A_811] {strides = array<i32>} : memref<4x100x128xf32, #tpu.memory_space<vmem>>, vector<1x1x16xf32>,
        %get3A_813 = vector.shape_cast %get3A_812 : vector<1x1x16xf32> to vector<16xf32>
        %add3A_814 = arith.addf %add3A_805, %get3A_813 : vector<16xf32>
        %get3A_815 = arith.constant 3 : i32
        %get3A_816 = arith.index_cast %get3A_815 : i32 to index
        %get3A_817 = arith.index_cast %add3A_767 : i32 to index
        %get3A_818 = arith.constant 48 : index
        %get3A_819 = tpu.vector_load %arg6[%get3A_816, %get3A_817, %get3A_818] {strides = array<i32>} : memref<4x100x128xf32, #tpu.memory_space<vmem>>, vector<1x1x16xf32>,
        %get3A_820 = vector.shape_cast %get3A_819 : vector<1x1x16xf32> to vector<16xf32>
        %add3A_821 = arith.addf %scan3A_759, %get3A_820 : vector<16xf32>
        %add3A_822 = arith.constant 1 : i32
        %add3A_823 = arith.addi %add3A_767, %add3A_822 : i32
        %get3A_824 = arith.constant 3 : i32
        %get3A_825 = arith.index_cast %get3A_824 : i32 to index
        %get3A_826 = arith.index_cast %add3A_823 : i32 to index
        %get3A_827 = arith.constant 48 : index
        %get3A_828 = tpu.vector_load %arg6[%get3A_825, %get3A_826, %get3A_827] {strides = array<i32>} : memref<4x100x128xf32, #tpu.memory_space<vmem>>, vector<1x1x16xf32>,
        %get3A_829 = vector.shape_cast %get3A_828 : vector<1x1x16xf32> to vector<16xf32>
        %add3A_830 = arith.addf %add3A_821, %get3A_829 : vector<16xf32>
        %get3A_831 = arith.constant 3 : i32
        %get3A_832 = arith.index_cast %get3A_831 : i32 to index
        %get3A_833 = arith.index_cast %add3A_767 : i32 to index
        %get3A_834 = arith.constant 64 : index
        %get3A_835 = tpu.vector_load %arg6[%get3A_832, %get3A_833, %get3A_834] {strides = array<i32>} : memref<4x100x128xf32, #tpu.memory_space<vmem>>, vector<1x1x16xf32>,
        %get3A_836 = vector.shape_cast %get3A_835 : vector<1x1x16xf32> to vector<16xf32>
        %add3A_837 = arith.addf %scan3A_760, %get3A_836 : vector<16xf32>
        %add3A_838 = arith.constant 1 : i32
        %add3A_839 = arith.addi %add3A_767, %add3A_838 : i32
        %get3A_840 = arith.constant 3 : i32
        %get3A_841 = arith.index_cast %get3A_840 : i32 to index
        %get3A_842 = arith.index_cast %add3A_839 : i32 to index
        %get3A_843 = arith.constant 64 : index
        %get3A_844 = tpu.vector_load %arg6[%get3A_841, %get3A_842, %get3A_843] {strides = array<i32>} : memref<4x100x128xf32, #tpu.memory_space<vmem>>, vector<1x1x16xf32>,
        %get3A_845 = vector.shape_cast %get3A_844 : vector<1x1x16xf32> to vector<16xf32>
        %add3A_846 = arith.addf %add3A_837, %get3A_845 : vector<16xf32>
        %get3A_847 = arith.constant 3 : i32
        %get3A_848 = arith.index_cast %get3A_847 : i32 to index
        %get3A_849 = arith.index_cast %add3A_767 : i32 to index
        %get3A_850 = arith.constant 80 : index
        %get3A_851 = tpu.vector_load %arg6[%get3A_848, %get3A_849, %get3A_850] {strides = array<i32>} : memref<4x100x128xf32, #tpu.memory_space<vmem>>, vector<1x1x16xf32>,
        %get3A_852 = vector.shape_cast %get3A_851 : vector<1x1x16xf32> to vector<16xf32>
        %add3A_853 = arith.addf %scan3A_761, %get3A_852 : vector<16xf32>
        %add3A_854 = arith.constant 1 : i32
        %add3A_855 = arith.addi %add3A_767, %add3A_854 : i32
        %get3A_856 = arith.constant 3 : i32
        %get3A_857 = arith.index_cast %get3A_856 : i32 to index
        %get3A_858 = arith.index_cast %add3A_855 : i32 to index
        %get3A_859 = arith.constant 80 : index
        %get3A_860 = tpu.vector_load %arg6[%get3A_857, %get3A_858, %get3A_859] {strides = array<i32>} : memref<4x100x128xf32, #tpu.memory_space<vmem>>, vector<1x1x16xf32>,
        %get3A_861 = vector.shape_cast %get3A_860 : vector<1x1x16xf32> to vector<16xf32>
        %add3A_862 = arith.addf %add3A_853, %get3A_861 : vector<16xf32>
        %get3A_863 = arith.constant 3 : i32
        %get3A_864 = arith.index_cast %get3A_863 : i32 to index
        %get3A_865 = arith.index_cast %add3A_767 : i32 to index
        %get3A_866 = arith.constant 96 : index
        %get3A_867 = tpu.vector_load %arg6[%get3A_864, %get3A_865, %get3A_866] {strides = array<i32>} : memref<4x100x128xf32, #tpu.memory_space<vmem>>, vector<1x1x16xf32>,
        %get3A_868 = vector.shape_cast %get3A_867 : vector<1x1x16xf32> to vector<16xf32>
        %add3A_869 = arith.addf %scan3A_762, %get3A_868 : vector<16xf32>
        %add3A_870 = arith.constant 1 : i32
        %add3A_871 = arith.addi %add3A_767, %add3A_870 : i32
        %get3A_872 = arith.constant 3 : i32
        %get3A_873 = arith.index_cast %get3A_872 : i32 to index
        %get3A_874 = arith.index_cast %add3A_871 : i32 to index
        %get3A_875 = arith.constant 96 : index
        %get3A_876 = tpu.vector_load %arg6[%get3A_873, %get3A_874, %get3A_875] {strides = array<i32>} : memref<4x100x128xf32, #tpu.memory_space<vmem>>, vector<1x1x16xf32>,
        %get3A_877 = vector.shape_cast %get3A_876 : vector<1x1x16xf32> to vector<16xf32>
        %add3A_878 = arith.addf %add3A_869, %get3A_877 : vector<16xf32>
        %get3A_879 = arith.constant 3 : i32
        %get3A_880 = arith.index_cast %get3A_879 : i32 to index
        %get3A_881 = arith.index_cast %add3A_767 : i32 to index
        %get3A_882 = arith.constant 112 : index
        %get3A_883 = tpu.vector_load %arg6[%get3A_880, %get3A_881, %get3A_882] {strides = array<i32>} : memref<4x100x128xf32, #tpu.memory_space<vmem>>, vector<1x1x16xf32>,
        %get3A_884 = vector.shape_cast %get3A_883 : vector<1x1x16xf32> to vector<16xf32>
        %add3A_885 = arith.addf %scan3A_763, %get3A_884 : vector<16xf32>
        %add3A_886 = arith.constant 1 : i32
        %add3A_887 = arith.addi %add3A_767, %add3A_886 : i32
        %get3A_888 = arith.constant 3 : i32
        %get3A_889 = arith.index_cast %get3A_888 : i32 to index
        %get3A_890 = arith.index_cast %add3A_887 : i32 to index
        %get3A_891 = arith.constant 112 : index
        %get3A_892 = tpu.vector_load %arg6[%get3A_889, %get3A_890, %get3A_891] {strides = array<i32>} : memref<4x100x128xf32, #tpu.memory_space<vmem>>, vector<1x1x16xf32>,
        %get3A_893 = vector.shape_cast %get3A_892 : vector<1x1x16xf32> to vector<16xf32>
        %add3A_894 = arith.addf %add3A_885, %get3A_893 : vector<16xf32>
        scf.yield %add3A_782, %add3A_798, %add3A_814, %add3A_830, %add3A_846, %add3A_862, %add3A_878, %add3A_894 : vector<16xf32>, vector<16xf32>, vector<16xf32>, vector<16xf32>, vector<16xf32>, vector<16xf32>, vector<16xf32>, vector<16xf32>
      }
      %scan3A_624 = arith.constant 25 : i32
      %swap3A_625 = arith.index_cast %add3A_602 : i32 to index
      %swap3A_626 = arith.constant 0 : index
      %swap3A_627 = tpu.vector_load %arg7[%swap3A_625, %swap3A_626] {strides = array<i32>} : memref<16x256xf32, #tpu.memory_space<vmem>>, vector<1x16xf32>,
      %swap3A_628 = vector.shape_cast %swap3A_627 : vector<1x16xf32> to vector<16xf32>
      %swap3A_629 = vector.shape_cast %scan3A_623#0 : vector<16xf32> to vector<1x16xf32>
      tpu.vector_store %arg7[%swap3A_625, %swap3A_626], %swap3A_629 {strides = array<i32>} : memref<16x256xf32, #tpu.memory_space<vmem>>, vector<1x16xf32>,
      %swap3A_630 = arith.index_cast %add3A_602 : i32 to index
      %swap3A_631 = arith.constant 16 : index
      %swap3A_632 = tpu.vector_load %arg7[%swap3A_630, %swap3A_631] {strides = array<i32>} : memref<16x256xf32, #tpu.memory_space<vmem>>, vector<1x16xf32>,
      %swap3A_633 = vector.shape_cast %swap3A_632 : vector<1x16xf32> to vector<16xf32>
      %swap3A_634 = vector.shape_cast %scan3A_623#1 : vector<16xf32> to vector<1x16xf32>
      tpu.vector_store %arg7[%swap3A_630, %swap3A_631], %swap3A_634 {strides = array<i32>} : memref<16x256xf32, #tpu.memory_space<vmem>>, vector<1x16xf32>,
      %swap3A_635 = arith.index_cast %add3A_602 : i32 to index
      %swap3A_636 = arith.constant 32 : index
      %swap3A_637 = tpu.vector_load %arg7[%swap3A_635, %swap3A_636] {strides = array<i32>} : memref<16x256xf32, #tpu.memory_space<vmem>>, vector<1x16xf32>,
      %swap3A_638 = vector.shape_cast %swap3A_637 : vector<1x16xf32> to vector<16xf32>
      %swap3A_639 = vector.shape_cast %scan3A_623#2 : vector<16xf32> to vector<1x16xf32>
      tpu.vector_store %arg7[%swap3A_635, %swap3A_636], %swap3A_639 {strides = array<i32>} : memref<16x256xf32, #tpu.memory_space<vmem>>, vector<1x16xf32>,
      %swap3A_640 = arith.index_cast %add3A_602 : i32 to index
      %swap3A_641 = arith.constant 48 : index
      %swap3A_642 = tpu.vector_load %arg7[%swap3A_640, %swap3A_641] {strides = array<i32>} : memref<16x256xf32, #tpu.memory_space<vmem>>, vector<1x16xf32>,
      %swap3A_643 = vector.shape_cast %swap3A_642 : vector<1x16xf32> to vector<16xf32>
      %swap3A_644 = vector.shape_cast %scan3A_623#3 : vector<16xf32> to vector<1x16xf32>
      tpu.vector_store %arg7[%swap3A_640, %swap3A_641], %swap3A_644 {strides = array<i32>} : memref<16x256xf32, #tpu.memory_space<vmem>>, vector<1x16xf32>,
      %swap3A_645 = arith.index_cast %add3A_602 : i32 to index
      %swap3A_646 = arith.constant 64 : index
      %swap3A_647 = tpu.vector_load %arg7[%swap3A_645, %swap3A_646] {strides = array<i32>} : memref<16x256xf32, #tpu.memory_space<vmem>>, vector<1x16xf32>,
      %swap3A_648 = vector.shape_cast %swap3A_647 : vector<1x16xf32> to vector<16xf32>
      %swap3A_649 = vector.shape_cast %scan3A_623#4 : vector<16xf32> to vector<1x16xf32>
      tpu.vector_store %arg7[%swap3A_645, %swap3A_646], %swap3A_649 {strides = array<i32>} : memref<16x256xf32, #tpu.memory_space<vmem>>, vector<1x16xf32>,
      %swap3A_650 = arith.index_cast %add3A_602 : i32 to index
      %swap3A_651 = arith.constant 80 : index
      %swap3A_652 = tpu.vector_load %arg7[%swap3A_650, %swap3A_651] {strides = array<i32>} : memref<16x256xf32, #tpu.memory_space<vmem>>, vector<1x16xf32>,
      %swap3A_653 = vector.shape_cast %swap3A_652 : vector<1x16xf32> to vector<16xf32>
      %swap3A_654 = vector.shape_cast %scan3A_623#5 : vector<16xf32> to vector<1x16xf32>
      tpu.vector_store %arg7[%swap3A_650, %swap3A_651], %swap3A_654 {strides = array<i32>} : memref<16x256xf32, #tpu.memory_space<vmem>>, vector<1x16xf32>,
      %swap3A_655 = arith.index_cast %add3A_602 : i32 to index
      %swap3A_656 = arith.constant 96 : index
      %swap3A_657 = tpu.vector_load %arg7[%swap3A_655, %swap3A_656] {strides = array<i32>} : memref<16x256xf32, #tpu.memory_space<vmem>>, vector<1x16xf32>,
      %swap3A_658 = vector.shape_cast %swap3A_657 : vector<1x16xf32> to vector<16xf32>
      %swap3A_659 = vector.shape_cast %scan3A_623#6 : vector<16xf32> to vector<1x16xf32>
      tpu.vector_store %arg7[%swap3A_655, %swap3A_656], %swap3A_659 {strides = array<i32>} : memref<16x256xf32, #tpu.memory_space<vmem>>, vector<1x16xf32>,
      %swap3A_660 = arith.index_cast %add3A_602 : i32 to index
      %swap3A_661 = arith.constant 112 : index
      %swap3A_662 = tpu.vector_load %arg7[%swap3A_660, %swap3A_661] {strides = array<i32>} : memref<16x256xf32, #tpu.memory_space<vmem>>, vector<1x16xf32>,
      %swap3A_663 = vector.shape_cast %swap3A_662 : vector<1x16xf32> to vector<16xf32>
      %swap3A_664 = vector.shape_cast %scan3A_623#7 : vector<16xf32> to vector<1x16xf32>
      tpu.vector_store %arg7[%swap3A_660, %swap3A_661], %swap3A_664 {strides = array<i32>} : memref<16x256xf32, #tpu.memory_space<vmem>>, vector<1x16xf32>,
      %broadcast_in_dim3A_665 = arith.constant 0.000000e+00 : f32
      %broadcast_in_dim3A_666 = vector.broadcast %broadcast_in_dim3A_665 : f32 to vector<16xf32>
      %broadcast_in_dim3A_667 = arith.constant 0.000000e+00 : f32
      %broadcast_in_dim3A_668 = vector.broadcast %broadcast_in_dim3A_667 : f32 to vector<16xf32>
      %broadcast_in_dim3A_669 = arith.constant 0.000000e+00 : f32
      %broadcast_in_dim3A_670 = vector.broadcast %broadcast_in_dim3A_669 : f32 to vector<16xf32>
      %broadcast_in_dim3A_671 = arith.constant 0.000000e+00 : f32
      %broadcast_in_dim3A_672 = vector.broadcast %broadcast_in_dim3A_671 : f32 to vector<16xf32>
      %broadcast_in_dim3A_673 = arith.constant 0.000000e+00 : f32
      %broadcast_in_dim3A_674 = vector.broadcast %broadcast_in_dim3A_673 : f32 to vector<16xf32>
      %broadcast_in_dim3A_675 = arith.constant 0.000000e+00 : f32
      %broadcast_in_dim3A_676 = vector.broadcast %broadcast_in_dim3A_675 : f32 to vector<16xf32>
      %broadcast_in_dim3A_677 = arith.constant 0.000000e+00 : f32
      %broadcast_in_dim3A_678 = vector.broadcast %broadcast_in_dim3A_677 : f32 to vector<16xf32>
      %broadcast_in_dim3A_679 = arith.constant 0.000000e+00 : f32
      %broadcast_in_dim3A_680 = vector.broadcast %broadcast_in_dim3A_679 : f32 to vector<16xf32>
      %scan3A_681 = arith.constant 0 : i32
      %scan3A_682 = arith.constant 25 : i32
      %scan3A_683 = arith.addi %scan3A_681, %scan3A_682 : i32
      %scan3A_684 = arith.constant 1 : i32
      %scan3A_685:8 = scf.for %scan3A_755 = %scan3A_681 to %scan3A_683 step %scan3A_684 iter_args(%scan3A_756 = %broadcast_in_dim3A_666, %scan3A_757 = %broadcast_in_dim3A_668, %scan3A_758 = %broadcast_in_dim3A_670, %scan3A_759 = %broadcast_in_dim3A_672, %scan3A_760 = %broadcast_in_dim3A_674, %scan3A_761 = %broadcast_in_dim3A_676, %scan3A_762 = %broadcast_in_dim3A_678, %scan3A_763 = %broadcast_in_dim3A_680) -> (vector<16xf32>, vector<16xf32>, vector<16xf32>, vector<16xf32>, vector<16xf32>, vector<16xf32>, vector<16xf32>, vector<16xf32>)  : i32 {
        %mul3A_764 = arith.constant 2 : i32
        %mul3A_765 = arith.muli %mul3A_764, %scan3A_755 : i32
        %add3A_766 = arith.constant 50 : i32
        %add3A_767 = arith.addi %add3A_766, %mul3A_765 : i32
        %get3A = arith.constant 3 : i32
        %get3A_768 = arith.index_cast %get3A : i32 to index
        %get3A_769 = arith.index_cast %add3A_767 : i32 to index
        %get3A_770 = arith.constant 0 : index
        %get3A_771 = tpu.vector_load %arg6[%get3A_768, %get3A_769, %get3A_770] {strides = array<i32>} : memref<4x100x128xf32, #tpu.memory_space<vmem>>, vector<1x1x16xf32>,
        %get3A_772 = vector.shape_cast %get3A_771 : vector<1x1x16xf32> to vector<16xf32>
        %add3A_773 = arith.addf %scan3A_756, %get3A_772 : vector<16xf32>
        %add3A_774 = arith.constant 1 : i32
        %add3A_775 = arith.addi %add3A_767, %add3A_774 : i32
        %get3A_776 = arith.constant 3 : i32
        %get3A_777 = arith.index_cast %get3A_776 : i32 to index
        %get3A_778 = arith.index_cast %add3A_775 : i32 to index
        %get3A_779 = arith.constant 0 : index
        %get3A_780 = tpu.vector_load %arg6[%get3A_777, %get3A_778, %get3A_779] {strides = array<i32>} : memref<4x100x128xf32, #tpu.memory_space<vmem>>, vector<1x1x16xf32>,
        %get3A_781 = vector.shape_cast %get3A_780 : vector<1x1x16xf32> to vector<16xf32>
        %add3A_782 = arith.addf %add3A_773, %get3A_781 : vector<16xf32>
        %get3A_783 = arith.constant 3 : i32
        %get3A_784 = arith.index_cast %get3A_783 : i32 to index
        %get3A_785 = arith.index_cast %add3A_767 : i32 to index
        %get3A_786 = arith.constant 16 : index
        %get3A_787 = tpu.vector_load %arg6[%get3A_784, %get3A_785, %get3A_786] {strides = array<i32>} : memref<4x100x128xf32, #tpu.memory_space<vmem>>, vector<1x1x16xf32>,
        %get3A_788 = vector.shape_cast %get3A_787 : vector<1x1x16xf32> to vector<16xf32>
        %add3A_789 = arith.addf %scan3A_757, %get3A_788 : vector<16xf32>
        %add3A_790 = arith.constant 1 : i32
        %add3A_791 = arith.addi %add3A_767, %add3A_790 : i32
        %get3A_792 = arith.constant 3 : i32
        %get3A_793 = arith.index_cast %get3A_792 : i32 to index
        %get3A_794 = arith.index_cast %add3A_791 : i32 to index
        %get3A_795 = arith.constant 16 : index
        %get3A_796 = tpu.vector_load %arg6[%get3A_793, %get3A_794, %get3A_795] {strides = array<i32>} : memref<4x100x128xf32, #tpu.memory_space<vmem>>, vector<1x1x16xf32>,
        %get3A_797 = vector.shape_cast %get3A_796 : vector<1x1x16xf32> to vector<16xf32>
        %add3A_798 = arith.addf %add3A_789, %get3A_797 : vector<16xf32>
        %get3A_799 = arith.constant 3 : i32
        %get3A_800 = arith.index_cast %get3A_799 : i32 to index
        %get3A_801 = arith.index_cast %add3A_767 : i32 to index
        %get3A_802 = arith.constant 32 : index
        %get3A_803 = tpu.vector_load %arg6[%get3A_800, %get3A_801, %get3A_802] {strides = array<i32>} : memref<4x100x128xf32, #tpu.memory_space<vmem>>, vector<1x1x16xf32>,
        %get3A_804 = vector.shape_cast %get3A_803 : vector<1x1x16xf32> to vector<16xf32>
        %add3A_805 = arith.addf %scan3A_758, %get3A_804 : vector<16xf32>
        %add3A_806 = arith.constant 1 : i32
        %add3A_807 = arith.addi %add3A_767, %add3A_806 : i32
        %get3A_808 = arith.constant 3 : i32
        %get3A_809 = arith.index_cast %get3A_808 : i32 to index
        %get3A_810 = arith.index_cast %add3A_807 : i32 to index
        %get3A_811 = arith.constant 32 : index
        %get3A_812 = tpu.vector_load %arg6[%get3A_809, %get3A_810, %get3A_811] {strides = array<i32>} : memref<4x100x128xf32, #tpu.memory_space<vmem>>, vector<1x1x16xf32>,
        %get3A_813 = vector.shape_cast %get3A_812 : vector<1x1x16xf32> to vector<16xf32>
        %add3A_814 = arith.addf %add3A_805, %get3A_813 : vector<16xf32>
        %get3A_815 = arith.constant 3 : i32
        %get3A_816 = arith.index_cast %get3A_815 : i32 to index
        %get3A_817 = arith.index_cast %add3A_767 : i32 to index
        %get3A_818 = arith.constant 48 : index
        %get3A_819 = tpu.vector_load %arg6[%get3A_816, %get3A_817, %get3A_818] {strides = array<i32>} : memref<4x100x128xf32, #tpu.memory_space<vmem>>, vector<1x1x16xf32>,
        %get3A_820 = vector.shape_cast %get3A_819 : vector<1x1x16xf32> to vector<16xf32>
        %add3A_821 = arith.addf %scan3A_759, %get3A_820 : vector<16xf32>
        %add3A_822 = arith.constant 1 : i32
        %add3A_823 = arith.addi %add3A_767, %add3A_822 : i32
        %get3A_824 = arith.constant 3 : i32
        %get3A_825 = arith.index_cast %get3A_824 : i32 to index
        %get3A_826 = arith.index_cast %add3A_823 : i32 to index
        %get3A_827 = arith.constant 48 : index
        %get3A_828 = tpu.vector_load %arg6[%get3A_825, %get3A_826, %get3A_827] {strides = array<i32>} : memref<4x100x128xf32, #tpu.memory_space<vmem>>, vector<1x1x16xf32>,
        %get3A_829 = vector.shape_cast %get3A_828 : vector<1x1x16xf32> to vector<16xf32>
        %add3A_830 = arith.addf %add3A_821, %get3A_829 : vector<16xf32>
        %get3A_831 = arith.constant 3 : i32
        %get3A_832 = arith.index_cast %get3A_831 : i32 to index
        %get3A_833 = arith.index_cast %add3A_767 : i32 to index
        %get3A_834 = arith.constant 64 : index
        %get3A_835 = tpu.vector_load %arg6[%get3A_832, %get3A_833, %get3A_834] {strides = array<i32>} : memref<4x100x128xf32, #tpu.memory_space<vmem>>, vector<1x1x16xf32>,
        %get3A_836 = vector.shape_cast %get3A_835 : vector<1x1x16xf32> to vector<16xf32>
        %add3A_837 = arith.addf %scan3A_760, %get3A_836 : vector<16xf32>
        %add3A_838 = arith.constant 1 : i32
        %add3A_839 = arith.addi %add3A_767, %add3A_838 : i32
        %get3A_840 = arith.constant 3 : i32
        %get3A_841 = arith.index_cast %get3A_840 : i32 to index
        %get3A_842 = arith.index_cast %add3A_839 : i32 to index
        %get3A_843 = arith.constant 64 : index
        %get3A_844 = tpu.vector_load %arg6[%get3A_841, %get3A_842, %get3A_843] {strides = array<i32>} : memref<4x100x128xf32, #tpu.memory_space<vmem>>, vector<1x1x16xf32>,
        %get3A_845 = vector.shape_cast %get3A_844 : vector<1x1x16xf32> to vector<16xf32>
        %add3A_846 = arith.addf %add3A_837, %get3A_845 : vector<16xf32>
        %get3A_847 = arith.constant 3 : i32
        %get3A_848 = arith.index_cast %get3A_847 : i32 to index
        %get3A_849 = arith.index_cast %add3A_767 : i32 to index
        %get3A_850 = arith.constant 80 : index
        %get3A_851 = tpu.vector_load %arg6[%get3A_848, %get3A_849, %get3A_850] {strides = array<i32>} : memref<4x100x128xf32, #tpu.memory_space<vmem>>, vector<1x1x16xf32>,
        %get3A_852 = vector.shape_cast %get3A_851 : vector<1x1x16xf32> to vector<16xf32>
        %add3A_853 = arith.addf %scan3A_761, %get3A_852 : vector<16xf32>
        %add3A_854 = arith.constant 1 : i32
        %add3A_855 = arith.addi %add3A_767, %add3A_854 : i32
        %get3A_856 = arith.constant 3 : i32
        %get3A_857 = arith.index_cast %get3A_856 : i32 to index
        %get3A_858 = arith.index_cast %add3A_855 : i32 to index
        %get3A_859 = arith.constant 80 : index
        %get3A_860 = tpu.vector_load %arg6[%get3A_857, %get3A_858, %get3A_859] {strides = array<i32>} : memref<4x100x128xf32, #tpu.memory_space<vmem>>, vector<1x1x16xf32>,
        %get3A_861 = vector.shape_cast %get3A_860 : vector<1x1x16xf32> to vector<16xf32>
        %add3A_862 = arith.addf %add3A_853, %get3A_861 : vector<16xf32>
        %get3A_863 = arith.constant 3 : i32
        %get3A_864 = arith.index_cast %get3A_863 : i32 to index
        %get3A_865 = arith.index_cast %add3A_767 : i32 to index
        %get3A_866 = arith.constant 96 : index
        %get3A_867 = tpu.vector_load %arg6[%get3A_864, %get3A_865, %get3A_866] {strides = array<i32>} : memref<4x100x128xf32, #tpu.memory_space<vmem>>, vector<1x1x16xf32>,
        %get3A_868 = vector.shape_cast %get3A_867 : vector<1x1x16xf32> to vector<16xf32>
        %add3A_869 = arith.addf %scan3A_762, %get3A_868 : vector<16xf32>
        %add3A_870 = arith.constant 1 : i32
        %add3A_871 = arith.addi %add3A_767, %add3A_870 : i32
        %get3A_872 = arith.constant 3 : i32
        %get3A_873 = arith.index_cast %get3A_872 : i32 to index
        %get3A_874 = arith.index_cast %add3A_871 : i32 to index
        %get3A_875 = arith.constant 96 : index
        %get3A_876 = tpu.vector_load %arg6[%get3A_873, %get3A_874, %get3A_875] {strides = array<i32>} : memref<4x100x128xf32, #tpu.memory_space<vmem>>, vector<1x1x16xf32>,
        %get3A_877 = vector.shape_cast %get3A_876 : vector<1x1x16xf32> to vector<16xf32>
        %add3A_878 = arith.addf %add3A_869, %get3A_877 : vector<16xf32>
        %get3A_879 = arith.constant 3 : i32
        %get3A_880 = arith.index_cast %get3A_879 : i32 to index
        %get3A_881 = arith.index_cast %add3A_767 : i32 to index
        %get3A_882 = arith.constant 112 : index
        %get3A_883 = tpu.vector_load %arg6[%get3A_880, %get3A_881, %get3A_882] {strides = array<i32>} : memref<4x100x128xf32, #tpu.memory_space<vmem>>, vector<1x1x16xf32>,
        %get3A_884 = vector.shape_cast %get3A_883 : vector<1x1x16xf32> to vector<16xf32>
        %add3A_885 = arith.addf %scan3A_763, %get3A_884 : vector<16xf32>
        %add3A_886 = arith.constant 1 : i32
        %add3A_887 = arith.addi %add3A_767, %add3A_886 : i32
        %get3A_888 = arith.constant 3 : i32
        %get3A_889 = arith.index_cast %get3A_888 : i32 to index
        %get3A_890 = arith.index_cast %add3A_887 : i32 to index
        %get3A_891 = arith.constant 112 : index
        %get3A_892 = tpu.vector_load %arg6[%get3A_889, %get3A_890, %get3A_891] {strides = array<i32>} : memref<4x100x128xf32, #tpu.memory_space<vmem>>, vector<1x1x16xf32>,
        %get3A_893 = vector.shape_cast %get3A_892 : vector<1x1x16xf32> to vector<16xf32>
        %add3A_894 = arith.addf %add3A_885, %get3A_893 : vector<16xf32>
        scf.yield %add3A_782, %add3A_798, %add3A_814, %add3A_830, %add3A_846, %add3A_862, %add3A_878, %add3A_894 : vector<16xf32>, vector<16xf32>, vector<16xf32>, vector<16xf32>, vector<16xf32>, vector<16xf32>, vector<16xf32>, vector<16xf32>
      }
      %scan3A_686 = arith.constant 25 : i32
      %swap3A_687 = arith.index_cast %add3A_602 : i32 to index
      %swap3A_688 = arith.constant 128 : index
      %swap3A_689 = tpu.vector_load %arg7[%swap3A_687, %swap3A_688] {strides = array<i32>} : memref<16x256xf32, #tpu.memory_space<vmem>>, vector<1x16xf32>,
      %swap3A_690 = vector.shape_cast %swap3A_689 : vector<1x16xf32> to vector<16xf32>
      %swap3A_691 = vector.shape_cast %scan3A_685#0 : vector<16xf32> to vector<1x16xf32>
      tpu.vector_store %arg7[%swap3A_687, %swap3A_688], %swap3A_691 {strides = array<i32>} : memref<16x256xf32, #tpu.memory_space<vmem>>, vector<1x16xf32>,
      %swap3A_692 = arith.index_cast %add3A_602 : i32 to index
      %swap3A_693 = arith.constant 144 : index
      %swap3A_694 = tpu.vector_load %arg7[%swap3A_692, %swap3A_693] {strides = array<i32>} : memref<16x256xf32, #tpu.memory_space<vmem>>, vector<1x16xf32>,
      %swap3A_695 = vector.shape_cast %swap3A_694 : vector<1x16xf32> to vector<16xf32>
      %swap3A_696 = vector.shape_cast %scan3A_685#1 : vector<16xf32> to vector<1x16xf32>
      tpu.vector_store %arg7[%swap3A_692, %swap3A_693], %swap3A_696 {strides = array<i32>} : memref<16x256xf32, #tpu.memory_space<vmem>>, vector<1x16xf32>,
      %swap3A_697 = arith.index_cast %add3A_602 : i32 to index
      %swap3A_698 = arith.constant 160 : index
      %swap3A_699 = tpu.vector_load %arg7[%swap3A_697, %swap3A_698] {strides = array<i32>} : memref<16x256xf32, #tpu.memory_space<vmem>>, vector<1x16xf32>,
      %swap3A_700 = vector.shape_cast %swap3A_699 : vector<1x16xf32> to vector<16xf32>
      %swap3A_701 = vector.shape_cast %scan3A_685#2 : vector<16xf32> to vector<1x16xf32>
      tpu.vector_store %arg7[%swap3A_697, %swap3A_698], %swap3A_701 {strides = array<i32>} : memref<16x256xf32, #tpu.memory_space<vmem>>, vector<1x16xf32>,
      %swap3A_702 = arith.index_cast %add3A_602 : i32 to index
      %swap3A_703 = arith.constant 176 : index
      %swap3A_704 = tpu.vector_load %arg7[%swap3A_702, %swap3A_703] {strides = array<i32>} : memref<16x256xf32, #tpu.memory_space<vmem>>, vector<1x16xf32>,
      %swap3A_705 = vector.shape_cast %swap3A_704 : vector<1x16xf32> to vector<16xf32>
      %swap3A_706 = vector.shape_cast %scan3A_685#3 : vector<16xf32> to vector<1x16xf32>
      tpu.vector_store %arg7[%swap3A_702, %swap3A_703], %swap3A_706 {strides = array<i32>} : memref<16x256xf32, #tpu.memory_space<vmem>>, vector<1x16xf32>,
      %swap3A_707 = arith.index_cast %add3A_602 : i32 to index
      %swap3A_708 = arith.constant 192 : index
      %swap3A_709 = tpu.vector_load %arg7[%swap3A_707, %swap3A_708] {strides = array<i32>} : memref<16x256xf32, #tpu.memory_space<vmem>>, vector<1x16xf32>,
      %swap3A_710 = vector.shape_cast %swap3A_709 : vector<1x16xf32> to vector<16xf32>
      %swap3A_711 = vector.shape_cast %scan3A_685#4 : vector<16xf32> to vector<1x16xf32>
      tpu.vector_store %arg7[%swap3A_707, %swap3A_708], %swap3A_711 {strides = array<i32>} : memref<16x256xf32, #tpu.memory_space<vmem>>, vector<1x16xf32>,
      %swap3A_712 = arith.index_cast %add3A_602 : i32 to index
      %swap3A_713 = arith.constant 208 : index
      %swap3A_714 = tpu.vector_load %arg7[%swap3A_712, %swap3A_713] {strides = array<i32>} : memref<16x256xf32, #tpu.memory_space<vmem>>, vector<1x16xf32>,
      %swap3A_715 = vector.shape_cast %swap3A_714 : vector<1x16xf32> to vector<16xf32>
      %swap3A_716 = vector.shape_cast %scan3A_685#5 : vector<16xf32> to vector<1x16xf32>
      tpu.vector_store %arg7[%swap3A_712, %swap3A_713], %swap3A_716 {strides = array<i32>} : memref<16x256xf32, #tpu.memory_space<vmem>>, vector<1x16xf32>,
      %swap3A_717 = arith.index_cast %add3A_602 : i32 to index
      %swap3A_718 = arith.constant 224 : index
      %swap3A_719 = tpu.vector_load %arg7[%swap3A_717, %swap3A_718] {strides = array<i32>} : memref<16x256xf32, #tpu.memory_space<vmem>>, vector<1x16xf32>,
      %swap3A_720 = vector.shape_cast %swap3A_719 : vector<1x16xf32> to vector<16xf32>
      %swap3A_721 = vector.shape_cast %scan3A_685#6 : vector<16xf32> to vector<1x16xf32>
      tpu.vector_store %arg7[%swap3A_717, %swap3A_718], %swap3A_721 {strides = array<i32>} : memref<16x256xf32, #tpu.memory_space<vmem>>, vector<1x16xf32>,
      %swap3A_722 = arith.index_cast %add3A_602 : i32 to index
      %swap3A_723 = arith.constant 240 : index
      %swap3A_724 = tpu.vector_load %arg7[%swap3A_722, %swap3A_723] {strides = array<i32>} : memref<16x256xf32, #tpu.memory_space<vmem>>, vector<1x16xf32>,
      %swap3A_725 = vector.shape_cast %swap3A_724 : vector<1x16xf32> to vector<16xf32>
      %swap3A_726 = vector.shape_cast %scan3A_685#7 : vector<16xf32> to vector<1x16xf32>
      tpu.vector_store %arg7[%swap3A_722, %swap3A_723], %swap3A_726 {strides = array<i32>} : memref<16x256xf32, #tpu.memory_space<vmem>>, vector<1x16xf32>,
      %add3A_727 = arith.constant 1 : i32
      %add3A_728 = arith.addi %scan3A_69, %add3A_727 : i32
      %lt3A_729 = arith.constant 128 : i32
      %lt3A_730 = arith.cmpi slt, %add3A_728, %lt3A_729 : i32
      %convert_element_type3A_731 = arith.extui %lt3A_730 : i1 to i32
      %cond3A_732 = arith.constant 0 : i32
      %cond3A_733 = arith.cmpi ne, %convert_element_type3A_731, %cond3A_732 : i32
      scf.if %cond3A_733 {
        %add3A_755 = arith.constant 4 : i32
        %add3A_756 = arith.addi %add3A_568, %add3A_755 : i32
        %dma_start3A_757 = arith.constant 3 : i32
        %dma_start3A_758 = arith.constant 3 : i32
        %dma_start3A_759 = arith.constant 0 : i32
        %dma_start3A_760 = arith.constant 0 : i32
        %dma_start3A_761 = tpu.memref_slice %arg6[%dma_start3A_757, %dma_start3A_759, %dma_start3A_760] : memref<4x100x128xf32, #tpu.memory_space<vmem>> -> memref<1x100x128xf32, #tpu.memory_space<vmem>>
        %dma_start3A_762 = tpu.memref_squeeze %dma_start3A_761 : memref<1x100x128xf32, #tpu.memory_space<vmem>> -> memref<100x128xf32, #tpu.memory_space<vmem>>
        %dma_start3A_763 = arith.constant 0 : i32
        %dma_start3A_764 = tpu.memref_slice %arg5[%add3A_756, %dma_start3A_763] : memref<512x100xi32, #tpu.memory_space<vmem>> -> memref<1x100xi32, #tpu.memory_space<vmem>>
        %dma_start3A_765 = tpu.memref_squeeze %dma_start3A_764 : memref<1x100xi32, #tpu.memory_space<vmem>> -> memref<100xi32, #tpu.memory_space<vmem>>
        %dma_start3A_766 = arith.constant 0 : i32
        %dma_start3A_767 = arith.constant 0 : i32
        %dma_start3A_768 = tpu.memref_slice %arg3[%dma_start3A_766, %dma_start3A_767] : memref<100000x128xf32, #tpu.memory_space<hbm>> -> memref<100000x128xf32, #tpu.memory_space<hbm>>
        %dma_start3A_769 = tpu.memref_slice %arg8[%dma_start3A_758] : memref<4x!tpu.dma_semaphore, #tpu.memory_space<semaphore_mem>> -> memref<1x!tpu.dma_semaphore, #tpu.memory_space<semaphore_mem>>
        %dma_start3A_770 = tpu.memref_squeeze %dma_start3A_769 : memref<1x!tpu.dma_semaphore, #tpu.memory_space<semaphore_mem>> -> memref<!tpu.dma_semaphore, #tpu.memory_space<semaphore_mem>>
        tpu.enqueue_indirect_dma source(%dma_start3A_768 : memref<100000x128xf32, #tpu.memory_space<hbm>>) target(%dma_start3A_762 : memref<100x128xf32, #tpu.memory_space<vmem>>) offsets(%dma_start3A_765 : memref<100xi32, #tpu.memory_space<vmem>>) semaphore(%dma_start3A_770 : memref<!tpu.dma_semaphore, #tpu.memory_space<semaphore_mem>>)
      } else {
      }
      %jit3A_734 = arith.constant 4 : i32
      %eq3A_735 = arith.constant 0 : i32
      %eq3A_736 = arith.cmpi eq, %jit3A_734, %eq3A_735 : i32
      %jit3A_737 = arith.constant 1 : i32
      %select_n3A_738 = arith.select %eq3A_736, %jit3A_737, %jit3A_734 : i32
      %rem3A_739 = arith.remsi %scan3A_69, %select_n3A_738 : i32
      %ne3A_740 = arith.constant 0 : i32
      %ne3A_741 = arith.cmpi ne, %rem3A_739, %ne3A_740 : i32
      %lt3A_742 = arith.constant 0 : i32
      %lt3A_743 = arith.cmpi slt, %rem3A_739, %lt3A_742 : i32
      %lt3A_744 = arith.constant 0 : i32
      %lt3A_745 = arith.cmpi slt, %select_n3A_738, %lt3A_744 : i32
      %ne3A_746 = arith.xori %lt3A_743, %lt3A_745 : i1
      %and3A_747 = arith.andi %ne3A_746, %ne3A_741 : i1
      %add3A_748 = arith.addi %rem3A_739, %select_n3A_738 : i32
      %select_n3A_749 = arith.select %and3A_747, %add3A_748, %rem3A_739 : i32
      %eq3A_750 = arith.constant 3 : i32
      %eq3A_751 = arith.cmpi eq, %select_n3A_749, %eq3A_750 : i32
      %convert_element_type3A_752 = arith.extui %eq3A_751 : i1 to i32
      %cond3A_753 = arith.constant 0 : i32
      %cond3A_754 = arith.cmpi ne, %convert_element_type3A_752, %cond3A_753 : i32
      scf.if %cond3A_754 {
        %jit3A_755 = arith.constant 4 : i32
        %div3A = arith.divsi %scan3A_69, %jit3A_755 : i32
        %sign3A = arith.constant 0 : i32
        %sign3A_756 = arith.cmpi sgt, %scan3A_69, %sign3A : i32
        %sign3A_757 = arith.extui %sign3A_756 : i1 to i32
        %sign3A_758 = arith.constant 0 : i32
        %sign3A_759 = arith.cmpi slt, %scan3A_69, %sign3A_758 : i32
        %sign3A_760 = arith.extui %sign3A_759 : i1 to i32
        %sign3A_761 = arith.subi %sign3A_757, %sign3A_760 : i32
        %sign3A_762 = arith.constant 0 : i32
        %sign3A_763 = arith.cmpi sgt, %jit3A_755, %sign3A_762 : i32
        %sign3A_764 = arith.extui %sign3A_763 : i1 to i32
        %sign3A_765 = arith.constant 0 : i32
        %sign3A_766 = arith.cmpi slt, %jit3A_755, %sign3A_765 : i32
        %sign3A_767 = arith.extui %sign3A_766 : i1 to i32
        %sign3A_768 = arith.subi %sign3A_764, %sign3A_767 : i32
        %ne3A_769 = arith.cmpi ne, %sign3A_761, %sign3A_768 : i32
        %rem3A_770 = arith.remsi %scan3A_69, %jit3A_755 : i32
        %ne3A_771 = arith.constant 0 : i32
        %ne3A_772 = arith.cmpi ne, %rem3A_770, %ne3A_771 : i32
        %and3A_773 = arith.andi %ne3A_769, %ne3A_772 : i1
        %sub3A = arith.constant 1 : i32
        %sub3A_774 = arith.subi %div3A, %sub3A : i32
        %select_n3A_775 = arith.select %and3A_773, %sub3A_774, %div3A : i32
        %mul3A_776 = arith.constant 16 : i32
        %mul3A_777 = arith.muli %select_n3A_775, %mul3A_776 : i32
        %add3A_778 = arith.addi %mul3A_4, %mul3A_777 : i32
        %multiple_of3A = tpu.assume_multiple %add3A_778, 16 : i32
        "tpu.region"() ({
          %run_scoped3A = tpu.sem_alloc : memref<!tpu.dma_semaphore, #tpu.memory_space<semaphore_mem>>
          %dma_start3A_779 = arith.constant 0 : i32
          %dma_start3A_780 = tpu.memref_slice %arg4[%multiple_of3A, %dma_start3A_779] : memref<16384x256xf32, #tpu.memory_space<hbm>> -> memref<16x256xf32, #tpu.memory_space<hbm>>
          %dma_start3A_781 = arith.constant 0 : i32
          %dma_start3A_782 = tpu.memref_slice %arg4[%multiple_of3A, %dma_start3A_781] : memref<16384x256xf32, #tpu.memory_space<hbm>> -> memref<16x256xf32, #tpu.memory_space<hbm>>
          tpu.enqueue_dma source(%arg7 : memref<16x256xf32, #tpu.memory_space<vmem>>) target(%dma_start3A_782 : memref<16x256xf32, #tpu.memory_space<hbm>>) target_semaphore(%run_scoped3A : memref<!tpu.dma_semaphore, #tpu.memory_space<semaphore_mem>>)
          %dma_wait3A_783 = arith.constant 0 : i32
          %dma_wait3A_784 = tpu.memref_slice %arg4[%multiple_of3A, %dma_wait3A_783] : memref<16384x256xf32, #tpu.memory_space<hbm>> -> memref<16x256xf32, #tpu.memory_space<hbm>>
          %dma_wait3A_785 = arith.constant 0 : i32
          %dma_wait3A_786 = tpu.memref_slice %arg4[%multiple_of3A, %dma_wait3A_785] : memref<16384x256xf32, #tpu.memory_space<hbm>> -> memref<16x256xf32, #tpu.memory_space<hbm>>
          tpu.wait_dma2 semaphore(%run_scoped3A : memref<!tpu.dma_semaphore, #tpu.memory_space<semaphore_mem>>) src(%arg7 : memref<16x256xf32, #tpu.memory_space<vmem>>) dst(%dma_wait3A_786 : memref<16x256xf32, #tpu.memory_space<hbm>>)
          tpu.yield
        }) : () -> ()
      } else {
      }
    }
    %scan3A_68 = arith.constant 128 : i32
    return
  }
}

module attributes {stable_mosaic.version = 14 : i64} {
  func.func @_mlp_body(%arg0: i32, %arg1: memref<2048x256xf32, #tpu.memory_space<vmem>>, %arg2: memref<2048x50xi32, #tpu.memory_space<vmem>>, %arg3: memref<2048x50xi32, #tpu.memory_space<vmem>>, %arg4: memref<2048x1xi32, #tpu.memory_space<vmem>>, %arg5: memref<256x128xf32, #tpu.memory_space<vmem>>, %arg6: memref<1x128xf32, #tpu.memory_space<vmem>>, %arg7: memref<128x1000xf32, #tpu.memory_space<vmem>>, %arg8: memref<1x1000xf32, #tpu.memory_space<vmem>>, %arg9: memref<2048x1000xf32, #tpu.memory_space<vmem>>, %arg10: memref<1x1xf32, #tpu.memory_space<vmem>>) attributes {dimension_semantics = [#tpu.dimension_semantics<arbitrary>], iteration_bounds = array<i64: 8>, scalar_prefetch = 0 : i64, scratch_operands = 0 : i64, tpu.core_type = #tpu.core_type<tc>, window_params = [{transform_indices = @transform_0, window_bounds = array<i64: 2048, 256>}, {transform_indices = @transform_1, window_bounds = array<i64: 2048, 50>}, {transform_indices = @transform_2, window_bounds = array<i64: 2048, 50>}, {transform_indices = @transform_3, window_bounds = array<i64: 2048, 1>}, {pipeline_mode = #tpu.pipeline_mode<synchronous>, transform_indices = @transform_4, window_bounds = array<i64: 256, 128>}, {pipeline_mode = #tpu.pipeline_mode<synchronous>, transform_indices = @transform_5, window_bounds = array<i64: 1, 128>}, {pipeline_mode = #tpu.pipeline_mode<synchronous>, transform_indices = @transform_6, window_bounds = array<i64: 128, 1000>}, {pipeline_mode = #tpu.pipeline_mode<synchronous>, transform_indices = @transform_7, window_bounds = array<i64: 1, 1000>}, {transform_indices = @transform_8, window_bounds = array<i64: 2048, 1000>}, {pipeline_mode = #tpu.pipeline_mode<synchronous>, transform_indices = @transform_9, window_bounds = array<i64: 1, 1>}]} {
    %get3A = arith.constant 0 : index
    %get3A_0 = arith.constant 0 : index
    %get3A_1 = vector.load %arg1[%get3A, %get3A_0] : memref<2048x256xf32, #tpu.memory_space<vmem>>, vector<2048x256xf32>
    %get3A_2 = arith.constant 0 : index
    %get3A_3 = arith.constant 0 : index
    %get3A_4 = vector.load %arg2[%get3A_2, %get3A_3] : memref<2048x50xi32, #tpu.memory_space<vmem>>, vector<2048x50xi32>
    %ne3A = arith.constant 0 : i32
    %ne3A_5 = vector.broadcast %ne3A : i32 to vector<2048x50xi32>
    %ne3A_6 = arith.cmpi ne, %get3A_4, %ne3A_5 : vector<2048x50xi32>
    %convert_element_type3A = arith.extui %ne3A_6 : vector<2048x50xi1> to vector<2048x50xi32>
    %reduce_sum3A = arith.constant dense<0> : vector<2048xi32>
    %reduce_sum3A_7 = vector.multi_reduction <add>, %convert_element_type3A, %reduce_sum3A [1] : vector<2048x50xi32> to vector<2048xi32>
    %broadcast_in_dim3A = vector.shape_cast %reduce_sum3A_7 : vector<2048xi32> to vector<2048x1xi32>
    %convert_element_type3A_8 = arith.sitofp %broadcast_in_dim3A : vector<2048x1xi32> to vector<2048x1xf32>
    %get3A_9 = arith.constant 0 : index
    %get3A_10 = arith.constant 0 : index
    %get3A_11 = vector.load %arg3[%get3A_9, %get3A_10] : memref<2048x50xi32, #tpu.memory_space<vmem>>, vector<2048x50xi32>
    %ne3A_12 = arith.constant 0 : i32
    %ne3A_13 = vector.broadcast %ne3A_12 : i32 to vector<2048x50xi32>
    %ne3A_14 = arith.cmpi ne, %get3A_11, %ne3A_13 : vector<2048x50xi32>
    %convert_element_type3A_15 = arith.extui %ne3A_14 : vector<2048x50xi1> to vector<2048x50xi32>
    %reduce_sum3A_16 = arith.constant dense<0> : vector<2048xi32>
    %reduce_sum3A_17 = vector.multi_reduction <add>, %convert_element_type3A_15, %reduce_sum3A_16 [1] : vector<2048x50xi32> to vector<2048xi32>
    %broadcast_in_dim3A_18 = vector.shape_cast %reduce_sum3A_17 : vector<2048xi32> to vector<2048x1xi32>
    %convert_element_type3A_19 = arith.sitofp %broadcast_in_dim3A_18 : vector<2048x1xi32> to vector<2048x1xf32>
    %slice3A = vector.extract_strided_slice %get3A_1 {offsets = [0, 0], sizes = [2048, 128], strides = [1, 1]} : vector<2048x256xf32> to vector<2048x128xf32>
    %div3A = vector.broadcast %convert_element_type3A_8 : vector<2048x1xf32> to vector<2048x128xf32>
    %div3A_20 = arith.divf %slice3A, %div3A : vector<2048x128xf32>
    %slice3A_21 = vector.extract_strided_slice %get3A_1 {offsets = [0, 128], sizes = [2048, 128], strides = [1, 1]} : vector<2048x256xf32> to vector<2048x128xf32>
    %div3A_22 = vector.broadcast %convert_element_type3A_19 : vector<2048x1xf32> to vector<2048x128xf32>
    %div3A_23 = arith.divf %slice3A_21, %div3A_22 : vector<2048x128xf32>
    %concatenate3A = tpu.concatenate %div3A_20, %div3A_23 in 1 : vector<2048x128xf32>, vector<2048x128xf32> -> vector<2048x256xf32>
    %get3A_24 = arith.constant 0 : index
    %get3A_25 = arith.constant 0 : index
    %get3A_26 = vector.load %arg5[%get3A_24, %get3A_25] : memref<256x128xf32, #tpu.memory_space<vmem>>, vector<256x128xf32>
    %dot_general3A = arith.constant dense<0.000000e+00> : vector<2048x128xf32>
    %dot_general3A_27 = tpu.matmul %concatenate3A, %get3A_26, %dot_general3A {dimension_numbers = #tpu.dot_dimension_numbers<[1], [0], [0], [1], [0, 0, 1, 1], [], []>, transpose_lhs_hint = false} : vector<2048x256xf32>, vector<256x128xf32>, vector<2048x128xf32> -> vector<2048x128xf32>
    %get3A_28 = arith.constant 0 : index
    %get3A_29 = arith.constant 0 : index
    %get3A_30 = vector.load %arg6[%get3A_28, %get3A_29] : memref<1x128xf32, #tpu.memory_space<vmem>>, vector<1x128xf32>
    %add3A = vector.broadcast %get3A_30 : vector<1x128xf32> to vector<2048x128xf32>
    %add3A_31 = arith.addf %dot_general3A_27, %add3A : vector<2048x128xf32>
    %max3A = arith.constant 0.000000e+00 : f32
    %max3A_32 = vector.broadcast %max3A : f32 to vector<2048x128xf32>
    %max3A_33 = arith.maximumf %add3A_31, %max3A_32 : vector<2048x128xf32>
    %get3A_34 = arith.constant 0 : index
    %get3A_35 = arith.constant 0 : index
    %get3A_36 = vector.load %arg7[%get3A_34, %get3A_35] : memref<128x1000xf32, #tpu.memory_space<vmem>>, vector<128x1000xf32>
    %dot_general3A_37 = arith.constant dense<0.000000e+00> : vector<2048x1000xf32>
    %dot_general3A_38 = tpu.matmul %max3A_33, %get3A_36, %dot_general3A_37 {dimension_numbers = #tpu.dot_dimension_numbers<[1], [0], [0], [1], [0, 0, 1, 1], [], []>, transpose_lhs_hint = false} : vector<2048x128xf32>, vector<128x1000xf32>, vector<2048x1000xf32> -> vector<2048x1000xf32>
    %get3A_39 = arith.constant 0 : index
    %get3A_40 = arith.constant 0 : index
    %get3A_41 = vector.load %arg8[%get3A_39, %get3A_40] : memref<1x1000xf32, #tpu.memory_space<vmem>>, vector<1x1000xf32>
    %add3A_42 = vector.broadcast %get3A_41 : vector<1x1000xf32> to vector<2048x1000xf32>
    %add3A_43 = arith.addf %dot_general3A_38, %add3A_42 : vector<2048x1000xf32>
    %swap3A = arith.constant 0 : index
    %swap3A_44 = arith.constant 0 : index
    %swap3A_45 = vector.load %arg9[%swap3A, %swap3A_44] : memref<2048x1000xf32, #tpu.memory_space<vmem>>, vector<2048x1000xf32>
    tpu.vector_store %arg9[%swap3A, %swap3A_44], %add3A_43 {strides = array<i32>} : memref<2048x1000xf32, #tpu.memory_space<vmem>>, vector<2048x1000xf32>,
    %reduce_max3A = arith.constant dense<0xFF800000> : vector<2048xf32>
    %reduce_max3A_46 = vector.multi_reduction <maximumf>, %add3A_43, %reduce_max3A [1] : vector<2048x1000xf32> to vector<2048xf32>
    %broadcast_in_dim3A_47 = vector.shape_cast %reduce_max3A_46 : vector<2048xf32> to vector<2048x1xf32>
    %sub3A = vector.broadcast %broadcast_in_dim3A_47 : vector<2048x1xf32> to vector<2048x1000xf32>
    %sub3A_48 = arith.subf %add3A_43, %sub3A : vector<2048x1000xf32>
    %exp3A = math.exp %sub3A_48 : vector<2048x1000xf32>
    %reduce_sum3A_49 = arith.constant dense<0.000000e+00> : vector<2048xf32>
    %reduce_sum3A_50 = vector.multi_reduction <add>, %exp3A, %reduce_sum3A_49 [1] : vector<2048x1000xf32> to vector<2048xf32>
    %broadcast_in_dim3A_51 = vector.shape_cast %reduce_sum3A_50 : vector<2048xf32> to vector<2048x1xf32>
    %log3A = math.log %broadcast_in_dim3A_51 : vector<2048x1xf32>
    %add3A_52 = arith.addf %log3A, %broadcast_in_dim3A_47 : vector<2048x1xf32>
    %iota3A = tpu.iota {dimensions = array<i32: 1>} : vector<2048x1000xi32>
    %get3A_53 = arith.constant 0 : index
    %get3A_54 = arith.constant 0 : index
    %get3A_55 = vector.load %arg4[%get3A_53, %get3A_54] : memref<2048x1xi32, #tpu.memory_space<vmem>>, vector<2048x1xi32>
    %eq3A = vector.broadcast %get3A_55 : vector<2048x1xi32> to vector<2048x1000xi32>
    %eq3A_56 = arith.cmpi eq, %iota3A, %eq3A : vector<2048x1000xi32>
    %jit3A = arith.constant 0.000000e+00 : f32
    %broadcast_in_dim3A_57 = vector.broadcast %jit3A : f32 to vector<2048x1000xf32>
    %select_n3A = arith.select %eq3A_56, %add3A_43, %broadcast_in_dim3A_57 : vector<2048x1000xi1>, vector<2048x1000xf32>
    %reduce_sum3A_58 = arith.constant dense<0.000000e+00> : vector<2048xf32>
    %reduce_sum3A_59 = vector.multi_reduction <add>, %select_n3A, %reduce_sum3A_58 [1] : vector<2048x1000xf32> to vector<2048xf32>
    %broadcast_in_dim3A_60 = vector.shape_cast %reduce_sum3A_59 : vector<2048xf32> to vector<2048x1xf32>
    %sub3A_61 = arith.subf %add3A_52, %broadcast_in_dim3A_60 : vector<2048x1xf32>
    %eq3A_62 = arith.constant 0 : i32
    %eq3A_63 = arith.cmpi eq, %arg0, %eq3A_62 : i32
    %convert_element_type3A_64 = arith.extui %eq3A_63 : i1 to i32
    %cond3A = arith.constant 0 : i32
    %cond3A_65 = arith.cmpi ne, %convert_element_type3A_64, %cond3A : i32
    scf.if %cond3A_65 {
      %broadcast_in_dim3A_79 = arith.constant 0.000000e+00 : f32
      %broadcast_in_dim3A_80 = vector.broadcast %broadcast_in_dim3A_79 : f32 to vector<1x1xf32>
      %swap3A_81 = arith.constant 0 : index
      %swap3A_82 = arith.constant 0 : index
      %swap3A_83 = vector.load %arg10[%swap3A_81, %swap3A_82] : memref<1x1xf32, #tpu.memory_space<vmem>>, vector<1x1xf32>
      tpu.vector_store %arg10[%swap3A_81, %swap3A_82], %broadcast_in_dim3A_80 {strides = array<i32>} : memref<1x1xf32, #tpu.memory_space<vmem>>, vector<1x1xf32>,
    } else {
    }
    %get3A_66 = arith.constant 0 : index
    %get3A_67 = arith.constant 0 : index
    %get3A_68 = vector.load %arg10[%get3A_66, %get3A_67] : memref<1x1xf32, #tpu.memory_space<vmem>>, vector<1x1xf32>
    %reduce_sum3A_69 = vector.shape_cast %sub3A_61 : vector<2048x1xf32> to vector<1x2048x1xf32>
    %reduce_sum3A_70 = arith.constant dense<0.000000e+00> : vector<1xf32>
    %reduce_sum3A_71 = vector.multi_reduction <add>, %reduce_sum3A_69, %reduce_sum3A_70 [1, 2] : vector<1x2048x1xf32> to vector<1xf32>
    %reduce_sum3A_72 = vector.shape_cast %reduce_sum3A_71 : vector<1xf32> to vector<1x1x1xf32>
    %reduce_sum3A_73 = vector.extract %reduce_sum3A_72[0, 0, 0] : f32 from vector<1x1x1xf32>
    %mul3A = arith.constant 6.10351563E-5 : f32
    %mul3A_74 = arith.mulf %reduce_sum3A_73, %mul3A : f32
    %reshape3A = vector.broadcast %mul3A_74 : f32 to vector<1x1xf32>
    %add3A_75 = arith.addf %get3A_68, %reshape3A : vector<1x1xf32>
    %swap3A_76 = arith.constant 0 : index
    %swap3A_77 = arith.constant 0 : index
    %swap3A_78 = vector.load %arg10[%swap3A_76, %swap3A_77] : memref<1x1xf32, #tpu.memory_space<vmem>>, vector<1x1xf32>
    tpu.vector_store %arg10[%swap3A_76, %swap3A_77], %add3A_75 {strides = array<i32>} : memref<1x1xf32, #tpu.memory_space<vmem>>, vector<1x1xf32>,
    return
  }
  func.func @transform_0(%arg0: i32) -> (i32, i32) {
    %c0_i32 = arith.constant 0 : i32
    %c0_i32_0 = arith.constant 0 : i32
    return %arg0, %c0_i32 : i32, i32
  }
  func.func @transform_1(%arg0: i32) -> (i32, i32) {
    %c0_i32 = arith.constant 0 : i32
    %c0_i32_0 = arith.constant 0 : i32
    return %arg0, %c0_i32 : i32, i32
  }
  func.func @transform_2(%arg0: i32) -> (i32, i32) {
    %c0_i32 = arith.constant 0 : i32
    %c0_i32_0 = arith.constant 0 : i32
    return %arg0, %c0_i32 : i32, i32
  }
  func.func @transform_3(%arg0: i32) -> (i32, i32) {
    %c0_i32 = arith.constant 0 : i32
    %c0_i32_0 = arith.constant 0 : i32
    return %arg0, %c0_i32 : i32, i32
  }
  func.func @transform_4(%arg0: i32) -> (i32, i32) {
    %c0_i32 = arith.constant 0 : i32
    %c0_i32_0 = arith.constant 0 : i32
    %c0_i32_1 = arith.constant 0 : i32
    return %c0_i32, %c0_i32_0 : i32, i32
  }
  func.func @transform_5(%arg0: i32) -> (i32, i32) {
    %c0_i32 = arith.constant 0 : i32
    %c0_i32_0 = arith.constant 0 : i32
    %c0_i32_1 = arith.constant 0 : i32
    return %c0_i32, %c0_i32_0 : i32, i32
  }
  func.func @transform_6(%arg0: i32) -> (i32, i32) {
    %c0_i32 = arith.constant 0 : i32
    %c0_i32_0 = arith.constant 0 : i32
    %c0_i32_1 = arith.constant 0 : i32
    return %c0_i32, %c0_i32_0 : i32, i32
  }
  func.func @transform_7(%arg0: i32) -> (i32, i32) {
    %c0_i32 = arith.constant 0 : i32
    %c0_i32_0 = arith.constant 0 : i32
    %c0_i32_1 = arith.constant 0 : i32
    return %c0_i32, %c0_i32_0 : i32, i32
  }
  func.func @transform_8(%arg0: i32) -> (i32, i32) {
    %add3A = arith.constant 0 : i32
    %add3A_0 = arith.addi %add3A, %arg0 : i32
    %c0_i32 = arith.constant 0 : i32
    %c0_i32_1 = arith.constant 0 : i32
    return %add3A_0, %c0_i32 : i32, i32
  }
  func.func @transform_9(%arg0: i32) -> (i32, i32) {
    %c0_i32 = arith.constant 0 : i32
    %c0_i32_0 = arith.constant 0 : i32
    %c0_i32_1 = arith.constant 0 : i32
    return %c0_i32, %c0_i32_0 : i32, i32
  }
}

</mosaic_0001>

<sc_bundles>
// kernel: kernel.4.cloned.1.call-start
scs
__scs_entry_jumppad:
0x0: {  	(pc) =	sbr.rel $0x88, $3  }
0x1: {  	(tag) =	ssettag $0x0;
	lr =	simm.s32 $0x1  }
0x2: {  	[smem:$0x3F99] =	sst lr;
	_ =	strace $0xD0000000  }
0x3: {  	_ = 	snop  }
0x4: {  	_ = 	snop  }
0x5: {  	_ = 	snop  }
0x6: {  	_ = 	snop  }
0x7: {  	_ = 	snop  }
__scs_overlays_trampoline_lowered:
0x8: {  	[smem:$0x3FA8] =	sst s0  }
0x9: {  	[smem:$0x3FA9] =	sst s1  }
0xa: {  	[smem:$0x3FAA] =	sst s2  }
0xb: {  	[smem:$0x3FAB] =	sst s3  }
0xc: {  	[smem:$0x3FAC] =	sst s4  }
0xd: {  	[smem:$0x3FAD] =	sst s5  }
0xe: {  	[smem:$0x3FAE] =	sst s6  }
0xf: {  	[smem:$0x3FAF] =	sst s7  }
0x10: {  	[smem:$0x3FB0] =	sst s8  }
0x11: {  	[smem:$0x3FB1] =	sst s9;
	s0 =	simm.s32 @!p0 $0x0  }
0x12: {  	s1 =	sld [smem:$0x3F97];
	s0 =	simm.s32 @p0 $0x1  }
0x13: {  	[smem:$0x3FB2] =	sst s0;
	s0 =	simm.s32 @!p1 $0x0  }
0x14: {  	s2 =	sld [smem:$0x3F96];
	s0 =	simm.s32 @p1 $0x1  }
0x15: {  	[smem:$0x3FB3] =	sst s0;
	s0 =	simm.s32 @!p2 $0x0  }
0x16: {  	s3 =	sld [smem:$0x3FDB];
	s0 =	simm.s32 @p2 $0x1  }
0x17: {  	s4 =	simm.s32 $0x1BF5;
	[smem:$0x3FB5] =	sst s0  }
0x18: {  	s0 =	sld [smem:$0x3F98];
	_ =	swait.ge [sflag:s4], $0x0  }
0x19: {  	s7 =	sld [smem:$0x3F99]  }
0x1a: {  	s8 =	sadd.s32 $0xFFFFE003, lr  }
0x1b: {  	s9 =	sadd.s32 $0xFFFFFEF7, lr;
	s5 =	simm.s32 $0xFFFFFFFF;
	p2 =	slt.u32 s8, $0xFFFFF086  }
0x1c: {  	p1 =	slt.u32 s9, $0xF7A;
	s5 =	simm.s32 @!p2 $0x0  }
0x1d: {  	s5 =	simm.s32 @p1 $0x1;
	p0 =	seq.s32 s7, s2  }
0x1e: {  	s7 =	smul.u32 @!p0 $0xF7A, s2;
	p2 =	seq.s32 @!p0 s5, $0x0  }
0x1f: {  	s9 =	smul.u32 $0xF7A, s1;
	s8 =	simm.s32 @!p0 $0x1BF5;
	p2 =	por !p2, p0  }
0x20: {  	[sflag:s8] =	ssyncset.s32 @!p0 $0xFFFFF086;
	s6 =	sadd.s32 @!p0 s3, s7;
	s7 =	simm.s32 @!p0 $0x108  }
0x21: {  	s3 =	sadd.s32 s3, s9;
	s6 =	sadd.s32 @!p0 $0x88, s6;
	s7 =	simm.s32 @p2 $0x1082  }
0x22: {  	[simem:s7], [sflag:s8] =	dma.local @!p0 [hbm:s6], $0xF7A  }
0x23: {  	s9 =	sor.u32 $0xD0000000, s2;
	s6 =	simm.s32 $0x108;
	_ =	swait.ge @!p0 [sflag:s8], $0x0  }
0x24: {  	s3 =	sadd.s32 $0x88, s3;
	s6 =	simm.s32 @!p1 $0x1082;
	[sflag:s4] =	ssyncset.s32 $0xFFFFF086  }
0x25: {  	[simem:s6], [sflag:s4] =	dma.local [hbm:s3], $0xF7A  }
0x26: {  	[smem:$0x3F99] =	sst s1;
	(tag) =	ssettag s2;
	_ =	strace s9  }
0x27: {  	s1 =	sld [smem:$0x3FA9]  }
0x28: {  	s2 =	sld [smem:$0x3FAA]  }
0x29: {  	s4 =	sld [smem:$0x3FAC]  }
0x2a: {  	p0 =	seq.s32 s5, $0x0;
	s5 =	sld [smem:$0x3FAD]  }
0x2b: {  	s6 =	sld [smem:$0x3FAE]  }
0x2c: {  	s7 =	sld [smem:$0x3FAF]  }
0x2d: {  	s3 =	simm.s32 $0x108;
	s8 =	sld [smem:$0x3FB0]  }
0x2e: {  	s3 =	simm.s32 @!p0 $0x1082;
	s9 =	sld [smem:$0x3FB1]  }
0x2f: {  	lr =	sadd.s32 s0, s3;
	s0 =	sld [smem:$0x3FA8]  }
0x30: {  	s3 =	sld [smem:$0x3FAB]  }
0x31: {  	[smem:$0x3FB4] =	sst s10  }
0x32: {  	s10 =	sld [smem:$0x3FB2];
	_ =	sdelay $0x3  }
0x33: {  	p0 =	seq.s32 s10, $0x1;
	s10 =	sld [smem:$0x3FB4];
	_ =	sdelay $0x3  }
0x34: {  	[smem:$0x3FB4] =	sst s10  }
0x35: {  	s10 =	sld [smem:$0x3FB3];
	_ =	sdelay $0x3  }
0x36: {  	p1 =	seq.s32 s10, $0x1;
	s10 =	sld [smem:$0x3FB4];
	_ =	sdelay $0x3  }
0x37: {  	[smem:$0x3FB4] =	sst s10  }
0x38: {  	s10 =	sld [smem:$0x3FB5]  }
0x39: {  	_ = 	snop;
	(pc) =	sbr.ind lr, $3  }
0x3a: {  	_ = 	snop  }
0x3b: {  	_ = 	snop  }
0x3c: {  	p2 =	seq.s32 s10, $0x1;
	s10 =	sld [smem:$0x3FB4]  }
0x3d: {  	_ =	shalt  }
0x3e: {  	_ =	shalt  }
0x3f: {  	_ =	shalt  }
0x40: {  	_ =	shalt  }
0x41: {  	_ =	shalt  }
0x42: {  	_ =	shalt  }
0x43: {  	_ =	shalt  }
0x44: {  	_ =	shalt  }
0x45: {  	_ =	shalt  }
0x46: {  	_ =	shalt  }
0x47: {  	_ =	shalt  }
0x48: {  	_ =	shalt  }
0x49: {  	_ =	shalt  }
0x4a: {  	_ =	shalt  }
0x4b: {  	_ =	shalt  }
0x4c: {  	_ =	shalt  }
0x4d: {  	_ =	shalt  }
0x4e: {  	_ =	shalt  }
0x4f: {  	_ =	shalt  }
0x50: {  	_ =	shalt  }
0x51: {  	_ =	shalt  }
0x52: {  	_ =	shalt  }
0x53: {  	_ =	shalt  }
0x54: {  	_ =	shalt  }
0x55: {  	_ =	shalt  }
0x56: {  	_ =	shalt  }
0x57: {  	_ =	shalt  }
0x58: {  	_ =	shalt  }
0x59: {  	_ =	shalt  }
0x5a: {  	_ =	shalt  }
0x5b: {  	_ =	shalt  }
0x5c: {  	_ =	shalt  }
0x5d: {  	_ =	shalt  }
0x5e: {  	_ =	shalt  }
0x5f: {  	_ =	shalt  }
0x60: {  	_ =	shalt  }
0x61: {  	_ =	shalt  }
0x62: {  	_ =	shalt  }
0x63: {  	_ =	shalt  }
0x64: {  	_ =	shalt  }
0x65: {  	_ =	shalt  }
0x66: {  	_ =	shalt  }
0x67: {  	_ =	shalt  }
0x68: {  	_ =	shalt  }
0x69: {  	_ =	shalt  }
0x6a: {  	_ =	shalt  }
0x6b: {  	_ =	shalt  }
0x6c: {  	_ =	shalt  }
0x6d: {  	_ =	shalt  }
0x6e: {  	_ =	shalt  }
0x6f: {  	_ =	shalt  }
0x70: {  	_ =	shalt  }
0x71: {  	_ =	shalt  }
0x72: {  	_ =	shalt  }
0x73: {  	_ =	shalt  }
0x74: {  	_ =	shalt  }
0x75: {  	_ =	shalt  }
0x76: {  	_ =	shalt  }
0x77: {  	_ =	shalt  }
0x78: {  	_ =	shalt  }
0x79: {  	_ =	shalt  }
0x7a: {  	_ =	shalt  }
0x7b: {  	_ =	shalt  }
0x7c: {  	_ =	shalt  }
0x7d: {  	_ =	shalt  }
0x7e: {  	_ =	shalt  }
0x7f: {  	_ =	shalt  }
0x80: {  	_ =	shalt  }
0x81: {  	_ =	shalt  }
0x82: {  	_ =	shalt  }
0x83: {  	_ =	shalt  }
0x84: {  	_ =	shalt  }
0x85: {  	_ =	shalt  }
0x86: {  	_ =	shalt  }
0x87: {  	_ =	shalt  }
.Lfunc_end0:
.L_simem_size_0:
called_computation_lowered:
.L_overlay_start_0:
0x88: {  	s2 =	sld [smem:$0x3FD9]  }
0x89: {  	s3 =	sld [smem:$0x3FFE];
	_ =	sdelay $0x1  }
0x8a: {  	s1 =	srdreg.scid  }
0x8b: {  	s0 =	sand.u32 $0x1, s1  }
0x8c: {  	s14 =	sshll.u32 s0, $0xA;
	s2 =	sadd.s32 s3, s2  }
0x8d: {  	s2 =	sadd.s32 s2, s14  }
0x8e: {  	[smem:$0x3FC0] =	sst s2  }
0x8f: {  	_ = 	snop  }
0x90: {  	s2 =	sld [smem:$0x3FD0];
	_ =	sdelay $0x2  }
0x91: {  	s4 =	simm.s32 $0xA;
	s5 =	simm.s32 $0x10;
	s15 =	sld [smem:$0x3FC6]  }
0x92: {  	[smem:s5], [sflag:s4] =	dma.local [hbm:s2], $0x1  }
0x93: {  	_ =	swait.eq [sflag:s4], $0x1  }
0x94: {  	[sflag:s4] =	ssyncset.done $0x0  }
0x95: {  	[sflag:s4] =	ssyncadd.s32 $0xFFFFFFFF  }
0x96: {  	s16 =	sld [smem:$0x10];
	(tm) =	ssettm $0x1  }
0x97: {  	s17 =	sld [smem:$0x3FFB];
	_ =	sdelay $0x3  }
0x98: {  	_ =	strace s17  }
0x99: {  	s4 =	sld [smem:$0x3FFC];
	_ =	sdelay $0x3  }
0x9a: {  	_ =	strace s4  }
0x9b: {  	s4 =	sld [smem:$0x3FFD];
	_ =	sdelay $0x3  }
0x9c: {  	_ =	strace s4  }
0x9d: {  	_ =	strace $0x8FFFFFFF  }
0x9e: {  	s18 =	sld [smem:$0x3FDB];
	_ =	sdelay $0x1  }
0x9f: {  	s19 =	simm.s32 $_scs_section_size  }
0xa0: {  	s6 =	simm.s32 $_size__tile_overlayer_lowered;
	s7 =	simm.s32 $_tile_overlayer_lowered  }
0xa1: {  	s22 =	simm.s32 $0x1BFF;
	s21 =	sshll.u32 s7, $0x1;
	s4 =	sadd.s32 s19, s18  }
0xa2: {  	s8 =	simm.s32 $0x0;
	s20 =	sshll.u32 s6, $0x1;
	s6 =	sadd.s32 s21, s4  }
0xa3: {  	[timem:s8], [sflag:s22] =	dma.local [hbm:s6], s20  }
0xa4: {  	_ =	swait.ge [sflag:s22], s20  }
0xa5: {  	s5 =	ssub.s32 $0x0, s20;
	[sflag:s22] =	ssyncset.done $0x0  }
0xa6: {  	[sflag:s22] =	ssyncadd.s32 s5;
	_ =	sdelay $0x1  }
0xa7: {  	s23 =	simm.s32 $0x1B8B  }
0xa8: {  	_ =	swait.ge [sflag:s23], $0x1  }
0xa9: {  	[sflag:s23] =	ssyncset.done $0x0  }
0xaa: {  	s25 =	simm.s32 $0x1B8E;
	s24 =	sld [smem:$0x3FFE];
	[sflag:s23] =	ssyncadd.s32 $0xFFFFFFFF  }
0xab: {  	s26 =	simm.s32 $execute0_lowered;
	[smem:$0x3FD2] =	sst s25  }
0xac: {  	s6 =	sshll.u32 s26, $0x1;
	_ =	strace $0x80000046;
	[dreg:$0x1] =	wrdreg $0xFFFFFFFF  }
0xad: {  	s28 =	simm.s32 $_size_execute0_lowered;
	s4 =	sadd.s32 s4, s6;
	[dreg:$0x0] =	wrdreg $0x0  }
0xae: {  	s6 =	sshll.u32 s28, $0x1;
	[dreg:$0x2] =	wrdreg s4  }
0xaf: {  	[dreg:$0x3] =	wrdreg s6  }
0xb0: {  	[dreg:$0x4] =	wrdreg $0xC0  }
0xb1: {  	_ =	task [dreg:s8], $0x5FFFF  }
0xb2: {  	[dreg:$0x1] =	wrdreg $0xFFFFFFFF  }
0xb3: {  	[dreg:$0x0] =	wrdreg $0x60  }
0xb4: {  	[dreg:$0x2] =	wrdreg s24  }
0xb5: {  	[dreg:$0x3] =	wrdreg s15  }
0xb6: {  	[dreg:$0x4] =	wrdreg s16  }
0xb7: {  	[dreg:$0x5] =	wrdreg $0x9  }
0xb8: {  	_ =	task.clear_ibuf [dreg:s8], $0x6FFFF;
	_ =	strace $0x90000046  }
0xb9: {  	s29 =	simm.s32 $0x9;
	_ =	strace $0x80000048  }
0xba: {  	_ =	swait.ge [sflag:s29], $0x1  }
0xbb: {  	[sflag:s29] =	ssyncadd.s32 $0xFFFFFFFF  }
0xbc: {  	_ =	strace $0x90000048  }
0xbd: {  	_ =	sfence  }
0xbe: {  	s30 =	sld [smem:$0x0];
	_ =	sdelay $0x2  }
0xbf: {  	s31 =	sshll.u32 s1, $0xD;
	s1 =	sshrl.u32 s1, $0x2  }
0xc0: {  	s3 =	sand.u32 $0x4000, s31;
	s1 =	sadd.s32 s1, s30  }
0xc1: {  	s0 =	sor.u32 s3, s0;
	s1 =	sshll.u32 s1, $0x11  }
0xc2: {  	s0 =	sor.u32 s1, s0  }
0xc3: {  	s0 =	sadd.s32 $0x8F2B, s0  }
0xc4: {  	[sflag:s0] =	ssyncadd.remote.s32 $0x1  }
0xc5: {  	_ =	sfence.sel $0xFFFF  }
0xc6: {  	[dreg:$0x0] =	wrdreg $0xFFFFFFFF;
	(pc) =	sbr.abs _section_cstart, $3  }
0xc7: {  	[dreg:$0x1] =	wrdreg $0xFFFFFFFF  }
0xc8: {  	_ =	task.clear_ibuf [dreg:s8], $0x2FFFF;
	_ =	strace $0x9FFFFFFF  }
0xc9: {  	(tm) =	ssettm $0x7FFFFFFF  }
tec
execute0_lowered:
.L_overlay_start_1:
0x0: {  	(tag) =	ssettag $0x1  }
0x1: {  	s0 =	rddreg [dreg:$0x0]  }
0x2: {  	s2 =	rddreg [dreg:$0x1]  }
0x3: {  	s5 =	rddreg [dreg:$0x2]  }
0x4: {  	s3 =	srdreg.scid;
	s1 =	stileid.u32;
	s9 =	simm.s32 $0x10000  }
0x5: {  	s10 =	simm.s32 $0x80;
	s11 =	simm.s32 $0x13400;
	s12 =	simm.s32 $0x100  }
0x6: {  	s13 =	simm.s32 $0x16800;
	s14 =	simm.s32 $0x180;
	s15 =	simm.s32 $0x19C00  }
0x7: {  	s16 =	simm.s32 $0x1;
	s17 =	simm.s32 $0x2;
	s18 =	simm.s32 $0x3  }
0x8: {  	s19 =	simm.s32 $0x4;
	s20 =	simm.s32 $0x1D000;
	s21 =	simm.s32 $0x0  }
0x9: {  	s4 =	sand.u32 $0x1, s3;
	s3 =	simm.s32 $0x0;
	s6 =	sshll.u32 s1, $0xA  }
0xa: {  	s7 =	sshll.u32 s4, $0x9;
	[smem:$0x7FF] =	sst s3;
	s4 =	ssub.s32 $0x2, s4  }
0xb: {  	s6 =	sor.u32 s7, s6;
	_ =	strace $0x80000047;
	s8 =	sshrl.u32 s4, $0x1  }
0xc: {  	s7 =	sshll.u32 s6, $0x4;
	s31 =	ssub.s32 s4, s8;
	s6 =	sshll.u32 s6, $0x5  }
0xd: {  	s8 =	simm.s32 $0x64;
	s0 =	sadd.s32 s7, s0;
	s5 =	sadd.s32 s5, s6  }
0xe: {  	s6 =	smax.u32 s31, $0x1;
	s7 =	simm.s32 $0x5;
	s4 =	sadd.s32 $0x1200, s0  }
.LBB2_1:
0xf: {  	[tilespmem:s3], [sflag:$0x5] =	stream.linear.gather [hbm4b:s4+s3], $0x10000, $0x38;
	[tilespmem:$0x1E000] =	vst v63  }
0x10: {  	_ =	swait.ge [sflag:s7], $0x10000  }
0x11: {  	[sflag:s7] =	ssyncset.done $0x0  }
0x12: {  	[sflag:s7] =	ssyncadd.s32 $0xFFFF0000  }
0x13: {  	[tilespmem:s9], [sflag:$0x1] =	stream.indirect.gather [hbm4b:s2+s8], $0x80, s3, s8, $0xb8;
	[tilespmem:$0x1E000] =	vst v63  }
0x14: {  	_ = 	snop  }
0x15: {  	[tilespmem:s11], [sflag:$0x2] =	stream.indirect.gather [hbm4b:s2+s8], $0x80, s10, s8, $0xb8;
	[tilespmem:$0x1E000] =	vst v63  }
0x16: {  	_ = 	snop  }
0x17: {  	[tilespmem:s13], [sflag:$0x3] =	stream.indirect.gather [hbm4b:s2+s8], $0x80, s12, s8, $0xb8;
	[tilespmem:$0x1E000] =	vst v63  }
0x18: {  	s25 =	simm.s32 $0x0  }
0x19: {  	[tilespmem:s15], [sflag:$0x4] =	stream.indirect.gather [hbm4b:s2+s8], $0x80, s14, s8, $0xb8;
	[tilespmem:$0x1E000] =	vst v63  }
.LBB2_2:
0x1a: {  	_ =	swait.ge [sflag:s16], $0x3200  }
0x1b: {  	[sflag:s16] =	ssyncset.done $0x0  }
0x1c: {  	s28 =	simm.s32 $0x0;
	[sflag:s16] =	ssyncadd.s32 $0xFFFFCE00  }
0x1d: {  	v4 =	vld [tilespmem:s28+$0x10080]  }
0x1e: {  	v5 =	vld [tilespmem:s28+$0x10090]  }
0x1f: {  	v2 =	vld [tilespmem:s28+$0x100A0]  }
0x20: {  	v3 =	vld [tilespmem:s28+$0x100B0]  }
0x21: {  	v0 =	vld [tilespmem:s28+$0x100C0]  }
0x22: {  	v1 =	vld [tilespmem:s28+$0x100D0]  }
0x23: {  	v19 =	vld [tilespmem:s28+$0x10000]  }
0x24: {  	v20 =	vld [tilespmem:s28+$0x10010]  }
0x25: {  	v18 =	vld [tilespmem:s28+$0x10020]  }
0x26: {  	v17 =	vld [tilespmem:s28+$0x10030]  }
0x27: {  	v11 =	vimm.f32 $0.0e+00;
	v12 =	vimm.f32 $0.0e+00;
	v14 =	vld [tilespmem:s28+$0x10040]  }
0x28: {  	v13 =	vimm.f32 $0.0e+00;
	v10 =	vimm.f32 $0.0e+00;
	v7 =	vimm.f32 $0.0e+00;
	v15 =	vld [tilespmem:s28+$0x10050]  }
0x29: {  	s22 =	smov.u32 s25;
	s23 =	simm.s32 $0x400;
	v9 =	vimm.f32 $0.0e+00;
	v8 =	vimm.f32 $0.0e+00;
	v6 =	vimm.f32 $0.0e+00;
	v16 =	vld [tilespmem:s28+$0x10060]  }
.LBB2_3:
0x2a: {  	p0 =	sne.s32 s23, $0x6000;
	v11 =	vadd.f32 v19, v11;
	v12 =	vadd.f32 v20, v12;
	v19 =	vld [tilespmem:s28+$0x10070]  }
0x2b: {  	v13 =	vadd.f32 v18, v13;
	v10 =	vadd.f32 v17, v10;
	v17 =	vld [tilespmem:s28+$0x100E0]  }
0x2c: {  	v11 =	vadd.f32 v4, v11;
	v12 =	vadd.f32 v5, v12;
	v18 =	vld [tilespmem:s28+$0x100F0];
	s28 =	sshra.s32 s23, $0x2  }
0x2d: {  	v13 =	vadd.f32 v2, v13;
	v4 =	vld [tilespmem:s28+$0x10080];
	v10 =	vadd.f32 v3, v10  }
0x2e: {  	v7 =	vadd.f32 v14, v7;
	v9 =	vadd.f32 v15, v9;
	v5 =	vld [tilespmem:s28+$0x10090]  }
0x2f: {  	v8 =	vadd.f32 v16, v8;
	v2 =	vld [tilespmem:s28+$0x100A0];
	v6 =	vadd.f32 v19, v6  }
0x30: {  	v7 =	vadd.f32 v0, v7;
	v9 =	vadd.f32 v1, v9;
	v3 =	vld [tilespmem:s28+$0x100B0]  }
0x31: {  	v8 =	vadd.f32 v17, v8;
	v0 =	vld [tilespmem:s28+$0x100C0];
	v6 =	vadd.f32 v18, v6  }
0x32: {  	v1 =	vld [tilespmem:s28+$0x100D0]  }
0x33: {  	v19 =	vld [tilespmem:s28+$0x10000]  }
0x34: {  	v20 =	vld [tilespmem:s28+$0x10010]  }
.Ltmp0:
0x35: {  	v18 =	vld [tilespmem:s28+$0x10020];
	(pc) =	sbr.rel @p0 .LBB2_3-.Ltmp0, $4  }
0x36: {  	v17 =	vld [tilespmem:s28+$0x10030]  }
0x37: {  	v14 =	vld [tilespmem:s28+$0x10040]  }
0x38: {  	v15 =	vld [tilespmem:s28+$0x10050]  }
0x39: {  	s23 =	sadd.s32 $0x400, s23;
	v16 =	vld [tilespmem:s28+$0x10060]  }
0x3a: {  	s23 =	sand.u32 $0x3, s22  }
0x3b: {  	v11 =	vadd.f32 v19, v11;
	s24 =	sshll.u32 s23, $0xA  }
0x3c: {  	v12 =	vadd.f32 v20, v12;
	s25 =	sshll.u32 s23, $0x9;
	s0 =	sand.u32 $0x800, s24  }
0x3d: {  	v19 =	vld [tilespmem:s28+$0x10070];
	v13 =	vadd.f32 v18, v13;
	v4 =	vadd.f32 v4, v11;
	s29 =	sand.u32 $0x200, s25;
	s26 =	sor.u32 $0x1D000, s0  }
0x3e: {  	v18 =	vld [tilespmem:s28+$0x100E0];
	v10 =	vadd.f32 v17, v10;
	v5 =	vadd.f32 v5, v12;
	s0 =	sor.u32 s29, s26  }
0x3f: {  	v11 =	vld [tilespmem:s28+$0x100F0];
	v2 =	vadd.f32 v2, v13;
	v7 =	vadd.f32 v14, v7;
	[tilespmem:s0+$0x0] =	vst v4  }
0x40: {  	v3 =	vadd.f32 v3, v10;
	v4 =	vadd.f32 v15, v9;
	[tilespmem:s0+$0x10] =	vst v5  }
0x41: {  	v0 =	vadd.f32 v0, v7;
	v5 =	vadd.f32 v16, v8;
	[tilespmem:s0+$0x20] =	vst v2  }
0x42: {  	v2 =	vadd.f32 v19, v6;
	[tilespmem:s0+$0x30] =	vst v3;
	v1 =	vadd.f32 v1, v4  }
0x43: {  	[tilespmem:s0+$0x40] =	vst v0;
	v3 =	vadd.f32 v18, v5  }
0x44: {  	v0 =	vadd.f32 v11, v2;
	[tilespmem:s0+$0x50] =	vst v1  }
0x45: {  	[tilespmem:s0+$0x60] =	vst v3  }
0x46: {  	s28 =	simm.s32 $0x0;
	[tilespmem:s0+$0x70] =	vst v0  }
0x47: {  	v4 =	vld [tilespmem:s28+$0x11980]  }
0x48: {  	v5 =	vld [tilespmem:s28+$0x11990]  }
0x49: {  	v2 =	vld [tilespmem:s28+$0x119A0]  }
0x4a: {  	v3 =	vld [tilespmem:s28+$0x119B0]  }
0x4b: {  	v0 =	vld [tilespmem:s28+$0x119C0]  }
0x4c: {  	v1 =	vld [tilespmem:s28+$0x119D0]  }
0x4d: {  	v19 =	vld [tilespmem:s28+$0x11900]  }
0x4e: {  	v20 =	vld [tilespmem:s28+$0x11910]  }
0x4f: {  	v18 =	vld [tilespmem:s28+$0x11920]  }
0x50: {  	v17 =	vld [tilespmem:s28+$0x11930]  }
0x51: {  	v12 =	vimm.f32 $0.0e+00;
	v13 =	vimm.f32 $0.0e+00;
	v16 =	vld [tilespmem:s28+$0x11940]  }
0x52: {  	v10 =	vimm.f32 $0.0e+00;
	v7 =	vimm.f32 $0.0e+00;
	v9 =	vimm.f32 $0.0e+00;
	v14 =	vld [tilespmem:s28+$0x11950]  }
0x53: {  	s29 =	simm.s32 $0x400;
	v8 =	vimm.f32 $0.0e+00;
	v6 =	vimm.f32 $0.0e+00;
	v11 =	vimm.f32 $0.0e+00;
	v15 =	vld [tilespmem:s28+$0x11960]  }
.LBB2_5:
0x54: {  	p0 =	sne.s32 s29, $0x6000;
	v10 =	vadd.f32 v19, v10;
	v12 =	vadd.f32 v20, v12;
	v19 =	vld [tilespmem:s28+$0x11970]  }
0x55: {  	v13 =	vadd.f32 v18, v13;
	v11 =	vadd.f32 v17, v11;
	v17 =	vld [tilespmem:s28+$0x119E0]  }
0x56: {  	v10 =	vadd.f32 v4, v10;
	v12 =	vadd.f32 v5, v12;
	v18 =	vld [tilespmem:s28+$0x119F0];
	s28 =	sshra.s32 s29, $0x2  }
0x57: {  	v13 =	vadd.f32 v2, v13;
	v4 =	vld [tilespmem:s28+$0x11980];
	v11 =	vadd.f32 v3, v11  }
0x58: {  	v9 =	vadd.f32 v16, v9;
	v8 =	vadd.f32 v14, v8;
	v5 =	vld [tilespmem:s28+$0x11990]  }
0x59: {  	v7 =	vadd.f32 v15, v7;
	v2 =	vld [tilespmem:s28+$0x119A0];
	v6 =	vadd.f32 v19, v6  }
0x5a: {  	v9 =	vadd.f32 v0, v9;
	v8 =	vadd.f32 v1, v8;
	v3 =	vld [tilespmem:s28+$0x119B0]  }
0x5b: {  	v7 =	vadd.f32 v17, v7;
	v0 =	vld [tilespmem:s28+$0x119C0];
	v6 =	vadd.f32 v18, v6  }
0x5c: {  	v1 =	vld [tilespmem:s28+$0x119D0]  }
0x5d: {  	v19 =	vld [tilespmem:s28+$0x11900]  }
0x5e: {  	v20 =	vld [tilespmem:s28+$0x11910]  }
.Ltmp1:
0x5f: {  	v18 =	vld [tilespmem:s28+$0x11920];
	(pc) =	sbr.rel @p0 .LBB2_5-.Ltmp1, $4  }
0x60: {  	v17 =	vld [tilespmem:s28+$0x11930]  }
0x61: {  	v16 =	vld [tilespmem:s28+$0x11940]  }
0x62: {  	v14 =	vld [tilespmem:s28+$0x11950]  }
0x63: {  	s29 =	sadd.s32 $0x400, s29;
	v15 =	vld [tilespmem:s28+$0x11960]  }
0x64: {  	v10 =	vadd.f32 v19, v10  }
0x65: {  	v12 =	vadd.f32 v20, v12  }
0x66: {  	v19 =	vld [tilespmem:s28+$0x11970];
	v13 =	vadd.f32 v18, v13;
	s0 =	sor.u32 s25, s24;
	v4 =	vadd.f32 v4, v10  }
0x67: {  	v18 =	vld [tilespmem:s28+$0x119E0];
	s25 =	sor.u32 $0x1D400, s0;
	v10 =	vadd.f32 v17, v11;
	v5 =	vadd.f32 v5, v12  }
0x68: {  	v11 =	vld [tilespmem:s28+$0x119F0];
	v2 =	vadd.f32 v2, v13;
	v9 =	vadd.f32 v16, v9;
	[tilespmem:s25+$0x0] =	vst v4;
	s25 =	sor.u32 $0x1D410, s0  }
0x69: {  	v3 =	vadd.f32 v3, v10;
	v4 =	vadd.f32 v14, v8;
	[tilespmem:s25+$0x0] =	vst v5;
	s25 =	sor.u32 $0x1D420, s0  }
0x6a: {  	v0 =	vadd.f32 v0, v9;
	v5 =	vadd.f32 v15, v7;
	[tilespmem:s25+$0x0] =	vst v2;
	s25 =	sor.u32 $0x1D430, s0  }
0x6b: {  	v2 =	vadd.f32 v19, v6;
	v1 =	vadd.f32 v1, v4;
	[tilespmem:s25+$0x0] =	vst v3;
	s25 =	sor.u32 $0x1D440, s0  }
0x6c: {  	p0 =	seq.s32 s22, $0x7F;
	v3 =	vadd.f32 v18, v5;
	[tilespmem:s25+$0x0] =	vst v0;
	s25 =	sor.u32 $0x1D450, s0  }
0x6d: {  	s28 =	sshll.u32 @!p0 s22, $0x9;
	v0 =	vadd.f32 v11, v2;
	[tilespmem:s25+$0x0] =	vst v1;
	s25 =	sor.u32 $0x1D460, s0  }
0x6e: {  	s28 =	sand.u32 @!p0 $0x3FFFFE00, s28;
	s0 =	sor.u32 $0x1D470, s0;
	[tilespmem:s25+$0x0] =	vst v3  }
0x6f: {  	s29 =	simm.s32 @!p0 $0x10000;
	s25 =	simm.s32 @!p0 $0x64;
	[tilespmem:s0+$0x0] =	vst v0;
	s0 =	sadd.s32 @!p0 $0x200, s28  }
0x70: {  	[tilespmem:s29], [sflag:$0x1] =	stream.indirect.gather @!p0 [hbm4b:s2+s25], $0x80, s0, s25, $0xb8;
	[tilespmem:$0x1E000] =	vst v63  }
0x71: {  	_ =	swait.ge [sflag:s17], $0x3200  }
0x72: {  	[sflag:s17] =	ssyncset.done $0x0  }
0x73: {  	s31 =	simm.s32 $0x0;
	[sflag:s17] =	ssyncadd.s32 $0xFFFFCE00  }
0x74: {  	v4 =	vld [tilespmem:s31+$0x13480]  }
0x75: {  	v5 =	vld [tilespmem:s31+$0x13490]  }
0x76: {  	v2 =	vld [tilespmem:s31+$0x134A0]  }
0x77: {  	v3 =	vld [tilespmem:s31+$0x134B0]  }
0x78: {  	v0 =	vld [tilespmem:s31+$0x134C0]  }
0x79: {  	v1 =	vld [tilespmem:s31+$0x134D0]  }
0x7a: {  	v19 =	vld [tilespmem:s31+$0x13400]  }
0x7b: {  	v20 =	vld [tilespmem:s31+$0x13410]  }
0x7c: {  	v18 =	vld [tilespmem:s31+$0x13420]  }
0x7d: {  	v17 =	vld [tilespmem:s31+$0x13430]  }
0x7e: {  	v12 =	vimm.f32 $0.0e+00;
	v13 =	vimm.f32 $0.0e+00;
	v14 =	vld [tilespmem:s31+$0x13440]  }
0x7f: {  	v10 =	vimm.f32 $0.0e+00;
	v9 =	vimm.f32 $0.0e+00;
	v8 =	vimm.f32 $0.0e+00;
	v15 =	vld [tilespmem:s31+$0x13450]  }
0x80: {  	s30 =	simm.s32 $0x400;
	v7 =	vimm.f32 $0.0e+00;
	v6 =	vimm.f32 $0.0e+00;
	v11 =	vimm.f32 $0.0e+00;
	s29 =	sshll.u32 s22, $0x9;
	s25 =	sadd.s32 $0x1, s22;
	v16 =	vld [tilespmem:s31+$0x13460]  }
.LBB2_7:
0x81: {  	p1 =	sne.s32 s30, $0x6000;
	v11 =	vadd.f32 v19, v11;
	v12 =	vadd.f32 v20, v12;
	v19 =	vld [tilespmem:s31+$0x13470]  }
0x82: {  	v13 =	vadd.f32 v18, v13;
	v10 =	vadd.f32 v17, v10;
	v17 =	vld [tilespmem:s31+$0x134E0]  }
0x83: {  	v11 =	vadd.f32 v4, v11;
	v12 =	vadd.f32 v5, v12;
	v18 =	vld [tilespmem:s31+$0x134F0];
	s31 =	sshra.s32 s30, $0x2  }
0x84: {  	v13 =	vadd.f32 v2, v13;
	v4 =	vld [tilespmem:s31+$0x13480];
	v10 =	vadd.f32 v3, v10  }
0x85: {  	v7 =	vadd.f32 v14, v7;
	v9 =	vadd.f32 v15, v9;
	v5 =	vld [tilespmem:s31+$0x13490]  }
0x86: {  	v8 =	vadd.f32 v16, v8;
	v2 =	vld [tilespmem:s31+$0x134A0];
	v6 =	vadd.f32 v19, v6  }
0x87: {  	v7 =	vadd.f32 v0, v7;
	v9 =	vadd.f32 v1, v9;
	v3 =	vld [tilespmem:s31+$0x134B0]  }
0x88: {  	v8 =	vadd.f32 v17, v8;
	v0 =	vld [tilespmem:s31+$0x134C0];
	v6 =	vadd.f32 v18, v6  }
0x89: {  	v1 =	vld [tilespmem:s31+$0x134D0]  }
0x8a: {  	v19 =	vld [tilespmem:s31+$0x13400]  }
0x8b: {  	v20 =	vld [tilespmem:s31+$0x13410]  }
.Ltmp2:
0x8c: {  	v18 =	vld [tilespmem:s31+$0x13420];
	(pc) =	sbr.rel @p1 .LBB2_7-.Ltmp2, $4  }
0x8d: {  	v17 =	vld [tilespmem:s31+$0x13430]  }
0x8e: {  	v14 =	vld [tilespmem:s31+$0x13440]  }
0x8f: {  	v15 =	vld [tilespmem:s31+$0x13450]  }
0x90: {  	s30 =	sadd.s32 $0x400, s30;
	v16 =	vld [tilespmem:s31+$0x13460]  }
0x91: {  	v11 =	vadd.f32 v19, v11  }
0x92: {  	v12 =	vadd.f32 v20, v12;
	s29 =	sand.u32 $0x200, s29  }
0x93: {  	v19 =	vld [tilespmem:s31+$0x13470];
	v13 =	vadd.f32 v18, v13;
	s30 =	sor.u32 $0x80, s29;
	v4 =	vadd.f32 v4, v11  }
0x94: {  	v18 =	vld [tilespmem:s31+$0x134E0];
	v10 =	vadd.f32 v17, v10;
	v5 =	vadd.f32 v5, v12;
	s0 =	sadd.s32 s30, s26  }
0x95: {  	v11 =	vld [tilespmem:s31+$0x134F0];
	v2 =	vadd.f32 v2, v13;
	v7 =	vadd.f32 v14, v7;
	[tilespmem:s0+$0x0] =	vst v4  }
0x96: {  	v3 =	vadd.f32 v3, v10;
	v4 =	vadd.f32 v15, v9;
	[tilespmem:s0+$0x10] =	vst v5  }
0x97: {  	v5 =	vadd.f32 v16, v8;
	v0 =	vadd.f32 v0, v7;
	[tilespmem:s0+$0x20] =	vst v2  }
0x98: {  	v2 =	vadd.f32 v19, v6;
	[tilespmem:s0+$0x30] =	vst v3;
	v1 =	vadd.f32 v1, v4  }
0x99: {  	v3 =	vadd.f32 v18, v5;
	[tilespmem:s0+$0x40] =	vst v0  }
0x9a: {  	v0 =	vadd.f32 v11, v2;
	[tilespmem:s0+$0x50] =	vst v1  }
0x9b: {  	[tilespmem:s0+$0x60] =	vst v3  }
0x9c: {  	s31 =	simm.s32 $0x0;
	[tilespmem:s0+$0x70] =	vst v0  }
0x9d: {  	v4 =	vld [tilespmem:s31+$0x14D80]  }
0x9e: {  	v5 =	vld [tilespmem:s31+$0x14D90]  }
0x9f: {  	v2 =	vld [tilespmem:s31+$0x14DA0]  }
0xa0: {  	v3 =	vld [tilespmem:s31+$0x14DB0]  }
0xa1: {  	v0 =	vld [tilespmem:s31+$0x14DC0]  }
0xa2: {  	v1 =	vld [tilespmem:s31+$0x14DD0]  }
0xa3: {  	v19 =	vld [tilespmem:s31+$0x14D00]  }
0xa4: {  	v20 =	vld [tilespmem:s31+$0x14D10]  }
0xa5: {  	v18 =	vld [tilespmem:s31+$0x14D20]  }
0xa6: {  	v17 =	vld [tilespmem:s31+$0x14D30]  }
0xa7: {  	v12 =	vimm.f32 $0.0e+00;
	v13 =	vimm.f32 $0.0e+00;
	v16 =	vld [tilespmem:s31+$0x14D40]  }
0xa8: {  	v10 =	vimm.f32 $0.0e+00;
	v9 =	vimm.f32 $0.0e+00;
	v8 =	vimm.f32 $0.0e+00;
	v14 =	vld [tilespmem:s31+$0x14D50]  }
0xa9: {  	v7 =	vimm.f32 $0.0e+00;
	v6 =	vimm.f32 $0.0e+00;
	v11 =	vimm.f32 $0.0e+00;
	s0 =	simm.s32 $0x400;
	v15 =	vld [tilespmem:s31+$0x14D60]  }
.LBB2_9:
0xaa: {  	p1 =	sne.s32 s0, $0x6000;
	v10 =	vadd.f32 v19, v10;
	v12 =	vadd.f32 v20, v12;
	v19 =	vld [tilespmem:s31+$0x14D70]  }
0xab: {  	v13 =	vadd.f32 v18, v13;
	v11 =	vadd.f32 v17, v11;
	v17 =	vld [tilespmem:s31+$0x14DE0]  }
0xac: {  	v10 =	vadd.f32 v4, v10;
	v12 =	vadd.f32 v5, v12;
	v18 =	vld [tilespmem:s31+$0x14DF0];
	s31 =	sshra.s32 s0, $0x2  }
0xad: {  	v13 =	vadd.f32 v2, v13;
	v4 =	vld [tilespmem:s31+$0x14D80];
	v11 =	vadd.f32 v3, v11  }
0xae: {  	v9 =	vadd.f32 v16, v9;
	v8 =	vadd.f32 v14, v8;
	v5 =	vld [tilespmem:s31+$0x14D90]  }
0xaf: {  	v7 =	vadd.f32 v15, v7;
	v2 =	vld [tilespmem:s31+$0x14DA0];
	v6 =	vadd.f32 v19, v6  }
0xb0: {  	v9 =	vadd.f32 v0, v9;
	v8 =	vadd.f32 v1, v8;
	v3 =	vld [tilespmem:s31+$0x14DB0]  }
0xb1: {  	v7 =	vadd.f32 v17, v7;
	v0 =	vld [tilespmem:s31+$0x14DC0];
	v6 =	vadd.f32 v18, v6  }
0xb2: {  	v1 =	vld [tilespmem:s31+$0x14DD0]  }
0xb3: {  	v19 =	vld [tilespmem:s31+$0x14D00]  }
0xb4: {  	v20 =	vld [tilespmem:s31+$0x14D10]  }
.Ltmp3:
0xb5: {  	v18 =	vld [tilespmem:s31+$0x14D20];
	(pc) =	sbr.rel @p1 .LBB2_9-.Ltmp3, $4  }
0xb6: {  	v17 =	vld [tilespmem:s31+$0x14D30]  }
0xb7: {  	v16 =	vld [tilespmem:s31+$0x14D40]  }
0xb8: {  	v14 =	vld [tilespmem:s31+$0x14D50]  }
0xb9: {  	s0 =	sadd.s32 $0x400, s0;
	v15 =	vld [tilespmem:s31+$0x14D60]  }
0xba: {  	v10 =	vadd.f32 v19, v10  }
0xbb: {  	v12 =	vadd.f32 v20, v12  }
0xbc: {  	v19 =	vld [tilespmem:s31+$0x14D70];
	v13 =	vadd.f32 v18, v13;
	s0 =	sor.u32 s24, s30;
	v4 =	vadd.f32 v4, v10  }
0xbd: {  	v18 =	vld [tilespmem:s31+$0x14DE0];
	s30 =	sor.u32 $0x1D400, s0;
	v10 =	vadd.f32 v17, v11;
	v5 =	vadd.f32 v5, v12  }
0xbe: {  	v11 =	vld [tilespmem:s31+$0x14DF0];
	v2 =	vadd.f32 v2, v13;
	v9 =	vadd.f32 v16, v9;
	[tilespmem:s30+$0x0] =	vst v4;
	s30 =	sor.u32 $0x1D410, s0  }
0xbf: {  	v3 =	vadd.f32 v3, v10;
	v4 =	vadd.f32 v14, v8;
	[tilespmem:s30+$0x0] =	vst v5;
	s30 =	sor.u32 $0x1D420, s0  }
0xc0: {  	v0 =	vadd.f32 v0, v9;
	v5 =	vadd.f32 v15, v7;
	[tilespmem:s30+$0x0] =	vst v2;
	s30 =	sor.u32 $0x1D430, s0  }
0xc1: {  	v2 =	vadd.f32 v19, v6;
	v1 =	vadd.f32 v1, v4;
	[tilespmem:s30+$0x0] =	vst v3;
	s30 =	sor.u32 $0x1D440, s0  }
0xc2: {  	v3 =	vadd.f32 v18, v5;
	[tilespmem:s30+$0x0] =	vst v0;
	s30 =	sor.u32 $0x1D450, s0  }
0xc3: {  	v0 =	vadd.f32 v11, v2;
	[tilespmem:s30+$0x0] =	vst v1;
	s30 =	sor.u32 $0x1D460, s0  }
0xc4: {  	s0 =	sor.u32 $0x1D470, s0;
	[tilespmem:s30+$0x0] =	vst v3  }
0xc5: {  	s31 =	simm.s32 @!p0 $0x13400;
	s30 =	simm.s32 @!p0 $0x64;
	[tilespmem:s0+$0x0] =	vst v0;
	s0 =	sadd.s32 @!p0 $0x280, s28  }
0xc6: {  	[tilespmem:s31], [sflag:$0x2] =	stream.indirect.gather @!p0 [hbm4b:s2+s30], $0x80, s0, s30, $0xb8;
	[tilespmem:$0x1E000] =	vst v63  }
0xc7: {  	_ =	swait.ge [sflag:s18], $0x3200  }
0xc8: {  	[sflag:s18] =	ssyncset.done $0x0  }
0xc9: {  	s31 =	simm.s32 $0x0;
	[sflag:s18] =	ssyncadd.s32 $0xFFFFCE00  }
0xca: {  	v4 =	vld [tilespmem:s31+$0x16880]  }
0xcb: {  	v5 =	vld [tilespmem:s31+$0x16890]  }
0xcc: {  	v2 =	vld [tilespmem:s31+$0x168A0]  }
0xcd: {  	v3 =	vld [tilespmem:s31+$0x168B0]  }
0xce: {  	v0 =	vld [tilespmem:s31+$0x168C0]  }
0xcf: {  	v1 =	vld [tilespmem:s31+$0x168D0]  }
0xd0: {  	v19 =	vld [tilespmem:s31+$0x16800]  }
0xd1: {  	v20 =	vld [tilespmem:s31+$0x16810]  }
0xd2: {  	v18 =	vld [tilespmem:s31+$0x16820]  }
0xd3: {  	v17 =	vld [tilespmem:s31+$0x16830]  }
0xd4: {  	v12 =	vimm.f32 $0.0e+00;
	v13 =	vimm.f32 $0.0e+00;
	v14 =	vld [tilespmem:s31+$0x16840]  }
0xd5: {  	v10 =	vimm.f32 $0.0e+00;
	v8 =	vimm.f32 $0.0e+00;
	v9 =	vimm.f32 $0.0e+00;
	v15 =	vld [tilespmem:s31+$0x16850]  }
0xd6: {  	v7 =	vimm.f32 $0.0e+00;
	v6 =	vimm.f32 $0.0e+00;
	v11 =	vimm.f32 $0.0e+00;
	s0 =	simm.s32 $0x400;
	v16 =	vld [tilespmem:s31+$0x16860]  }
.LBB2_11:
0xd7: {  	p1 =	sne.s32 s0, $0x6000;
	v10 =	vadd.f32 v19, v10;
	v12 =	vadd.f32 v20, v12;
	v19 =	vld [tilespmem:s31+$0x16870]  }
0xd8: {  	v13 =	vadd.f32 v18, v13;
	v11 =	vadd.f32 v17, v11;
	v17 =	vld [tilespmem:s31+$0x168E0]  }
0xd9: {  	v10 =	vadd.f32 v4, v10;
	v12 =	vadd.f32 v5, v12;
	v18 =	vld [tilespmem:s31+$0x168F0];
	s31 =	sshra.s32 s0, $0x2  }
0xda: {  	v13 =	vadd.f32 v2, v13;
	v4 =	vld [tilespmem:s31+$0x16880];
	v11 =	vadd.f32 v3, v11  }
0xdb: {  	v8 =	vadd.f32 v14, v8;
	v9 =	vadd.f32 v15, v9;
	v5 =	vld [tilespmem:s31+$0x16890]  }
0xdc: {  	v7 =	vadd.f32 v16, v7;
	v2 =	vld [tilespmem:s31+$0x168A0];
	v6 =	vadd.f32 v19, v6  }
0xdd: {  	v8 =	vadd.f32 v0, v8;
	v9 =	vadd.f32 v1, v9;
	v3 =	vld [tilespmem:s31+$0x168B0]  }
0xde: {  	v7 =	vadd.f32 v17, v7;
	v0 =	vld [tilespmem:s31+$0x168C0];
	v6 =	vadd.f32 v18, v6  }
0xdf: {  	v1 =	vld [tilespmem:s31+$0x168D0]  }
0xe0: {  	v19 =	vld [tilespmem:s31+$0x16800]  }
0xe1: {  	v20 =	vld [tilespmem:s31+$0x16810]  }
.Ltmp4:
0xe2: {  	v18 =	vld [tilespmem:s31+$0x16820];
	(pc) =	sbr.rel @p1 .LBB2_11-.Ltmp4, $4  }
0xe3: {  	v17 =	vld [tilespmem:s31+$0x16830]  }
0xe4: {  	v14 =	vld [tilespmem:s31+$0x16840]  }
0xe5: {  	v15 =	vld [tilespmem:s31+$0x16850]  }
0xe6: {  	s0 =	sadd.s32 $0x400, s0;
	v16 =	vld [tilespmem:s31+$0x16860]  }
0xe7: {  	v10 =	vadd.f32 v19, v10  }
0xe8: {  	v12 =	vadd.f32 v20, v12  }
0xe9: {  	v19 =	vld [tilespmem:s31+$0x16870];
	v13 =	vadd.f32 v18, v13;
	s30 =	sor.u32 $0x100, s29;
	v4 =	vadd.f32 v4, v10  }
0xea: {  	v18 =	vld [tilespmem:s31+$0x168E0];
	s0 =	sadd.s32 s30, s26;
	v10 =	vadd.f32 v17, v11;
	v5 =	vadd.f32 v5, v12  }
0xeb: {  	v11 =	vld [tilespmem:s31+$0x168F0];
	v2 =	vadd.f32 v2, v13;
	v8 =	vadd.f32 v14, v8;
	[tilespmem:s0+$0x0] =	vst v4  }
0xec: {  	v3 =	vadd.f32 v3, v10;
	v4 =	vadd.f32 v15, v9;
	[tilespmem:s0+$0x10] =	vst v5  }
0xed: {  	v5 =	vadd.f32 v16, v7;
	v0 =	vadd.f32 v0, v8;
	[tilespmem:s0+$0x20] =	vst v2  }
0xee: {  	v2 =	vadd.f32 v19, v6;
	v1 =	vadd.f32 v1, v4;
	[tilespmem:s0+$0x30] =	vst v3  }
0xef: {  	v3 =	vadd.f32 v18, v5;
	[tilespmem:s0+$0x40] =	vst v0  }
0xf0: {  	v0 =	vadd.f32 v11, v2;
	[tilespmem:s0+$0x50] =	vst v1  }
0xf1: {  	[tilespmem:s0+$0x60] =	vst v3  }
0xf2: {  	s31 =	simm.s32 $0x0;
	[tilespmem:s0+$0x70] =	vst v0  }
0xf3: {  	v4 =	vld [tilespmem:s31+$0x18180]  }
0xf4: {  	v5 =	vld [tilespmem:s31+$0x18190]  }
0xf5: {  	v2 =	vld [tilespmem:s31+$0x181A0]  }
0xf6: {  	v3 =	vld [tilespmem:s31+$0x181B0]  }
0xf7: {  	v0 =	vld [tilespmem:s31+$0x181C0]  }
0xf8: {  	v1 =	vld [tilespmem:s31+$0x181D0]  }
0xf9: {  	v19 =	vld [tilespmem:s31+$0x18100]  }
0xfa: {  	v20 =	vld [tilespmem:s31+$0x18110]  }
0xfb: {  	v18 =	vld [tilespmem:s31+$0x18120]  }
0xfc: {  	v17 =	vld [tilespmem:s31+$0x18130]  }
0xfd: {  	v12 =	vimm.f32 $0.0e+00;
	v13 =	vimm.f32 $0.0e+00;
	v16 =	vld [tilespmem:s31+$0x18140]  }
0xfe: {  	v10 =	vimm.f32 $0.0e+00;
	v9 =	vimm.f32 $0.0e+00;
	v8 =	vimm.f32 $0.0e+00;
	v14 =	vld [tilespmem:s31+$0x18150]  }
0xff: {  	v7 =	vimm.f32 $0.0e+00;
	v6 =	vimm.f32 $0.0e+00;
	v11 =	vimm.f32 $0.0e+00;
	s0 =	simm.s32 $0x400;
	v15 =	vld [tilespmem:s31+$0x18160]  }
.LBB2_13:
0x100: {  	p1 =	sne.s32 s0, $0x6000;
	v10 =	vadd.f32 v19, v10;
	v12 =	vadd.f32 v20, v12;
	v19 =	vld [tilespmem:s31+$0x18170]  }
0x101: {  	v13 =	vadd.f32 v18, v13;
	v11 =	vadd.f32 v17, v11;
	v17 =	vld [tilespmem:s31+$0x181E0]  }
0x102: {  	v10 =	vadd.f32 v4, v10;
	v12 =	vadd.f32 v5, v12;
	v18 =	vld [tilespmem:s31+$0x181F0];
	s31 =	sshra.s32 s0, $0x2  }
0x103: {  	v13 =	vadd.f32 v2, v13;
	v4 =	vld [tilespmem:s31+$0x18180];
	v11 =	vadd.f32 v3, v11  }
0x104: {  	v9 =	vadd.f32 v16, v9;
	v8 =	vadd.f32 v14, v8;
	v5 =	vld [tilespmem:s31+$0x18190]  }
0x105: {  	v7 =	vadd.f32 v15, v7;
	v2 =	vld [tilespmem:s31+$0x181A0];
	v6 =	vadd.f32 v19, v6  }
0x106: {  	v9 =	vadd.f32 v0, v9;
	v8 =	vadd.f32 v1, v8;
	v3 =	vld [tilespmem:s31+$0x181B0]  }
0x107: {  	v7 =	vadd.f32 v17, v7;
	v0 =	vld [tilespmem:s31+$0x181C0];
	v6 =	vadd.f32 v18, v6  }
0x108: {  	v1 =	vld [tilespmem:s31+$0x181D0]  }
0x109: {  	v19 =	vld [tilespmem:s31+$0x18100]  }
0x10a: {  	v20 =	vld [tilespmem:s31+$0x18110]  }
.Ltmp5:
0x10b: {  	v18 =	vld [tilespmem:s31+$0x18120];
	(pc) =	sbr.rel @p1 .LBB2_13-.Ltmp5, $4  }
0x10c: {  	v17 =	vld [tilespmem:s31+$0x18130]  }
0x10d: {  	v16 =	vld [tilespmem:s31+$0x18140]  }
0x10e: {  	v14 =	vld [tilespmem:s31+$0x18150]  }
0x10f: {  	s0 =	sadd.s32 $0x400, s0;
	v15 =	vld [tilespmem:s31+$0x18160]  }
0x110: {  	v10 =	vadd.f32 v19, v10  }
0x111: {  	v12 =	vadd.f32 v20, v12  }
0x112: {  	v19 =	vld [tilespmem:s31+$0x18170];
	v13 =	vadd.f32 v18, v13;
	s0 =	sor.u32 s24, s30;
	v4 =	vadd.f32 v4, v10  }
0x113: {  	v18 =	vld [tilespmem:s31+$0x181E0];
	s30 =	sor.u32 $0x1D400, s0;
	v10 =	vadd.f32 v17, v11;
	v5 =	vadd.f32 v5, v12  }
0x114: {  	v11 =	vld [tilespmem:s31+$0x181F0];
	v2 =	vadd.f32 v2, v13;
	v9 =	vadd.f32 v16, v9;
	[tilespmem:s30+$0x0] =	vst v4;
	s30 =	sor.u32 $0x1D410, s0  }
0x115: {  	v3 =	vadd.f32 v3, v10;
	v4 =	vadd.f32 v14, v8;
	[tilespmem:s30+$0x0] =	vst v5;
	s30 =	sor.u32 $0x1D420, s0  }
0x116: {  	v0 =	vadd.f32 v0, v9;
	v5 =	vadd.f32 v15, v7;
	[tilespmem:s30+$0x0] =	vst v2;
	s30 =	sor.u32 $0x1D430, s0  }
0x117: {  	v2 =	vadd.f32 v19, v6;
	v1 =	vadd.f32 v1, v4;
	[tilespmem:s30+$0x0] =	vst v3;
	s30 =	sor.u32 $0x1D440, s0  }
0x118: {  	v3 =	vadd.f32 v18, v5;
	[tilespmem:s30+$0x0] =	vst v0;
	s30 =	sor.u32 $0x1D450, s0  }
0x119: {  	v0 =	vadd.f32 v11, v2;
	[tilespmem:s30+$0x0] =	vst v1;
	s30 =	sor.u32 $0x1D460, s0  }
0x11a: {  	s0 =	sor.u32 $0x1D470, s0;
	[tilespmem:s30+$0x0] =	vst v3  }
0x11b: {  	s31 =	simm.s32 @!p0 $0x16800;
	s30 =	simm.s32 @!p0 $0x64;
	[tilespmem:s0+$0x0] =	vst v0;
	s0 =	sadd.s32 @!p0 $0x300, s28  }
0x11c: {  	[tilespmem:s31], [sflag:$0x3] =	stream.indirect.gather @!p0 [hbm4b:s2+s30], $0x80, s0, s30, $0xb8;
	[tilespmem:$0x1E000] =	vst v63  }
0x11d: {  	_ =	swait.ge [sflag:s19], $0x3200  }
0x11e: {  	[sflag:s19] =	ssyncset.done $0x0  }
0x11f: {  	s30 =	simm.s32 $0x0;
	[sflag:s19] =	ssyncadd.s32 $0xFFFFCE00  }
0x120: {  	v4 =	vld [tilespmem:s30+$0x19C80]  }
0x121: {  	v5 =	vld [tilespmem:s30+$0x19C90]  }
0x122: {  	v2 =	vld [tilespmem:s30+$0x19CA0]  }
0x123: {  	v3 =	vld [tilespmem:s30+$0x19CB0]  }
0x124: {  	v0 =	vld [tilespmem:s30+$0x19CC0]  }
0x125: {  	v1 =	vld [tilespmem:s30+$0x19CD0]  }
0x126: {  	v19 =	vld [tilespmem:s30+$0x19C00]  }
0x127: {  	v20 =	vld [tilespmem:s30+$0x19C10]  }
0x128: {  	v18 =	vld [tilespmem:s30+$0x19C20]  }
0x129: {  	v17 =	vld [tilespmem:s30+$0x19C30]  }
0x12a: {  	v12 =	vimm.f32 $0.0e+00;
	v13 =	vimm.f32 $0.0e+00;
	v14 =	vld [tilespmem:s30+$0x19C40]  }
0x12b: {  	v10 =	vimm.f32 $0.0e+00;
	v8 =	vimm.f32 $0.0e+00;
	v9 =	vimm.f32 $0.0e+00;
	v15 =	vld [tilespmem:s30+$0x19C50]  }
0x12c: {  	v7 =	vimm.f32 $0.0e+00;
	v6 =	vimm.f32 $0.0e+00;
	v11 =	vimm.f32 $0.0e+00;
	s0 =	simm.s32 $0x400;
	v16 =	vld [tilespmem:s30+$0x19C60]  }
.LBB2_15:
0x12d: {  	p1 =	sne.s32 s0, $0x6000;
	v10 =	vadd.f32 v19, v10;
	v12 =	vadd.f32 v20, v12;
	v19 =	vld [tilespmem:s30+$0x19C70]  }
0x12e: {  	v13 =	vadd.f32 v18, v13;
	v11 =	vadd.f32 v17, v11;
	v17 =	vld [tilespmem:s30+$0x19CE0]  }
0x12f: {  	v10 =	vadd.f32 v4, v10;
	v12 =	vadd.f32 v5, v12;
	v18 =	vld [tilespmem:s30+$0x19CF0];
	s30 =	sshra.s32 s0, $0x2  }
0x130: {  	v13 =	vadd.f32 v2, v13;
	v4 =	vld [tilespmem:s30+$0x19C80];
	v11 =	vadd.f32 v3, v11  }
0x131: {  	v8 =	vadd.f32 v14, v8;
	v9 =	vadd.f32 v15, v9;
	v5 =	vld [tilespmem:s30+$0x19C90]  }
0x132: {  	v7 =	vadd.f32 v16, v7;
	v2 =	vld [tilespmem:s30+$0x19CA0];
	v6 =	vadd.f32 v19, v6  }
0x133: {  	v8 =	vadd.f32 v0, v8;
	v9 =	vadd.f32 v1, v9;
	v3 =	vld [tilespmem:s30+$0x19CB0]  }
0x134: {  	v7 =	vadd.f32 v17, v7;
	v0 =	vld [tilespmem:s30+$0x19CC0];
	v6 =	vadd.f32 v18, v6  }
0x135: {  	v1 =	vld [tilespmem:s30+$0x19CD0]  }
0x136: {  	v19 =	vld [tilespmem:s30+$0x19C00]  }
0x137: {  	v20 =	vld [tilespmem:s30+$0x19C10]  }
.Ltmp6:
0x138: {  	v18 =	vld [tilespmem:s30+$0x19C20];
	(pc) =	sbr.rel @p1 .LBB2_15-.Ltmp6, $4  }
0x139: {  	v17 =	vld [tilespmem:s30+$0x19C30]  }
0x13a: {  	v14 =	vld [tilespmem:s30+$0x19C40]  }
0x13b: {  	v15 =	vld [tilespmem:s30+$0x19C50]  }
0x13c: {  	s0 =	sadd.s32 $0x400, s0;
	v16 =	vld [tilespmem:s30+$0x19C60]  }
0x13d: {  	v10 =	vadd.f32 v19, v10  }
0x13e: {  	v12 =	vadd.f32 v20, v12  }
0x13f: {  	v19 =	vld [tilespmem:s30+$0x19C70];
	v13 =	vadd.f32 v18, v13;
	s29 =	sor.u32 $0x180, s29;
	v4 =	vadd.f32 v4, v10  }
0x140: {  	v18 =	vld [tilespmem:s30+$0x19CE0];
	s0 =	sadd.s32 s29, s26;
	v10 =	vadd.f32 v17, v11;
	v5 =	vadd.f32 v5, v12  }
0x141: {  	v11 =	vld [tilespmem:s30+$0x19CF0];
	v2 =	vadd.f32 v2, v13;
	v8 =	vadd.f32 v14, v8;
	[tilespmem:s0+$0x0] =	vst v4  }
0x142: {  	v3 =	vadd.f32 v3, v10;
	v4 =	vadd.f32 v15, v9;
	[tilespmem:s0+$0x10] =	vst v5  }
0x143: {  	v5 =	vadd.f32 v16, v7;
	v0 =	vadd.f32 v0, v8;
	[tilespmem:s0+$0x20] =	vst v2  }
0x144: {  	v2 =	vadd.f32 v19, v6;
	v1 =	vadd.f32 v1, v4;
	[tilespmem:s0+$0x30] =	vst v3  }
0x145: {  	v3 =	vadd.f32 v18, v5;
	[tilespmem:s0+$0x40] =	vst v0  }
0x146: {  	v0 =	vadd.f32 v11, v2;
	[tilespmem:s0+$0x50] =	vst v1  }
0x147: {  	[tilespmem:s0+$0x60] =	vst v3  }
0x148: {  	s26 =	simm.s32 $0x0;
	[tilespmem:s0+$0x70] =	vst v0  }
0x149: {  	v4 =	vld [tilespmem:s26+$0x1B580]  }
0x14a: {  	v5 =	vld [tilespmem:s26+$0x1B590]  }
0x14b: {  	v2 =	vld [tilespmem:s26+$0x1B5A0]  }
0x14c: {  	v3 =	vld [tilespmem:s26+$0x1B5B0]  }
0x14d: {  	v0 =	vld [tilespmem:s26+$0x1B5C0]  }
0x14e: {  	v1 =	vld [tilespmem:s26+$0x1B5D0]  }
0x14f: {  	v19 =	vld [tilespmem:s26+$0x1B500]  }
0x150: {  	v20 =	vld [tilespmem:s26+$0x1B510]  }
0x151: {  	v18 =	vld [tilespmem:s26+$0x1B520]  }
0x152: {  	v17 =	vld [tilespmem:s26+$0x1B530]  }
0x153: {  	v12 =	vimm.f32 $0.0e+00;
	v13 =	vimm.f32 $0.0e+00;
	v16 =	vld [tilespmem:s26+$0x1B540]  }
0x154: {  	v10 =	vimm.f32 $0.0e+00;
	v9 =	vimm.f32 $0.0e+00;
	v8 =	vimm.f32 $0.0e+00;
	v14 =	vld [tilespmem:s26+$0x1B550]  }
0x155: {  	v7 =	vimm.f32 $0.0e+00;
	v6 =	vimm.f32 $0.0e+00;
	v11 =	vimm.f32 $0.0e+00;
	s0 =	simm.s32 $0x400;
	v15 =	vld [tilespmem:s26+$0x1B560]  }
.LBB2_17:
0x156: {  	p1 =	sne.s32 s0, $0x6000;
	v10 =	vadd.f32 v19, v10;
	v12 =	vadd.f32 v20, v12;
	v19 =	vld [tilespmem:s26+$0x1B570]  }
0x157: {  	v13 =	vadd.f32 v18, v13;
	v11 =	vadd.f32 v17, v11;
	v17 =	vld [tilespmem:s26+$0x1B5E0]  }
0x158: {  	v10 =	vadd.f32 v4, v10;
	v12 =	vadd.f32 v5, v12;
	v18 =	vld [tilespmem:s26+$0x1B5F0];
	s26 =	sshra.s32 s0, $0x2  }
0x159: {  	v13 =	vadd.f32 v2, v13;
	v4 =	vld [tilespmem:s26+$0x1B580];
	v11 =	vadd.f32 v3, v11  }
0x15a: {  	v9 =	vadd.f32 v16, v9;
	v8 =	vadd.f32 v14, v8;
	v5 =	vld [tilespmem:s26+$0x1B590]  }
0x15b: {  	v7 =	vadd.f32 v15, v7;
	v2 =	vld [tilespmem:s26+$0x1B5A0];
	v6 =	vadd.f32 v19, v6  }
0x15c: {  	v9 =	vadd.f32 v0, v9;
	v8 =	vadd.f32 v1, v8;
	v3 =	vld [tilespmem:s26+$0x1B5B0]  }
0x15d: {  	v7 =	vadd.f32 v17, v7;
	v0 =	vld [tilespmem:s26+$0x1B5C0];
	v6 =	vadd.f32 v18, v6  }
0x15e: {  	v1 =	vld [tilespmem:s26+$0x1B5D0]  }
0x15f: {  	v19 =	vld [tilespmem:s26+$0x1B500]  }
0x160: {  	v20 =	vld [tilespmem:s26+$0x1B510]  }
.Ltmp7:
0x161: {  	v18 =	vld [tilespmem:s26+$0x1B520];
	(pc) =	sbr.rel @p1 .LBB2_17-.Ltmp7, $4  }
0x162: {  	v17 =	vld [tilespmem:s26+$0x1B530]  }
0x163: {  	v16 =	vld [tilespmem:s26+$0x1B540]  }
0x164: {  	v14 =	vld [tilespmem:s26+$0x1B550]  }
0x165: {  	s0 =	sadd.s32 $0x400, s0;
	v15 =	vld [tilespmem:s26+$0x1B560]  }
0x166: {  	v10 =	vadd.f32 v19, v10  }
0x167: {  	v12 =	vadd.f32 v20, v12  }
0x168: {  	v55 =	vld [tilespmem:s26+$0x1B570];
	v13 =	vadd.f32 v18, v13;
	s0 =	sor.u32 s24, s29;
	v4 =	vadd.f32 v4, v10  }
0x169: {  	v56 =	vld [tilespmem:s26+$0x1B5E0];
	v57 =	vadd.f32 v17, v11;
	s24 =	sor.u32 $0x1D400, s0;
	v5 =	vadd.f32 v5, v12  }
0x16a: {  	v58 =	vld [tilespmem:s26+$0x1B5F0];
	s30 =	sor.u32 $0x1D410, s0;
	v2 =	vadd.f32 v2, v13;
	v9 =	vadd.f32 v16, v9;
	[tilespmem:s24+$0x0] =	vst v4  }
0x16b: {  	s31 =	sor.u32 $0x1D420, s0;
	v3 =	vadd.f32 v3, v57;
	v59 =	vadd.f32 v14, v8;
	[tilespmem:s30+$0x0] =	vst v5  }
0x16c: {  	s26 =	sor.u32 $0x1D430, s0;
	v60 =	vadd.f32 v15, v7;
	v0 =	vadd.f32 v0, v9;
	[tilespmem:s31+$0x0] =	vst v2  }
0x16d: {  	s29 =	sor.u32 $0x1D440, s0;
	v61 =	vadd.f32 v55, v6;
	v1 =	vadd.f32 v1, v59;
	[tilespmem:s26+$0x0] =	vst v3  }
0x16e: {  	s30 =	sor.u32 $0x1D450, s0;
	v62 =	vadd.f32 v56, v60;
	[tilespmem:s29+$0x0] =	vst v0  }
0x16f: {  	s31 =	sor.u32 $0x1D460, s0;
	v63 =	vadd.f32 v58, v61;
	[tilespmem:s30+$0x0] =	vst v1  }
0x170: {  	p1 =	sne.s32 @!p0 s23, $0x3;
	s0 =	sor.u32 $0x1D470, s0;
	[tilespmem:s31+$0x0] =	vst v62  }
0x171: {  	s24 =	simm.s32 @!p0 $0x64;
	s26 =	simm.s32 @!p0 $0x19C00;
	[tilespmem:s0+$0x0] =	vst v63;
	s0 =	sadd.s32 @!p0 $0x380, s28  }
0x172: {  	[tilespmem:s26], [sflag:$0x4] =	stream.indirect.gather @!p0 [hbm4b:s2+s24], $0x80, s0, s24, $0xb8;
	[tilespmem:$0x1E000] =	vst v63  }
0x173: {  	p0 =	por p0, !p1  }
0x174: {  	s0 =	sshll.u32 @p0 s22, $0x7  }
0x175: {  	s0 =	sand.u32 @p0 $0x3E00, s0  }
0x176: {  	s0 =	sadd.s32 @p0 s0, s5  }
0x177: {  	[hbm4b:s0+s3] =	stream.linear.scatter @p0 [tilespmem:s20], [sflag:$0x5], $0x1000, $0x38;
	[tilespmem:$0x1E000] =	vst v63  }
0x178: {  	_ =	swait.ge @p0 [sflag:s7], $0x1000  }
0x179: {  	[sflag:s7] =	ssyncset.done @p0 $0x0  }
0x17a: {  	[sflag:s7] =	ssyncadd.s32 @p0 $0xFFFFF000;
	p0 =	sne.s32 s25, $0x80  }
.Ltmp8:
0x17b: {  	_ = 	snop;
	(pc) =	sbr.rel @p0 .LBB2_2-.Ltmp8, $1  }
0x17c: {  	_ =	sdelay $0x3  }
0x17d: {  	s21 =	sadd.s32 $0x1, s21  }
0x17e: {  	p0 =	sne.s32 s21, s6  }
.Ltmp9:
0x17f: {  	_ = 	snop;
	(pc) =	sbr.rel @p0 .LBB2_1-.Ltmp9, $1  }
0x180: {  	_ =	sdelay $0x3  }
0x181: {  	_ =	sfence.sel $0x180000  }
0x182: {  	[bflag:$0x0] =	sbarrier.arrive $0xFFFF  }
0x183: {  	_ =	strace $0x90000047  }
0x184: {  	[bflag:$0x2] =	sbarrier.arrive $0xFFFF  }
0x185: {  	p0 =	sne.s32 s1, $0x0;
	s0 =	rddreg [dreg:$0x3]  }
0x186: {  	s0 =	sadd.s32 @!p0 $0x100000, s0  }
0x187: {  	[sflag:s0] =	ssyncadd.tile.s32 @!p0 $0x1;
	_ =	shalt  }
.Lfunc_end2:
_tile_overlayer_lowered:
.L_overlay_start_2:
0x188: {  	(tag) =	ssettag $0x2  }
0x189: {  	s0 =	rddreg [dreg:$0x0];
	s2 =	stileid.u32  }
0x18a: {  	s1 =	rddreg [dreg:$0x1];
	p0 =	sne.s32 s2, $0x0  }
0x18b: {  	s3 =	rddreg [dreg:$0x2];
	[bflag:$0x3] =	sbarrier.arrive $0xFFFF;
	s2 =	simm.s32 @!p0 $0x1C05  }
0x18c: {  	[timem:s3], [sflag:s2] =	dma.local @!p0 [hbm:s0], s1  }
0x18d: {  	s0 =	simm.s32 @!p0 $0x5  }
0x18e: {  	_ =	swait.ge @!p0 [sflag:s0], s1  }
0x18f: {  	s1 =	ssub.s32 @!p0 $0x0, s1;
	[sflag:s0] =	ssyncset.done @!p0 $0x0  }
0x190: {  	[sflag:s0] =	ssyncadd.s32 @!p0 s1  }
0x191: {  	[bflag:$0x3] =	sbarrier.arrive $0xFFFF  }
0x192: {  	_ =	shalt  }

</sc_bundles>
